<compile_context>
chip_gen: v7x
topology: tpu7x:2x2x1
jax: 0.10.2.dev20260603
libtpu: 0.0.44.dev20260713+nightly
codegen_flags: <defaults>
</compile_context>

<pallas_src>
import functools

import jax
import jax.numpy as jnp
from jax import lax
from jax.experimental import pallas as pl
from jax.experimental.pallas import tpu as pltpu
from jax.experimental.pallas import tpu_sc as plsc

D = 1024
L = 16
NCH = D // L
EPS = 1e-05
SEQ = 4096
CHUNK = 16


def _rsqrt(v):
    i = plsc.bitcast(v, jnp.int32)
    y = plsc.bitcast(jnp.int32(0x5F3759DF) - (i >> 1), jnp.float32)
    for _ in range(3):
        y = y * (1.5 - 0.5 * v * y * y)
    return y


_GATHER_DNUMS = lax.GatherDimensionNumbers(
    offset_dims=(), collapsed_slice_dims=(0,), start_index_map=(0,))


def _lane_shuffle(v, idx):
    return lax.gather(v, idx[:, None], _GATHER_DNUMS, slice_sizes=(1,),
                      mode=lax.GatherScatterMode.PROMISE_IN_BOUNDS)


def _lane_sum(v):
    lanes = lax.iota(jnp.int32, L)
    for sh in (8, 4, 2, 1):
        v = v + _lane_shuffle(v, lanes ^ sh)
    return v


@functools.lru_cache(maxsize=None)
def _make_sc_kernel(n_rows, c_rows):
    info = plsc.get_sparse_core_info()
    nw = info.num_cores * info.num_subcores
    per_w = n_rows // nw
    n_g = per_w // c_rows
    mesh = plsc.VectorSubcoreMesh(core_axis_name="c", subcore_axis_name="s")

    @functools.partial(
        pl.kernel,
        mesh=mesh,
        out_type=jax.ShapeDtypeStruct((n_rows, D), jnp.float32),
        compiler_params=pltpu.CompilerParams(needs_layout_passes=False),
        scratch_types=[
            pltpu.VMEM((per_w,), jnp.int32),
            pltpu.VMEM((c_rows, D), jnp.float32),
            pltpu.VMEM((c_rows, D), jnp.float32),
            pltpu.VMEM((D,), jnp.float32),
            pltpu.VMEM((D,), jnp.float32),
            pltpu.VMEM((D,), jnp.float32),
            pltpu.SemaphoreType.DMA,
        ],
    )
    def k(ids_hbm, word_hbm, pos_hbm, type_hbm, w_hbm, b_hbm, out_hbm,
          idx_v, word_v, pos_v, type_v, w_v, b_v, sem):
        wid = lax.axis_index("s") * info.num_cores + lax.axis_index("c")
        base = wid * per_w
        s0 = lax.rem(base, SEQ)
        pltpu.sync_copy(ids_hbm.at[pl.ds(base, per_w)], idx_v)
        pltpu.sync_copy(type_hbm, type_v)
        pltpu.sync_copy(w_hbm, w_v)
        pltpu.sync_copy(b_hbm, b_v)

        def g_body(g, carry):
            row0 = g * c_rows
            gat = pltpu.async_copy(
                word_hbm.at[idx_v.at[pl.ds(row0, c_rows)]], word_v, sem)
            pltpu.sync_copy(pos_hbm.at[pl.ds(s0 + row0, c_rows)], pos_v)
            gat.wait()

            def r_body(r, rc):
                vs = jnp.zeros((L,), jnp.float32)
                vq = jnp.zeros((L,), jnp.float32)
                for j in range(NCH):
                    x = (word_v[r, pl.ds(j * L, L)]
                         + pos_v[r, pl.ds(j * L, L)]
                         + type_v[pl.ds(j * L, L)])
                    vs = vs + x
                    vq = vq + x * x
                mean_v = _lane_sum(vs) * (1.0 / D)
                var_v = _lane_sum(vq) * (1.0 / D) - mean_v * mean_v
                rstd_v = _rsqrt(var_v + EPS)
                for j in range(NCH):
                    x = (word_v[r, pl.ds(j * L, L)]
                         + pos_v[r, pl.ds(j * L, L)]
                         + type_v[pl.ds(j * L, L)])
                    y = ((x - mean_v) * rstd_v * w_v[pl.ds(j * L, L)]
                         + b_v[pl.ds(j * L, L)])
                    word_v[r, pl.ds(j * L, L)] = y
                return rc

            lax.fori_loop(0, c_rows, r_body, 0)
            pltpu.sync_copy(word_v, out_hbm.at[pl.ds(base + row0, c_rows)])
            return carry

        lax.fori_loop(0, n_g, g_body, 0)

    return k


def kernel(input_ids, word_table, pos_table, type_table, ln_weight, ln_bias):
    b, s = input_ids.shape
    ids_flat = jnp.reshape(input_ids.astype(jnp.int32), (b * s,))
    type_row = jnp.reshape(type_table, (D,))
    k = _make_sc_kernel(b * s, CHUNK)
    out = k(ids_flat, word_table, pos_table, type_row, ln_weight, ln_bias)
    return jnp.reshape(out, (b, s, D))

# --- scband reference (transcript-rebuilt; emitter-appended) ---
"""Pipeline reference for scband-bge-m3-embedding-240518169187 (READ-ONLY COPY).

The authoritative reference and input builder live on the scoring server;
editing this copy changes nothing except your own understanding.
"""

import jax, jax.numpy as jnp
import numpy as np

WORD_SIZE = 250002
POS_SIZE = 8192
EMBED_DIM = 1024
EPS = 1e-05
BATCH = 4
SEQ = 4096


def setup_inputs(seed: int = 0) -> dict:
    key = jax.random.key(seed)
    k1, k2, k3, k4, k5, k6 = jax.random.split(key, 6)
    input_ids = jax.random.randint(k1, (BATCH, SEQ), 0, WORD_SIZE, dtype=jnp.int64 if jax.config.jax_enable_x64 else jnp.int32)
    word_table = jax.random.normal(k2, (WORD_SIZE, EMBED_DIM), dtype=jnp.float32) * 0.02
    pos_table = jax.random.normal(k3, (POS_SIZE, EMBED_DIM), dtype=jnp.float32) * 0.02
    type_table = jax.random.normal(k4, (1, EMBED_DIM), dtype=jnp.float32) * 0.02
    ln_weight = jnp.ones((EMBED_DIM,), dtype=jnp.float32)
    ln_bias = jnp.zeros((EMBED_DIM,), dtype=jnp.float32)
    return {
        "input_ids": input_ids,
        "word_table": word_table,
        "pos_table": pos_table,
        "type_table": type_table,
        "ln_weight": ln_weight,
        "ln_bias": ln_bias,
    }


def reference(input_ids, word_table, pos_table, type_table, ln_weight, ln_bias):
    # word embedding: gather rows from the large table
    word_embed = jnp.take(word_table, input_ids, axis=0)  # [B, S, D]
    # position embedding: arange over seq_len, broadcast over batch
    seq_len = input_ids.shape[1]
    position_ids = jnp.arange(seq_len)[None, :]  # [1, S]
    position_embed = jnp.take(pos_table, position_ids, axis=0)  # [1, S, D]
    # token_type_ids default: zeros -> row 0 of type table
    token_type_ids = jnp.zeros_like(input_ids)
    token_type_embed = jnp.take(type_table, token_type_ids, axis=0)  # [B, S, D]
    embed = word_embed + position_embed + token_type_embed
    # LayerNorm over last dim with elementwise affine
    mean = jnp.mean(embed, axis=-1, keepdims=True)
    var = jnp.mean(jnp.square(embed - mean), axis=-1, keepdims=True)
    normed = (embed - mean) / jnp.sqrt(var + EPS)
    out = normed * ln_weight + ln_bias
    return out

if __name__ == "__main__":
    import jax
    _d = setup_inputs()
    print(jax.jit(kernel)(*tuple(_d.values())))

</pallas_src>

<mosaic_0001>
#map = affine_map<(d0, d1) -> (0)>
#map1 = affine_map<(d0, d1) -> (0, 0)>
module attributes {stable_mosaic.version = 14 : i64} {
  func.func @k(%arg0: i32, %arg1: i32, %arg2: memref<16384xi32, #tpu.memory_space<hbm>>, %arg3: memref<250002x1024xf32, #tpu.memory_space<hbm>>, %arg4: memref<8192x1024xf32, #tpu.memory_space<hbm>>, %arg5: memref<1024xf32, #tpu.memory_space<hbm>>, %arg6: memref<1024xf32, #tpu.memory_space<hbm>>, %arg7: memref<1024xf32, #tpu.memory_space<hbm>>, %arg8: memref<16384x1024xf32, #tpu.memory_space<hbm>>, %arg9: memref<512xi32, #tpu.memory_space<vmem>>, %arg10: memref<16x1024xf32, #tpu.memory_space<vmem>>, %arg11: memref<16x1024xf32, #tpu.memory_space<vmem>>, %arg12: memref<1024xf32, #tpu.memory_space<vmem>>, %arg13: memref<1024xf32, #tpu.memory_space<vmem>>, %arg14: memref<1024xf32, #tpu.memory_space<vmem>>, %arg15: memref<!tpu.dma_semaphore, #tpu.memory_space<semaphore_mem>>) attributes {dimension_semantics = [#tpu.dimension_semantics<core_parallel>, #tpu.dimension_semantics<subcore_parallel>], iteration_bounds = array<i64: 2, 16>, scalar_prefetch = 0 : i64, scratch_operands = 7 : i64, tpu.core_type = #tpu.core_type<sc_vector_subcore>, window_params = [{transform_indices = #map}, {transform_indices = #map1}, {transform_indices = #map1}, {transform_indices = #map}, {transform_indices = #map}, {transform_indices = #map}, {transform_indices = #map1}]} {
    %mul3A = arith.constant 2 : i32
    %mul3A_0 = arith.muli %arg1, %mul3A : i32
    %add3A = arith.addi %mul3A_0, %arg0 : i32
    %mul3A_1 = arith.constant 512 : i32
    %mul3A_2 = arith.muli %add3A, %mul3A_1 : i32
    %rem3A = arith.constant 4096 : i32
    %rem3A_3 = arith.remsi %mul3A_2, %rem3A : i32
    "tpu.region"() ({
      %run_scoped3A = tpu.sem_alloc : memref<!tpu.dma_semaphore, #tpu.memory_space<semaphore_mem>>
      %dma_start3A = tpu.memref_slice %arg2[%mul3A_2] : memref<16384xi32, #tpu.memory_space<hbm>> -> memref<512xi32, #tpu.memory_space<hbm>>
      %dma_start3A_9 = tpu.memref_slice %arg2[%mul3A_2] : memref<16384xi32, #tpu.memory_space<hbm>> -> memref<512xi32, #tpu.memory_space<hbm>>
      tpu.enqueue_dma source(%dma_start3A_9 : memref<512xi32, #tpu.memory_space<hbm>>) target(%arg9 : memref<512xi32, #tpu.memory_space<vmem>>) target_semaphore(%run_scoped3A : memref<!tpu.dma_semaphore, #tpu.memory_space<semaphore_mem>>)
      %dma_wait3A = tpu.memref_slice %arg2[%mul3A_2] : memref<16384xi32, #tpu.memory_space<hbm>> -> memref<512xi32, #tpu.memory_space<hbm>>
      %dma_wait3A_10 = tpu.memref_slice %arg2[%mul3A_2] : memref<16384xi32, #tpu.memory_space<hbm>> -> memref<512xi32, #tpu.memory_space<hbm>>
      tpu.wait_dma2 semaphore(%run_scoped3A : memref<!tpu.dma_semaphore, #tpu.memory_space<semaphore_mem>>) src(%dma_wait3A_10 : memref<512xi32, #tpu.memory_space<hbm>>) dst(%arg9 : memref<512xi32, #tpu.memory_space<vmem>>)
      tpu.yield
    }) : () -> ()
    "tpu.region"() ({
      %run_scoped3A = tpu.sem_alloc : memref<!tpu.dma_semaphore, #tpu.memory_space<semaphore_mem>>
      tpu.enqueue_dma source(%arg5 : memref<1024xf32, #tpu.memory_space<hbm>>) target(%arg12 : memref<1024xf32, #tpu.memory_space<vmem>>) target_semaphore(%run_scoped3A : memref<!tpu.dma_semaphore, #tpu.memory_space<semaphore_mem>>)
      tpu.wait_dma2 semaphore(%run_scoped3A : memref<!tpu.dma_semaphore, #tpu.memory_space<semaphore_mem>>) src(%arg5 : memref<1024xf32, #tpu.memory_space<hbm>>) dst(%arg12 : memref<1024xf32, #tpu.memory_space<vmem>>)
      tpu.yield
    }) : () -> ()
    "tpu.region"() ({
      %run_scoped3A = tpu.sem_alloc : memref<!tpu.dma_semaphore, #tpu.memory_space<semaphore_mem>>
      tpu.enqueue_dma source(%arg6 : memref<1024xf32, #tpu.memory_space<hbm>>) target(%arg13 : memref<1024xf32, #tpu.memory_space<vmem>>) target_semaphore(%run_scoped3A : memref<!tpu.dma_semaphore, #tpu.memory_space<semaphore_mem>>)
      tpu.wait_dma2 semaphore(%run_scoped3A : memref<!tpu.dma_semaphore, #tpu.memory_space<semaphore_mem>>) src(%arg6 : memref<1024xf32, #tpu.memory_space<hbm>>) dst(%arg13 : memref<1024xf32, #tpu.memory_space<vmem>>)
      tpu.yield
    }) : () -> ()
    "tpu.region"() ({
      %run_scoped3A = tpu.sem_alloc : memref<!tpu.dma_semaphore, #tpu.memory_space<semaphore_mem>>
      tpu.enqueue_dma source(%arg7 : memref<1024xf32, #tpu.memory_space<hbm>>) target(%arg14 : memref<1024xf32, #tpu.memory_space<vmem>>) target_semaphore(%run_scoped3A : memref<!tpu.dma_semaphore, #tpu.memory_space<semaphore_mem>>)
      tpu.wait_dma2 semaphore(%run_scoped3A : memref<!tpu.dma_semaphore, #tpu.memory_space<semaphore_mem>>) src(%arg7 : memref<1024xf32, #tpu.memory_space<hbm>>) dst(%arg14 : memref<1024xf32, #tpu.memory_space<vmem>>)
      tpu.yield
    }) : () -> ()
    %scan3A = arith.constant 0 : i32
    %scan3A_4 = arith.constant 0 : i32
    %scan3A_5 = arith.constant 32 : i32
    %scan3A_6 = arith.addi %scan3A_4, %scan3A_5 : i32
    %scan3A_7 = arith.constant 1 : i32
    scf.for %scan3A_9 = %scan3A_4 to %scan3A_6 step %scan3A_7  : i32 {
      %mul3A_10 = arith.constant 16 : i32
      %mul3A_11 = arith.muli %scan3A_9, %mul3A_10 : i32
      %dma_start3A = tpu.memref_slice %arg9[%mul3A_11] : memref<512xi32, #tpu.memory_space<vmem>> -> memref<16xi32, #tpu.memory_space<vmem>>
      %dma_start3A_12 = arith.constant 0 : i32
      %dma_start3A_13 = arith.constant 0 : i32
      %dma_start3A_14 = tpu.memref_slice %arg3[%dma_start3A_12, %dma_start3A_13] : memref<250002x1024xf32, #tpu.memory_space<hbm>> -> memref<250002x1024xf32, #tpu.memory_space<hbm>>
      tpu.enqueue_indirect_dma source(%dma_start3A_14 : memref<250002x1024xf32, #tpu.memory_space<hbm>>) target(%arg10 : memref<16x1024xf32, #tpu.memory_space<vmem>>) offsets(%dma_start3A : memref<16xi32, #tpu.memory_space<vmem>>) semaphore(%arg15 : memref<!tpu.dma_semaphore, #tpu.memory_space<semaphore_mem>>)
      %add3A_15 = arith.addi %rem3A_3, %mul3A_11 : i32
      "tpu.region"() ({
        %run_scoped3A = tpu.sem_alloc : memref<!tpu.dma_semaphore, #tpu.memory_space<semaphore_mem>>
        %dma_start3A_26 = arith.constant 0 : i32
        %dma_start3A_27 = tpu.memref_slice %arg4[%add3A_15, %dma_start3A_26] : memref<8192x1024xf32, #tpu.memory_space<hbm>> -> memref<16x1024xf32, #tpu.memory_space<hbm>>
        %dma_start3A_28 = arith.constant 0 : i32
        %dma_start3A_29 = tpu.memref_slice %arg4[%add3A_15, %dma_start3A_28] : memref<8192x1024xf32, #tpu.memory_space<hbm>> -> memref<16x1024xf32, #tpu.memory_space<hbm>>
        tpu.enqueue_dma source(%dma_start3A_29 : memref<16x1024xf32, #tpu.memory_space<hbm>>) target(%arg11 : memref<16x1024xf32, #tpu.memory_space<vmem>>) target_semaphore(%run_scoped3A : memref<!tpu.dma_semaphore, #tpu.memory_space<semaphore_mem>>)
        %dma_wait3A_30 = arith.constant 0 : i32
        %dma_wait3A_31 = tpu.memref_slice %arg4[%add3A_15, %dma_wait3A_30] : memref<8192x1024xf32, #tpu.memory_space<hbm>> -> memref<16x1024xf32, #tpu.memory_space<hbm>>
        %dma_wait3A_32 = arith.constant 0 : i32
        %dma_wait3A_33 = tpu.memref_slice %arg4[%add3A_15, %dma_wait3A_32] : memref<8192x1024xf32, #tpu.memory_space<hbm>> -> memref<16x1024xf32, #tpu.memory_space<hbm>>
        tpu.wait_dma2 semaphore(%run_scoped3A : memref<!tpu.dma_semaphore, #tpu.memory_space<semaphore_mem>>) src(%dma_wait3A_33 : memref<16x1024xf32, #tpu.memory_space<hbm>>) dst(%arg11 : memref<16x1024xf32, #tpu.memory_space<vmem>>)
        tpu.yield
      }) : () -> ()
      %dma_wait3A = tpu.memref_slice %arg9[%mul3A_11] : memref<512xi32, #tpu.memory_space<vmem>> -> memref<16xi32, #tpu.memory_space<vmem>>
      %dma_wait3A_16 = arith.constant 0 : i32
      %dma_wait3A_17 = arith.constant 0 : i32
      %dma_wait3A_18 = tpu.memref_slice %arg3[%dma_wait3A_16, %dma_wait3A_17] : memref<250002x1024xf32, #tpu.memory_space<hbm>> -> memref<250002x1024xf32, #tpu.memory_space<hbm>>
      tpu.wait_indirect_dma semaphore(%arg15 : memref<!tpu.dma_semaphore, #tpu.memory_space<semaphore_mem>>) src(%dma_wait3A_18 : memref<250002x1024xf32, #tpu.memory_space<hbm>>) dst(%arg10 : memref<16x1024xf32, #tpu.memory_space<vmem>>)
      %scan3A_19 = arith.constant 0 : i32
      %scan3A_20 = arith.constant 0 : i32
      %scan3A_21 = arith.constant 16 : i32
      %scan3A_22 = arith.addi %scan3A_20, %scan3A_21 : i32
      %scan3A_23 = arith.constant 1 : i32
      scf.for %scan3A_26 = %scan3A_20 to %scan3A_22 step %scan3A_23  : i32 {
        %broadcast_in_dim3A = arith.constant 0.000000e+00 : f32
        %broadcast_in_dim3A_27 = vector.broadcast %broadcast_in_dim3A : f32 to vector<16xf32>
        %broadcast_in_dim3A_28 = arith.constant 0.000000e+00 : f32
        %broadcast_in_dim3A_29 = vector.broadcast %broadcast_in_dim3A_28 : f32 to vector<16xf32>
        %get3A = arith.index_cast %scan3A_26 : i32 to index
        %get3A_30 = arith.constant 0 : index
        %get3A_31 = tpu.vector_load %arg10[%get3A, %get3A_30] {strides = array<i32>} : memref<16x1024xf32, #tpu.memory_space<vmem>>, vector<16xf32>,
        %get3A_32 = arith.index_cast %scan3A_26 : i32 to index
        %get3A_33 = arith.constant 0 : index
        %get3A_34 = tpu.vector_load %arg11[%get3A_32, %get3A_33] {strides = array<i32>} : memref<16x1024xf32, #tpu.memory_space<vmem>>, vector<16xf32>,
        %add3A_35 = arith.addf %get3A_31, %get3A_34 : vector<16xf32>
        %get3A_36 = arith.constant 0 : index
        %get3A_37 = tpu.vector_load %arg12[%get3A_36] {strides = array<i32>} : memref<1024xf32, #tpu.memory_space<vmem>>, vector<16xf32>,
        %add3A_38 = arith.addf %add3A_35, %get3A_37 : vector<16xf32>
        %add3A_39 = arith.addf %broadcast_in_dim3A_27, %add3A_38 : vector<16xf32>
        %mul3A_40 = arith.mulf %add3A_38, %add3A_38 : vector<16xf32>
        %add3A_41 = arith.addf %broadcast_in_dim3A_29, %mul3A_40 : vector<16xf32>
        %get3A_42 = arith.index_cast %scan3A_26 : i32 to index
        %get3A_43 = arith.constant 16 : index
        %get3A_44 = tpu.vector_load %arg10[%get3A_42, %get3A_43] {strides = array<i32>} : memref<16x1024xf32, #tpu.memory_space<vmem>>, vector<16xf32>,
        %get3A_45 = arith.index_cast %scan3A_26 : i32 to index
        %get3A_46 = arith.constant 16 : index
        %get3A_47 = tpu.vector_load %arg11[%get3A_45, %get3A_46] {strides = array<i32>} : memref<16x1024xf32, #tpu.memory_space<vmem>>, vector<16xf32>,
        %add3A_48 = arith.addf %get3A_44, %get3A_47 : vector<16xf32>
        %get3A_49 = arith.constant 16 : index
        %get3A_50 = tpu.vector_load %arg12[%get3A_49] {strides = array<i32>} : memref<1024xf32, #tpu.memory_space<vmem>>, vector<16xf32>,
        %add3A_51 = arith.addf %add3A_48, %get3A_50 : vector<16xf32>
        %add3A_52 = arith.addf %add3A_39, %add3A_51 : vector<16xf32>
        %mul3A_53 = arith.mulf %add3A_51, %add3A_51 : vector<16xf32>
        %add3A_54 = arith.addf %add3A_41, %mul3A_53 : vector<16xf32>
        %get3A_55 = arith.index_cast %scan3A_26 : i32 to index
        %get3A_56 = arith.constant 32 : index
        %get3A_57 = tpu.vector_load %arg10[%get3A_55, %get3A_56] {strides = array<i32>} : memref<16x1024xf32, #tpu.memory_space<vmem>>, vector<16xf32>,
        %get3A_58 = arith.index_cast %scan3A_26 : i32 to index
        %get3A_59 = arith.constant 32 : index
        %get3A_60 = tpu.vector_load %arg11[%get3A_58, %get3A_59] {strides = array<i32>} : memref<16x1024xf32, #tpu.memory_space<vmem>>, vector<16xf32>,
        %add3A_61 = arith.addf %get3A_57, %get3A_60 : vector<16xf32>
        %get3A_62 = arith.constant 32 : index
        %get3A_63 = tpu.vector_load %arg12[%get3A_62] {strides = array<i32>} : memref<1024xf32, #tpu.memory_space<vmem>>, vector<16xf32>,
        %add3A_64 = arith.addf %add3A_61, %get3A_63 : vector<16xf32>
        %add3A_65 = arith.addf %add3A_52, %add3A_64 : vector<16xf32>
        %mul3A_66 = arith.mulf %add3A_64, %add3A_64 : vector<16xf32>
        %add3A_67 = arith.addf %add3A_54, %mul3A_66 : vector<16xf32>
        %get3A_68 = arith.index_cast %scan3A_26 : i32 to index
        %get3A_69 = arith.constant 48 : index
        %get3A_70 = tpu.vector_load %arg10[%get3A_68, %get3A_69] {strides = array<i32>} : memref<16x1024xf32, #tpu.memory_space<vmem>>, vector<16xf32>,
        %get3A_71 = arith.index_cast %scan3A_26 : i32 to index
        %get3A_72 = arith.constant 48 : index
        %get3A_73 = tpu.vector_load %arg11[%get3A_71, %get3A_72] {strides = array<i32>} : memref<16x1024xf32, #tpu.memory_space<vmem>>, vector<16xf32>,
        %add3A_74 = arith.addf %get3A_70, %get3A_73 : vector<16xf32>
        %get3A_75 = arith.constant 48 : index
        %get3A_76 = tpu.vector_load %arg12[%get3A_75] {strides = array<i32>} : memref<1024xf32, #tpu.memory_space<vmem>>, vector<16xf32>,
        %add3A_77 = arith.addf %add3A_74, %get3A_76 : vector<16xf32>
        %add3A_78 = arith.addf %add3A_65, %add3A_77 : vector<16xf32>
        %mul3A_79 = arith.mulf %add3A_77, %add3A_77 : vector<16xf32>
        %add3A_80 = arith.addf %add3A_67, %mul3A_79 : vector<16xf32>
        %get3A_81 = arith.index_cast %scan3A_26 : i32 to index
        %get3A_82 = arith.constant 64 : index
        %get3A_83 = tpu.vector_load %arg10[%get3A_81, %get3A_82] {strides = array<i32>} : memref<16x1024xf32, #tpu.memory_space<vmem>>, vector<16xf32>,
        %get3A_84 = arith.index_cast %scan3A_26 : i32 to index
        %get3A_85 = arith.constant 64 : index
        %get3A_86 = tpu.vector_load %arg11[%get3A_84, %get3A_85] {strides = array<i32>} : memref<16x1024xf32, #tpu.memory_space<vmem>>, vector<16xf32>,
        %add3A_87 = arith.addf %get3A_83, %get3A_86 : vector<16xf32>
        %get3A_88 = arith.constant 64 : index
        %get3A_89 = tpu.vector_load %arg12[%get3A_88] {strides = array<i32>} : memref<1024xf32, #tpu.memory_space<vmem>>, vector<16xf32>,
        %add3A_90 = arith.addf %add3A_87, %get3A_89 : vector<16xf32>
        %add3A_91 = arith.addf %add3A_78, %add3A_90 : vector<16xf32>
        %mul3A_92 = arith.mulf %add3A_90, %add3A_90 : vector<16xf32>
        %add3A_93 = arith.addf %add3A_80, %mul3A_92 : vector<16xf32>
        %get3A_94 = arith.index_cast %scan3A_26 : i32 to index
        %get3A_95 = arith.constant 80 : index
        %get3A_96 = tpu.vector_load %arg10[%get3A_94, %get3A_95] {strides = array<i32>} : memref<16x1024xf32, #tpu.memory_space<vmem>>, vector<16xf32>,
        %get3A_97 = arith.index_cast %scan3A_26 : i32 to index
        %get3A_98 = arith.constant 80 : index
        %get3A_99 = tpu.vector_load %arg11[%get3A_97, %get3A_98] {strides = array<i32>} : memref<16x1024xf32, #tpu.memory_space<vmem>>, vector<16xf32>,
        %add3A_100 = arith.addf %get3A_96, %get3A_99 : vector<16xf32>
        %get3A_101 = arith.constant 80 : index
        %get3A_102 = tpu.vector_load %arg12[%get3A_101] {strides = array<i32>} : memref<1024xf32, #tpu.memory_space<vmem>>, vector<16xf32>,
        %add3A_103 = arith.addf %add3A_100, %get3A_102 : vector<16xf32>
        %add3A_104 = arith.addf %add3A_91, %add3A_103 : vector<16xf32>
        %mul3A_105 = arith.mulf %add3A_103, %add3A_103 : vector<16xf32>
        %add3A_106 = arith.addf %add3A_93, %mul3A_105 : vector<16xf32>
        %get3A_107 = arith.index_cast %scan3A_26 : i32 to index
        %get3A_108 = arith.constant 96 : index
        %get3A_109 = tpu.vector_load %arg10[%get3A_107, %get3A_108] {strides = array<i32>} : memref<16x1024xf32, #tpu.memory_space<vmem>>, vector<16xf32>,
        %get3A_110 = arith.index_cast %scan3A_26 : i32 to index
        %get3A_111 = arith.constant 96 : index
        %get3A_112 = tpu.vector_load %arg11[%get3A_110, %get3A_111] {strides = array<i32>} : memref<16x1024xf32, #tpu.memory_space<vmem>>, vector<16xf32>,
        %add3A_113 = arith.addf %get3A_109, %get3A_112 : vector<16xf32>
        %get3A_114 = arith.constant 96 : index
        %get3A_115 = tpu.vector_load %arg12[%get3A_114] {strides = array<i32>} : memref<1024xf32, #tpu.memory_space<vmem>>, vector<16xf32>,
        %add3A_116 = arith.addf %add3A_113, %get3A_115 : vector<16xf32>
        %add3A_117 = arith.addf %add3A_104, %add3A_116 : vector<16xf32>
        %mul3A_118 = arith.mulf %add3A_116, %add3A_116 : vector<16xf32>
        %add3A_119 = arith.addf %add3A_106, %mul3A_118 : vector<16xf32>
        %get3A_120 = arith.index_cast %scan3A_26 : i32 to index
        %get3A_121 = arith.constant 112 : index
        %get3A_122 = tpu.vector_load %arg10[%get3A_120, %get3A_121] {strides = array<i32>} : memref<16x1024xf32, #tpu.memory_space<vmem>>, vector<16xf32>,
        %get3A_123 = arith.index_cast %scan3A_26 : i32 to index
        %get3A_124 = arith.constant 112 : index
        %get3A_125 = tpu.vector_load %arg11[%get3A_123, %get3A_124] {strides = array<i32>} : memref<16x1024xf32, #tpu.memory_space<vmem>>, vector<16xf32>,
        %add3A_126 = arith.addf %get3A_122, %get3A_125 : vector<16xf32>
        %get3A_127 = arith.constant 112 : index
        %get3A_128 = tpu.vector_load %arg12[%get3A_127] {strides = array<i32>} : memref<1024xf32, #tpu.memory_space<vmem>>, vector<16xf32>,
        %add3A_129 = arith.addf %add3A_126, %get3A_128 : vector<16xf32>
        %add3A_130 = arith.addf %add3A_117, %add3A_129 : vector<16xf32>
        %mul3A_131 = arith.mulf %add3A_129, %add3A_129 : vector<16xf32>
        %add3A_132 = arith.addf %add3A_119, %mul3A_131 : vector<16xf32>
        %get3A_133 = arith.index_cast %scan3A_26 : i32 to index
        %get3A_134 = arith.constant 128 : index
        %get3A_135 = tpu.vector_load %arg10[%get3A_133, %get3A_134] {strides = array<i32>} : memref<16x1024xf32, #tpu.memory_space<vmem>>, vector<16xf32>,
        %get3A_136 = arith.index_cast %scan3A_26 : i32 to index
        %get3A_137 = arith.constant 128 : index
        %get3A_138 = tpu.vector_load %arg11[%get3A_136, %get3A_137] {strides = array<i32>} : memref<16x1024xf32, #tpu.memory_space<vmem>>, vector<16xf32>,
        %add3A_139 = arith.addf %get3A_135, %get3A_138 : vector<16xf32>
        %get3A_140 = arith.constant 128 : index
        %get3A_141 = tpu.vector_load %arg12[%get3A_140] {strides = array<i32>} : memref<1024xf32, #tpu.memory_space<vmem>>, vector<16xf32>,
        %add3A_142 = arith.addf %add3A_139, %get3A_141 : vector<16xf32>
        %add3A_143 = arith.addf %add3A_130, %add3A_142 : vector<16xf32>
        %mul3A_144 = arith.mulf %add3A_142, %add3A_142 : vector<16xf32>
        %add3A_145 = arith.addf %add3A_132, %mul3A_144 : vector<16xf32>
        %get3A_146 = arith.index_cast %scan3A_26 : i32 to index
        %get3A_147 = arith.constant 144 : index
        %get3A_148 = tpu.vector_load %arg10[%get3A_146, %get3A_147] {strides = array<i32>} : memref<16x1024xf32, #tpu.memory_space<vmem>>, vector<16xf32>,
        %get3A_149 = arith.index_cast %scan3A_26 : i32 to index
        %get3A_150 = arith.constant 144 : index
        %get3A_151 = tpu.vector_load %arg11[%get3A_149, %get3A_150] {strides = array<i32>} : memref<16x1024xf32, #tpu.memory_space<vmem>>, vector<16xf32>,
        %add3A_152 = arith.addf %get3A_148, %get3A_151 : vector<16xf32>
        %get3A_153 = arith.constant 144 : index
        %get3A_154 = tpu.vector_load %arg12[%get3A_153] {strides = array<i32>} : memref<1024xf32, #tpu.memory_space<vmem>>, vector<16xf32>,
        %add3A_155 = arith.addf %add3A_152, %get3A_154 : vector<16xf32>
        %add3A_156 = arith.addf %add3A_143, %add3A_155 : vector<16xf32>
        %mul3A_157 = arith.mulf %add3A_155, %add3A_155 : vector<16xf32>
        %add3A_158 = arith.addf %add3A_145, %mul3A_157 : vector<16xf32>
        %get3A_159 = arith.index_cast %scan3A_26 : i32 to index
        %get3A_160 = arith.constant 160 : index
        %get3A_161 = tpu.vector_load %arg10[%get3A_159, %get3A_160] {strides = array<i32>} : memref<16x1024xf32, #tpu.memory_space<vmem>>, vector<16xf32>,
        %get3A_162 = arith.index_cast %scan3A_26 : i32 to index
        %get3A_163 = arith.constant 160 : index
        %get3A_164 = tpu.vector_load %arg11[%get3A_162, %get3A_163] {strides = array<i32>} : memref<16x1024xf32, #tpu.memory_space<vmem>>, vector<16xf32>,
        %add3A_165 = arith.addf %get3A_161, %get3A_164 : vector<16xf32>
        %get3A_166 = arith.constant 160 : index
        %get3A_167 = tpu.vector_load %arg12[%get3A_166] {strides = array<i32>} : memref<1024xf32, #tpu.memory_space<vmem>>, vector<16xf32>,
        %add3A_168 = arith.addf %add3A_165, %get3A_167 : vector<16xf32>
        %add3A_169 = arith.addf %add3A_156, %add3A_168 : vector<16xf32>
        %mul3A_170 = arith.mulf %add3A_168, %add3A_168 : vector<16xf32>
        %add3A_171 = arith.addf %add3A_158, %mul3A_170 : vector<16xf32>
        %get3A_172 = arith.index_cast %scan3A_26 : i32 to index
        %get3A_173 = arith.constant 176 : index
        %get3A_174 = tpu.vector_load %arg10[%get3A_172, %get3A_173] {strides = array<i32>} : memref<16x1024xf32, #tpu.memory_space<vmem>>, vector<16xf32>,
        %get3A_175 = arith.index_cast %scan3A_26 : i32 to index
        %get3A_176 = arith.constant 176 : index
        %get3A_177 = tpu.vector_load %arg11[%get3A_175, %get3A_176] {strides = array<i32>} : memref<16x1024xf32, #tpu.memory_space<vmem>>, vector<16xf32>,
        %add3A_178 = arith.addf %get3A_174, %get3A_177 : vector<16xf32>
        %get3A_179 = arith.constant 176 : index
        %get3A_180 = tpu.vector_load %arg12[%get3A_179] {strides = array<i32>} : memref<1024xf32, #tpu.memory_space<vmem>>, vector<16xf32>,
        %add3A_181 = arith.addf %add3A_178, %get3A_180 : vector<16xf32>
        %add3A_182 = arith.addf %add3A_169, %add3A_181 : vector<16xf32>
        %mul3A_183 = arith.mulf %add3A_181, %add3A_181 : vector<16xf32>
        %add3A_184 = arith.addf %add3A_171, %mul3A_183 : vector<16xf32>
        %get3A_185 = arith.index_cast %scan3A_26 : i32 to index
        %get3A_186 = arith.constant 192 : index
        %get3A_187 = tpu.vector_load %arg10[%get3A_185, %get3A_186] {strides = array<i32>} : memref<16x1024xf32, #tpu.memory_space<vmem>>, vector<16xf32>,
        %get3A_188 = arith.index_cast %scan3A_26 : i32 to index
        %get3A_189 = arith.constant 192 : index
        %get3A_190 = tpu.vector_load %arg11[%get3A_188, %get3A_189] {strides = array<i32>} : memref<16x1024xf32, #tpu.memory_space<vmem>>, vector<16xf32>,
        %add3A_191 = arith.addf %get3A_187, %get3A_190 : vector<16xf32>
        %get3A_192 = arith.constant 192 : index
        %get3A_193 = tpu.vector_load %arg12[%get3A_192] {strides = array<i32>} : memref<1024xf32, #tpu.memory_space<vmem>>, vector<16xf32>,
        %add3A_194 = arith.addf %add3A_191, %get3A_193 : vector<16xf32>
        %add3A_195 = arith.addf %add3A_182, %add3A_194 : vector<16xf32>
        %mul3A_196 = arith.mulf %add3A_194, %add3A_194 : vector<16xf32>
        %add3A_197 = arith.addf %add3A_184, %mul3A_196 : vector<16xf32>
        %get3A_198 = arith.index_cast %scan3A_26 : i32 to index
        %get3A_199 = arith.constant 208 : index
        %get3A_200 = tpu.vector_load %arg10[%get3A_198, %get3A_199] {strides = array<i32>} : memref<16x1024xf32, #tpu.memory_space<vmem>>, vector<16xf32>,
        %get3A_201 = arith.index_cast %scan3A_26 : i32 to index
        %get3A_202 = arith.constant 208 : index
        %get3A_203 = tpu.vector_load %arg11[%get3A_201, %get3A_202] {strides = array<i32>} : memref<16x1024xf32, #tpu.memory_space<vmem>>, vector<16xf32>,
        %add3A_204 = arith.addf %get3A_200, %get3A_203 : vector<16xf32>
        %get3A_205 = arith.constant 208 : index
        %get3A_206 = tpu.vector_load %arg12[%get3A_205] {strides = array<i32>} : memref<1024xf32, #tpu.memory_space<vmem>>, vector<16xf32>,
        %add3A_207 = arith.addf %add3A_204, %get3A_206 : vector<16xf32>
        %add3A_208 = arith.addf %add3A_195, %add3A_207 : vector<16xf32>
        %mul3A_209 = arith.mulf %add3A_207, %add3A_207 : vector<16xf32>
        %add3A_210 = arith.addf %add3A_197, %mul3A_209 : vector<16xf32>
        %get3A_211 = arith.index_cast %scan3A_26 : i32 to index
        %get3A_212 = arith.constant 224 : index
        %get3A_213 = tpu.vector_load %arg10[%get3A_211, %get3A_212] {strides = array<i32>} : memref<16x1024xf32, #tpu.memory_space<vmem>>, vector<16xf32>,
        %get3A_214 = arith.index_cast %scan3A_26 : i32 to index
        %get3A_215 = arith.constant 224 : index
        %get3A_216 = tpu.vector_load %arg11[%get3A_214, %get3A_215] {strides = array<i32>} : memref<16x1024xf32, #tpu.memory_space<vmem>>, vector<16xf32>,
        %add3A_217 = arith.addf %get3A_213, %get3A_216 : vector<16xf32>
        %get3A_218 = arith.constant 224 : index
        %get3A_219 = tpu.vector_load %arg12[%get3A_218] {strides = array<i32>} : memref<1024xf32, #tpu.memory_space<vmem>>, vector<16xf32>,
        %add3A_220 = arith.addf %add3A_217, %get3A_219 : vector<16xf32>
        %add3A_221 = arith.addf %add3A_208, %add3A_220 : vector<16xf32>
        %mul3A_222 = arith.mulf %add3A_220, %add3A_220 : vector<16xf32>
        %add3A_223 = arith.addf %add3A_210, %mul3A_222 : vector<16xf32>
        %get3A_224 = arith.index_cast %scan3A_26 : i32 to index
        %get3A_225 = arith.constant 240 : index
        %get3A_226 = tpu.vector_load %arg10[%get3A_224, %get3A_225] {strides = array<i32>} : memref<16x1024xf32, #tpu.memory_space<vmem>>, vector<16xf32>,
        %get3A_227 = arith.index_cast %scan3A_26 : i32 to index
        %get3A_228 = arith.constant 240 : index
        %get3A_229 = tpu.vector_load %arg11[%get3A_227, %get3A_228] {strides = array<i32>} : memref<16x1024xf32, #tpu.memory_space<vmem>>, vector<16xf32>,
        %add3A_230 = arith.addf %get3A_226, %get3A_229 : vector<16xf32>
        %get3A_231 = arith.constant 240 : index
        %get3A_232 = tpu.vector_load %arg12[%get3A_231] {strides = array<i32>} : memref<1024xf32, #tpu.memory_space<vmem>>, vector<16xf32>,
        %add3A_233 = arith.addf %add3A_230, %get3A_232 : vector<16xf32>
        %add3A_234 = arith.addf %add3A_221, %add3A_233 : vector<16xf32>
        %mul3A_235 = arith.mulf %add3A_233, %add3A_233 : vector<16xf32>
        %add3A_236 = arith.addf %add3A_223, %mul3A_235 : vector<16xf32>
        %get3A_237 = arith.index_cast %scan3A_26 : i32 to index
        %get3A_238 = arith.constant 256 : index
        %get3A_239 = tpu.vector_load %arg10[%get3A_237, %get3A_238] {strides = array<i32>} : memref<16x1024xf32, #tpu.memory_space<vmem>>, vector<16xf32>,
        %get3A_240 = arith.index_cast %scan3A_26 : i32 to index
        %get3A_241 = arith.constant 256 : index
        %get3A_242 = tpu.vector_load %arg11[%get3A_240, %get3A_241] {strides = array<i32>} : memref<16x1024xf32, #tpu.memory_space<vmem>>, vector<16xf32>,
        %add3A_243 = arith.addf %get3A_239, %get3A_242 : vector<16xf32>
        %get3A_244 = arith.constant 256 : index
        %get3A_245 = tpu.vector_load %arg12[%get3A_244] {strides = array<i32>} : memref<1024xf32, #tpu.memory_space<vmem>>, vector<16xf32>,
        %add3A_246 = arith.addf %add3A_243, %get3A_245 : vector<16xf32>
        %add3A_247 = arith.addf %add3A_234, %add3A_246 : vector<16xf32>
        %mul3A_248 = arith.mulf %add3A_246, %add3A_246 : vector<16xf32>
        %add3A_249 = arith.addf %add3A_236, %mul3A_248 : vector<16xf32>
        %get3A_250 = arith.index_cast %scan3A_26 : i32 to index
        %get3A_251 = arith.constant 272 : index
        %get3A_252 = tpu.vector_load %arg10[%get3A_250, %get3A_251] {strides = array<i32>} : memref<16x1024xf32, #tpu.memory_space<vmem>>, vector<16xf32>,
        %get3A_253 = arith.index_cast %scan3A_26 : i32 to index
        %get3A_254 = arith.constant 272 : index
        %get3A_255 = tpu.vector_load %arg11[%get3A_253, %get3A_254] {strides = array<i32>} : memref<16x1024xf32, #tpu.memory_space<vmem>>, vector<16xf32>,
        %add3A_256 = arith.addf %get3A_252, %get3A_255 : vector<16xf32>
        %get3A_257 = arith.constant 272 : index
        %get3A_258 = tpu.vector_load %arg12[%get3A_257] {strides = array<i32>} : memref<1024xf32, #tpu.memory_space<vmem>>, vector<16xf32>,
        %add3A_259 = arith.addf %add3A_256, %get3A_258 : vector<16xf32>
        %add3A_260 = arith.addf %add3A_247, %add3A_259 : vector<16xf32>
        %mul3A_261 = arith.mulf %add3A_259, %add3A_259 : vector<16xf32>
        %add3A_262 = arith.addf %add3A_249, %mul3A_261 : vector<16xf32>
        %get3A_263 = arith.index_cast %scan3A_26 : i32 to index
        %get3A_264 = arith.constant 288 : index
        %get3A_265 = tpu.vector_load %arg10[%get3A_263, %get3A_264] {strides = array<i32>} : memref<16x1024xf32, #tpu.memory_space<vmem>>, vector<16xf32>,
        %get3A_266 = arith.index_cast %scan3A_26 : i32 to index
        %get3A_267 = arith.constant 288 : index
        %get3A_268 = tpu.vector_load %arg11[%get3A_266, %get3A_267] {strides = array<i32>} : memref<16x1024xf32, #tpu.memory_space<vmem>>, vector<16xf32>,
        %add3A_269 = arith.addf %get3A_265, %get3A_268 : vector<16xf32>
        %get3A_270 = arith.constant 288 : index
        %get3A_271 = tpu.vector_load %arg12[%get3A_270] {strides = array<i32>} : memref<1024xf32, #tpu.memory_space<vmem>>, vector<16xf32>,
        %add3A_272 = arith.addf %add3A_269, %get3A_271 : vector<16xf32>
        %add3A_273 = arith.addf %add3A_260, %add3A_272 : vector<16xf32>
        %mul3A_274 = arith.mulf %add3A_272, %add3A_272 : vector<16xf32>
        %add3A_275 = arith.addf %add3A_262, %mul3A_274 : vector<16xf32>
        %get3A_276 = arith.index_cast %scan3A_26 : i32 to index
        %get3A_277 = arith.constant 304 : index
        %get3A_278 = tpu.vector_load %arg10[%get3A_276, %get3A_277] {strides = array<i32>} : memref<16x1024xf32, #tpu.memory_space<vmem>>, vector<16xf32>,
        %get3A_279 = arith.index_cast %scan3A_26 : i32 to index
        %get3A_280 = arith.constant 304 : index
        %get3A_281 = tpu.vector_load %arg11[%get3A_279, %get3A_280] {strides = array<i32>} : memref<16x1024xf32, #tpu.memory_space<vmem>>, vector<16xf32>,
        %add3A_282 = arith.addf %get3A_278, %get3A_281 : vector<16xf32>
        %get3A_283 = arith.constant 304 : index
        %get3A_284 = tpu.vector_load %arg12[%get3A_283] {strides = array<i32>} : memref<1024xf32, #tpu.memory_space<vmem>>, vector<16xf32>,
        %add3A_285 = arith.addf %add3A_282, %get3A_284 : vector<16xf32>
        %add3A_286 = arith.addf %add3A_273, %add3A_285 : vector<16xf32>
        %mul3A_287 = arith.mulf %add3A_285, %add3A_285 : vector<16xf32>
        %add3A_288 = arith.addf %add3A_275, %mul3A_287 : vector<16xf32>
        %get3A_289 = arith.index_cast %scan3A_26 : i32 to index
        %get3A_290 = arith.constant 320 : index
        %get3A_291 = tpu.vector_load %arg10[%get3A_289, %get3A_290] {strides = array<i32>} : memref<16x1024xf32, #tpu.memory_space<vmem>>, vector<16xf32>,
        %get3A_292 = arith.index_cast %scan3A_26 : i32 to index
        %get3A_293 = arith.constant 320 : index
        %get3A_294 = tpu.vector_load %arg11[%get3A_292, %get3A_293] {strides = array<i32>} : memref<16x1024xf32, #tpu.memory_space<vmem>>, vector<16xf32>,
        %add3A_295 = arith.addf %get3A_291, %get3A_294 : vector<16xf32>
        %get3A_296 = arith.constant 320 : index
        %get3A_297 = tpu.vector_load %arg12[%get3A_296] {strides = array<i32>} : memref<1024xf32, #tpu.memory_space<vmem>>, vector<16xf32>,
        %add3A_298 = arith.addf %add3A_295, %get3A_297 : vector<16xf32>
        %add3A_299 = arith.addf %add3A_286, %add3A_298 : vector<16xf32>
        %mul3A_300 = arith.mulf %add3A_298, %add3A_298 : vector<16xf32>
        %add3A_301 = arith.addf %add3A_288, %mul3A_300 : vector<16xf32>
        %get3A_302 = arith.index_cast %scan3A_26 : i32 to index
        %get3A_303 = arith.constant 336 : index
        %get3A_304 = tpu.vector_load %arg10[%get3A_302, %get3A_303] {strides = array<i32>} : memref<16x1024xf32, #tpu.memory_space<vmem>>, vector<16xf32>,
        %get3A_305 = arith.index_cast %scan3A_26 : i32 to index
        %get3A_306 = arith.constant 336 : index
        %get3A_307 = tpu.vector_load %arg11[%get3A_305, %get3A_306] {strides = array<i32>} : memref<16x1024xf32, #tpu.memory_space<vmem>>, vector<16xf32>,
        %add3A_308 = arith.addf %get3A_304, %get3A_307 : vector<16xf32>
        %get3A_309 = arith.constant 336 : index
        %get3A_310 = tpu.vector_load %arg12[%get3A_309] {strides = array<i32>} : memref<1024xf32, #tpu.memory_space<vmem>>, vector<16xf32>,
        %add3A_311 = arith.addf %add3A_308, %get3A_310 : vector<16xf32>
        %add3A_312 = arith.addf %add3A_299, %add3A_311 : vector<16xf32>
        %mul3A_313 = arith.mulf %add3A_311, %add3A_311 : vector<16xf32>
        %add3A_314 = arith.addf %add3A_301, %mul3A_313 : vector<16xf32>
        %get3A_315 = arith.index_cast %scan3A_26 : i32 to index
        %get3A_316 = arith.constant 352 : index
        %get3A_317 = tpu.vector_load %arg10[%get3A_315, %get3A_316] {strides = array<i32>} : memref<16x1024xf32, #tpu.memory_space<vmem>>, vector<16xf32>,
        %get3A_318 = arith.index_cast %scan3A_26 : i32 to index
        %get3A_319 = arith.constant 352 : index
        %get3A_320 = tpu.vector_load %arg11[%get3A_318, %get3A_319] {strides = array<i32>} : memref<16x1024xf32, #tpu.memory_space<vmem>>, vector<16xf32>,
        %add3A_321 = arith.addf %get3A_317, %get3A_320 : vector<16xf32>
        %get3A_322 = arith.constant 352 : index
        %get3A_323 = tpu.vector_load %arg12[%get3A_322] {strides = array<i32>} : memref<1024xf32, #tpu.memory_space<vmem>>, vector<16xf32>,
        %add3A_324 = arith.addf %add3A_321, %get3A_323 : vector<16xf32>
        %add3A_325 = arith.addf %add3A_312, %add3A_324 : vector<16xf32>
        %mul3A_326 = arith.mulf %add3A_324, %add3A_324 : vector<16xf32>
        %add3A_327 = arith.addf %add3A_314, %mul3A_326 : vector<16xf32>
        %get3A_328 = arith.index_cast %scan3A_26 : i32 to index
        %get3A_329 = arith.constant 368 : index
        %get3A_330 = tpu.vector_load %arg10[%get3A_328, %get3A_329] {strides = array<i32>} : memref<16x1024xf32, #tpu.memory_space<vmem>>, vector<16xf32>,
        %get3A_331 = arith.index_cast %scan3A_26 : i32 to index
        %get3A_332 = arith.constant 368 : index
        %get3A_333 = tpu.vector_load %arg11[%get3A_331, %get3A_332] {strides = array<i32>} : memref<16x1024xf32, #tpu.memory_space<vmem>>, vector<16xf32>,
        %add3A_334 = arith.addf %get3A_330, %get3A_333 : vector<16xf32>
        %get3A_335 = arith.constant 368 : index
        %get3A_336 = tpu.vector_load %arg12[%get3A_335] {strides = array<i32>} : memref<1024xf32, #tpu.memory_space<vmem>>, vector<16xf32>,
        %add3A_337 = arith.addf %add3A_334, %get3A_336 : vector<16xf32>
        %add3A_338 = arith.addf %add3A_325, %add3A_337 : vector<16xf32>
        %mul3A_339 = arith.mulf %add3A_337, %add3A_337 : vector<16xf32>
        %add3A_340 = arith.addf %add3A_327, %mul3A_339 : vector<16xf32>
        %get3A_341 = arith.index_cast %scan3A_26 : i32 to index
        %get3A_342 = arith.constant 384 : index
        %get3A_343 = tpu.vector_load %arg10[%get3A_341, %get3A_342] {strides = array<i32>} : memref<16x1024xf32, #tpu.memory_space<vmem>>, vector<16xf32>,
        %get3A_344 = arith.index_cast %scan3A_26 : i32 to index
        %get3A_345 = arith.constant 384 : index
        %get3A_346 = tpu.vector_load %arg11[%get3A_344, %get3A_345] {strides = array<i32>} : memref<16x1024xf32, #tpu.memory_space<vmem>>, vector<16xf32>,
        %add3A_347 = arith.addf %get3A_343, %get3A_346 : vector<16xf32>
        %get3A_348 = arith.constant 384 : index
        %get3A_349 = tpu.vector_load %arg12[%get3A_348] {strides = array<i32>} : memref<1024xf32, #tpu.memory_space<vmem>>, vector<16xf32>,
        %add3A_350 = arith.addf %add3A_347, %get3A_349 : vector<16xf32>
        %add3A_351 = arith.addf %add3A_338, %add3A_350 : vector<16xf32>
        %mul3A_352 = arith.mulf %add3A_350, %add3A_350 : vector<16xf32>
        %add3A_353 = arith.addf %add3A_340, %mul3A_352 : vector<16xf32>
        %get3A_354 = arith.index_cast %scan3A_26 : i32 to index
        %get3A_355 = arith.constant 400 : index
        %get3A_356 = tpu.vector_load %arg10[%get3A_354, %get3A_355] {strides = array<i32>} : memref<16x1024xf32, #tpu.memory_space<vmem>>, vector<16xf32>,
        %get3A_357 = arith.index_cast %scan3A_26 : i32 to index
        %get3A_358 = arith.constant 400 : index
        %get3A_359 = tpu.vector_load %arg11[%get3A_357, %get3A_358] {strides = array<i32>} : memref<16x1024xf32, #tpu.memory_space<vmem>>, vector<16xf32>,
        %add3A_360 = arith.addf %get3A_356, %get3A_359 : vector<16xf32>
        %get3A_361 = arith.constant 400 : index
        %get3A_362 = tpu.vector_load %arg12[%get3A_361] {strides = array<i32>} : memref<1024xf32, #tpu.memory_space<vmem>>, vector<16xf32>,
        %add3A_363 = arith.addf %add3A_360, %get3A_362 : vector<16xf32>
        %add3A_364 = arith.addf %add3A_351, %add3A_363 : vector<16xf32>
        %mul3A_365 = arith.mulf %add3A_363, %add3A_363 : vector<16xf32>
        %add3A_366 = arith.addf %add3A_353, %mul3A_365 : vector<16xf32>
        %get3A_367 = arith.index_cast %scan3A_26 : i32 to index
        %get3A_368 = arith.constant 416 : index
        %get3A_369 = tpu.vector_load %arg10[%get3A_367, %get3A_368] {strides = array<i32>} : memref<16x1024xf32, #tpu.memory_space<vmem>>, vector<16xf32>,
        %get3A_370 = arith.index_cast %scan3A_26 : i32 to index
        %get3A_371 = arith.constant 416 : index
        %get3A_372 = tpu.vector_load %arg11[%get3A_370, %get3A_371] {strides = array<i32>} : memref<16x1024xf32, #tpu.memory_space<vmem>>, vector<16xf32>,
        %add3A_373 = arith.addf %get3A_369, %get3A_372 : vector<16xf32>
        %get3A_374 = arith.constant 416 : index
        %get3A_375 = tpu.vector_load %arg12[%get3A_374] {strides = array<i32>} : memref<1024xf32, #tpu.memory_space<vmem>>, vector<16xf32>,
        %add3A_376 = arith.addf %add3A_373, %get3A_375 : vector<16xf32>
        %add3A_377 = arith.addf %add3A_364, %add3A_376 : vector<16xf32>
        %mul3A_378 = arith.mulf %add3A_376, %add3A_376 : vector<16xf32>
        %add3A_379 = arith.addf %add3A_366, %mul3A_378 : vector<16xf32>
        %get3A_380 = arith.index_cast %scan3A_26 : i32 to index
        %get3A_381 = arith.constant 432 : index
        %get3A_382 = tpu.vector_load %arg10[%get3A_380, %get3A_381] {strides = array<i32>} : memref<16x1024xf32, #tpu.memory_space<vmem>>, vector<16xf32>,
        %get3A_383 = arith.index_cast %scan3A_26 : i32 to index
        %get3A_384 = arith.constant 432 : index
        %get3A_385 = tpu.vector_load %arg11[%get3A_383, %get3A_384] {strides = array<i32>} : memref<16x1024xf32, #tpu.memory_space<vmem>>, vector<16xf32>,
        %add3A_386 = arith.addf %get3A_382, %get3A_385 : vector<16xf32>
        %get3A_387 = arith.constant 432 : index
        %get3A_388 = tpu.vector_load %arg12[%get3A_387] {strides = array<i32>} : memref<1024xf32, #tpu.memory_space<vmem>>, vector<16xf32>,
        %add3A_389 = arith.addf %add3A_386, %get3A_388 : vector<16xf32>
        %add3A_390 = arith.addf %add3A_377, %add3A_389 : vector<16xf32>
        %mul3A_391 = arith.mulf %add3A_389, %add3A_389 : vector<16xf32>
        %add3A_392 = arith.addf %add3A_379, %mul3A_391 : vector<16xf32>
        %get3A_393 = arith.index_cast %scan3A_26 : i32 to index
        %get3A_394 = arith.constant 448 : index
        %get3A_395 = tpu.vector_load %arg10[%get3A_393, %get3A_394] {strides = array<i32>} : memref<16x1024xf32, #tpu.memory_space<vmem>>, vector<16xf32>,
        %get3A_396 = arith.index_cast %scan3A_26 : i32 to index
        %get3A_397 = arith.constant 448 : index
        %get3A_398 = tpu.vector_load %arg11[%get3A_396, %get3A_397] {strides = array<i32>} : memref<16x1024xf32, #tpu.memory_space<vmem>>, vector<16xf32>,
        %add3A_399 = arith.addf %get3A_395, %get3A_398 : vector<16xf32>
        %get3A_400 = arith.constant 448 : index
        %get3A_401 = tpu.vector_load %arg12[%get3A_400] {strides = array<i32>} : memref<1024xf32, #tpu.memory_space<vmem>>, vector<16xf32>,
        %add3A_402 = arith.addf %add3A_399, %get3A_401 : vector<16xf32>
        %add3A_403 = arith.addf %add3A_390, %add3A_402 : vector<16xf32>
        %mul3A_404 = arith.mulf %add3A_402, %add3A_402 : vector<16xf32>
        %add3A_405 = arith.addf %add3A_392, %mul3A_404 : vector<16xf32>
        %get3A_406 = arith.index_cast %scan3A_26 : i32 to index
        %get3A_407 = arith.constant 464 : index
        %get3A_408 = tpu.vector_load %arg10[%get3A_406, %get3A_407] {strides = array<i32>} : memref<16x1024xf32, #tpu.memory_space<vmem>>, vector<16xf32>,
        %get3A_409 = arith.index_cast %scan3A_26 : i32 to index
        %get3A_410 = arith.constant 464 : index
        %get3A_411 = tpu.vector_load %arg11[%get3A_409, %get3A_410] {strides = array<i32>} : memref<16x1024xf32, #tpu.memory_space<vmem>>, vector<16xf32>,
        %add3A_412 = arith.addf %get3A_408, %get3A_411 : vector<16xf32>
        %get3A_413 = arith.constant 464 : index
        %get3A_414 = tpu.vector_load %arg12[%get3A_413] {strides = array<i32>} : memref<1024xf32, #tpu.memory_space<vmem>>, vector<16xf32>,
        %add3A_415 = arith.addf %add3A_412, %get3A_414 : vector<16xf32>
        %add3A_416 = arith.addf %add3A_403, %add3A_415 : vector<16xf32>
        %mul3A_417 = arith.mulf %add3A_415, %add3A_415 : vector<16xf32>
        %add3A_418 = arith.addf %add3A_405, %mul3A_417 : vector<16xf32>
        %get3A_419 = arith.index_cast %scan3A_26 : i32 to index
        %get3A_420 = arith.constant 480 : index
        %get3A_421 = tpu.vector_load %arg10[%get3A_419, %get3A_420] {strides = array<i32>} : memref<16x1024xf32, #tpu.memory_space<vmem>>, vector<16xf32>,
        %get3A_422 = arith.index_cast %scan3A_26 : i32 to index
        %get3A_423 = arith.constant 480 : index
        %get3A_424 = tpu.vector_load %arg11[%get3A_422, %get3A_423] {strides = array<i32>} : memref<16x1024xf32, #tpu.memory_space<vmem>>, vector<16xf32>,
        %add3A_425 = arith.addf %get3A_421, %get3A_424 : vector<16xf32>
        %get3A_426 = arith.constant 480 : index
        %get3A_427 = tpu.vector_load %arg12[%get3A_426] {strides = array<i32>} : memref<1024xf32, #tpu.memory_space<vmem>>, vector<16xf32>,
        %add3A_428 = arith.addf %add3A_425, %get3A_427 : vector<16xf32>
        %add3A_429 = arith.addf %add3A_416, %add3A_428 : vector<16xf32>
        %mul3A_430 = arith.mulf %add3A_428, %add3A_428 : vector<16xf32>
        %add3A_431 = arith.addf %add3A_418, %mul3A_430 : vector<16xf32>
        %get3A_432 = arith.index_cast %scan3A_26 : i32 to index
        %get3A_433 = arith.constant 496 : index
        %get3A_434 = tpu.vector_load %arg10[%get3A_432, %get3A_433] {strides = array<i32>} : memref<16x1024xf32, #tpu.memory_space<vmem>>, vector<16xf32>,
        %get3A_435 = arith.index_cast %scan3A_26 : i32 to index
        %get3A_436 = arith.constant 496 : index
        %get3A_437 = tpu.vector_load %arg11[%get3A_435, %get3A_436] {strides = array<i32>} : memref<16x1024xf32, #tpu.memory_space<vmem>>, vector<16xf32>,
        %add3A_438 = arith.addf %get3A_434, %get3A_437 : vector<16xf32>
        %get3A_439 = arith.constant 496 : index
        %get3A_440 = tpu.vector_load %arg12[%get3A_439] {strides = array<i32>} : memref<1024xf32, #tpu.memory_space<vmem>>, vector<16xf32>,
        %add3A_441 = arith.addf %add3A_438, %get3A_440 : vector<16xf32>
        %add3A_442 = arith.addf %add3A_429, %add3A_441 : vector<16xf32>
        %mul3A_443 = arith.mulf %add3A_441, %add3A_441 : vector<16xf32>
        %add3A_444 = arith.addf %add3A_431, %mul3A_443 : vector<16xf32>
        %get3A_445 = arith.index_cast %scan3A_26 : i32 to index
        %get3A_446 = arith.constant 512 : index
        %get3A_447 = tpu.vector_load %arg10[%get3A_445, %get3A_446] {strides = array<i32>} : memref<16x1024xf32, #tpu.memory_space<vmem>>, vector<16xf32>,
        %get3A_448 = arith.index_cast %scan3A_26 : i32 to index
        %get3A_449 = arith.constant 512 : index
        %get3A_450 = tpu.vector_load %arg11[%get3A_448, %get3A_449] {strides = array<i32>} : memref<16x1024xf32, #tpu.memory_space<vmem>>, vector<16xf32>,
        %add3A_451 = arith.addf %get3A_447, %get3A_450 : vector<16xf32>
        %get3A_452 = arith.constant 512 : index
        %get3A_453 = tpu.vector_load %arg12[%get3A_452] {strides = array<i32>} : memref<1024xf32, #tpu.memory_space<vmem>>, vector<16xf32>,
        %add3A_454 = arith.addf %add3A_451, %get3A_453 : vector<16xf32>
        %add3A_455 = arith.addf %add3A_442, %add3A_454 : vector<16xf32>
        %mul3A_456 = arith.mulf %add3A_454, %add3A_454 : vector<16xf32>
        %add3A_457 = arith.addf %add3A_444, %mul3A_456 : vector<16xf32>
        %get3A_458 = arith.index_cast %scan3A_26 : i32 to index
        %get3A_459 = arith.constant 528 : index
        %get3A_460 = tpu.vector_load %arg10[%get3A_458, %get3A_459] {strides = array<i32>} : memref<16x1024xf32, #tpu.memory_space<vmem>>, vector<16xf32>,
        %get3A_461 = arith.index_cast %scan3A_26 : i32 to index
        %get3A_462 = arith.constant 528 : index
        %get3A_463 = tpu.vector_load %arg11[%get3A_461, %get3A_462] {strides = array<i32>} : memref<16x1024xf32, #tpu.memory_space<vmem>>, vector<16xf32>,
        %add3A_464 = arith.addf %get3A_460, %get3A_463 : vector<16xf32>
        %get3A_465 = arith.constant 528 : index
        %get3A_466 = tpu.vector_load %arg12[%get3A_465] {strides = array<i32>} : memref<1024xf32, #tpu.memory_space<vmem>>, vector<16xf32>,
        %add3A_467 = arith.addf %add3A_464, %get3A_466 : vector<16xf32>
        %add3A_468 = arith.addf %add3A_455, %add3A_467 : vector<16xf32>
        %mul3A_469 = arith.mulf %add3A_467, %add3A_467 : vector<16xf32>
        %add3A_470 = arith.addf %add3A_457, %mul3A_469 : vector<16xf32>
        %get3A_471 = arith.index_cast %scan3A_26 : i32 to index
        %get3A_472 = arith.constant 544 : index
        %get3A_473 = tpu.vector_load %arg10[%get3A_471, %get3A_472] {strides = array<i32>} : memref<16x1024xf32, #tpu.memory_space<vmem>>, vector<16xf32>,
        %get3A_474 = arith.index_cast %scan3A_26 : i32 to index
        %get3A_475 = arith.constant 544 : index
        %get3A_476 = tpu.vector_load %arg11[%get3A_474, %get3A_475] {strides = array<i32>} : memref<16x1024xf32, #tpu.memory_space<vmem>>, vector<16xf32>,
        %add3A_477 = arith.addf %get3A_473, %get3A_476 : vector<16xf32>
        %get3A_478 = arith.constant 544 : index
        %get3A_479 = tpu.vector_load %arg12[%get3A_478] {strides = array<i32>} : memref<1024xf32, #tpu.memory_space<vmem>>, vector<16xf32>,
        %add3A_480 = arith.addf %add3A_477, %get3A_479 : vector<16xf32>
        %add3A_481 = arith.addf %add3A_468, %add3A_480 : vector<16xf32>
        %mul3A_482 = arith.mulf %add3A_480, %add3A_480 : vector<16xf32>
        %add3A_483 = arith.addf %add3A_470, %mul3A_482 : vector<16xf32>
        %get3A_484 = arith.index_cast %scan3A_26 : i32 to index
        %get3A_485 = arith.constant 560 : index
        %get3A_486 = tpu.vector_load %arg10[%get3A_484, %get3A_485] {strides = array<i32>} : memref<16x1024xf32, #tpu.memory_space<vmem>>, vector<16xf32>,
        %get3A_487 = arith.index_cast %scan3A_26 : i32 to index
        %get3A_488 = arith.constant 560 : index
        %get3A_489 = tpu.vector_load %arg11[%get3A_487, %get3A_488] {strides = array<i32>} : memref<16x1024xf32, #tpu.memory_space<vmem>>, vector<16xf32>,
        %add3A_490 = arith.addf %get3A_486, %get3A_489 : vector<16xf32>
        %get3A_491 = arith.constant 560 : index
        %get3A_492 = tpu.vector_load %arg12[%get3A_491] {strides = array<i32>} : memref<1024xf32, #tpu.memory_space<vmem>>, vector<16xf32>,
        %add3A_493 = arith.addf %add3A_490, %get3A_492 : vector<16xf32>
        %add3A_494 = arith.addf %add3A_481, %add3A_493 : vector<16xf32>
        %mul3A_495 = arith.mulf %add3A_493, %add3A_493 : vector<16xf32>
        %add3A_496 = arith.addf %add3A_483, %mul3A_495 : vector<16xf32>
        %get3A_497 = arith.index_cast %scan3A_26 : i32 to index
        %get3A_498 = arith.constant 576 : index
        %get3A_499 = tpu.vector_load %arg10[%get3A_497, %get3A_498] {strides = array<i32>} : memref<16x1024xf32, #tpu.memory_space<vmem>>, vector<16xf32>,
        %get3A_500 = arith.index_cast %scan3A_26 : i32 to index
        %get3A_501 = arith.constant 576 : index
        %get3A_502 = tpu.vector_load %arg11[%get3A_500, %get3A_501] {strides = array<i32>} : memref<16x1024xf32, #tpu.memory_space<vmem>>, vector<16xf32>,
        %add3A_503 = arith.addf %get3A_499, %get3A_502 : vector<16xf32>
        %get3A_504 = arith.constant 576 : index
        %get3A_505 = tpu.vector_load %arg12[%get3A_504] {strides = array<i32>} : memref<1024xf32, #tpu.memory_space<vmem>>, vector<16xf32>,
        %add3A_506 = arith.addf %add3A_503, %get3A_505 : vector<16xf32>
        %add3A_507 = arith.addf %add3A_494, %add3A_506 : vector<16xf32>
        %mul3A_508 = arith.mulf %add3A_506, %add3A_506 : vector<16xf32>
        %add3A_509 = arith.addf %add3A_496, %mul3A_508 : vector<16xf32>
        %get3A_510 = arith.index_cast %scan3A_26 : i32 to index
        %get3A_511 = arith.constant 592 : index
        %get3A_512 = tpu.vector_load %arg10[%get3A_510, %get3A_511] {strides = array<i32>} : memref<16x1024xf32, #tpu.memory_space<vmem>>, vector<16xf32>,
        %get3A_513 = arith.index_cast %scan3A_26 : i32 to index
        %get3A_514 = arith.constant 592 : index
        %get3A_515 = tpu.vector_load %arg11[%get3A_513, %get3A_514] {strides = array<i32>} : memref<16x1024xf32, #tpu.memory_space<vmem>>, vector<16xf32>,
        %add3A_516 = arith.addf %get3A_512, %get3A_515 : vector<16xf32>
        %get3A_517 = arith.constant 592 : index
        %get3A_518 = tpu.vector_load %arg12[%get3A_517] {strides = array<i32>} : memref<1024xf32, #tpu.memory_space<vmem>>, vector<16xf32>,
        %add3A_519 = arith.addf %add3A_516, %get3A_518 : vector<16xf32>
        %add3A_520 = arith.addf %add3A_507, %add3A_519 : vector<16xf32>
        %mul3A_521 = arith.mulf %add3A_519, %add3A_519 : vector<16xf32>
        %add3A_522 = arith.addf %add3A_509, %mul3A_521 : vector<16xf32>
        %get3A_523 = arith.index_cast %scan3A_26 : i32 to index
        %get3A_524 = arith.constant 608 : index
        %get3A_525 = tpu.vector_load %arg10[%get3A_523, %get3A_524] {strides = array<i32>} : memref<16x1024xf32, #tpu.memory_space<vmem>>, vector<16xf32>,
        %get3A_526 = arith.index_cast %scan3A_26 : i32 to index
        %get3A_527 = arith.constant 608 : index
        %get3A_528 = tpu.vector_load %arg11[%get3A_526, %get3A_527] {strides = array<i32>} : memref<16x1024xf32, #tpu.memory_space<vmem>>, vector<16xf32>,
        %add3A_529 = arith.addf %get3A_525, %get3A_528 : vector<16xf32>
        %get3A_530 = arith.constant 608 : index
        %get3A_531 = tpu.vector_load %arg12[%get3A_530] {strides = array<i32>} : memref<1024xf32, #tpu.memory_space<vmem>>, vector<16xf32>,
        %add3A_532 = arith.addf %add3A_529, %get3A_531 : vector<16xf32>
        %add3A_533 = arith.addf %add3A_520, %add3A_532 : vector<16xf32>
        %mul3A_534 = arith.mulf %add3A_532, %add3A_532 : vector<16xf32>
        %add3A_535 = arith.addf %add3A_522, %mul3A_534 : vector<16xf32>
        %get3A_536 = arith.index_cast %scan3A_26 : i32 to index
        %get3A_537 = arith.constant 624 : index
        %get3A_538 = tpu.vector_load %arg10[%get3A_536, %get3A_537] {strides = array<i32>} : memref<16x1024xf32, #tpu.memory_space<vmem>>, vector<16xf32>,
        %get3A_539 = arith.index_cast %scan3A_26 : i32 to index
        %get3A_540 = arith.constant 624 : index
        %get3A_541 = tpu.vector_load %arg11[%get3A_539, %get3A_540] {strides = array<i32>} : memref<16x1024xf32, #tpu.memory_space<vmem>>, vector<16xf32>,
        %add3A_542 = arith.addf %get3A_538, %get3A_541 : vector<16xf32>
        %get3A_543 = arith.constant 624 : index
        %get3A_544 = tpu.vector_load %arg12[%get3A_543] {strides = array<i32>} : memref<1024xf32, #tpu.memory_space<vmem>>, vector<16xf32>,
        %add3A_545 = arith.addf %add3A_542, %get3A_544 : vector<16xf32>
        %add3A_546 = arith.addf %add3A_533, %add3A_545 : vector<16xf32>
        %mul3A_547 = arith.mulf %add3A_545, %add3A_545 : vector<16xf32>
        %add3A_548 = arith.addf %add3A_535, %mul3A_547 : vector<16xf32>
        %get3A_549 = arith.index_cast %scan3A_26 : i32 to index
        %get3A_550 = arith.constant 640 : index
        %get3A_551 = tpu.vector_load %arg10[%get3A_549, %get3A_550] {strides = array<i32>} : memref<16x1024xf32, #tpu.memory_space<vmem>>, vector<16xf32>,
        %get3A_552 = arith.index_cast %scan3A_26 : i32 to index
        %get3A_553 = arith.constant 640 : index
        %get3A_554 = tpu.vector_load %arg11[%get3A_552, %get3A_553] {strides = array<i32>} : memref<16x1024xf32, #tpu.memory_space<vmem>>, vector<16xf32>,
        %add3A_555 = arith.addf %get3A_551, %get3A_554 : vector<16xf32>
        %get3A_556 = arith.constant 640 : index
        %get3A_557 = tpu.vector_load %arg12[%get3A_556] {strides = array<i32>} : memref<1024xf32, #tpu.memory_space<vmem>>, vector<16xf32>,
        %add3A_558 = arith.addf %add3A_555, %get3A_557 : vector<16xf32>
        %add3A_559 = arith.addf %add3A_546, %add3A_558 : vector<16xf32>
        %mul3A_560 = arith.mulf %add3A_558, %add3A_558 : vector<16xf32>
        %add3A_561 = arith.addf %add3A_548, %mul3A_560 : vector<16xf32>
        %get3A_562 = arith.index_cast %scan3A_26 : i32 to index
        %get3A_563 = arith.constant 656 : index
        %get3A_564 = tpu.vector_load %arg10[%get3A_562, %get3A_563] {strides = array<i32>} : memref<16x1024xf32, #tpu.memory_space<vmem>>, vector<16xf32>,
        %get3A_565 = arith.index_cast %scan3A_26 : i32 to index
        %get3A_566 = arith.constant 656 : index
        %get3A_567 = tpu.vector_load %arg11[%get3A_565, %get3A_566] {strides = array<i32>} : memref<16x1024xf32, #tpu.memory_space<vmem>>, vector<16xf32>,
        %add3A_568 = arith.addf %get3A_564, %get3A_567 : vector<16xf32>
        %get3A_569 = arith.constant 656 : index
        %get3A_570 = tpu.vector_load %arg12[%get3A_569] {strides = array<i32>} : memref<1024xf32, #tpu.memory_space<vmem>>, vector<16xf32>,
        %add3A_571 = arith.addf %add3A_568, %get3A_570 : vector<16xf32>
        %add3A_572 = arith.addf %add3A_559, %add3A_571 : vector<16xf32>
        %mul3A_573 = arith.mulf %add3A_571, %add3A_571 : vector<16xf32>
        %add3A_574 = arith.addf %add3A_561, %mul3A_573 : vector<16xf32>
        %get3A_575 = arith.index_cast %scan3A_26 : i32 to index
        %get3A_576 = arith.constant 672 : index
        %get3A_577 = tpu.vector_load %arg10[%get3A_575, %get3A_576] {strides = array<i32>} : memref<16x1024xf32, #tpu.memory_space<vmem>>, vector<16xf32>,
        %get3A_578 = arith.index_cast %scan3A_26 : i32 to index
        %get3A_579 = arith.constant 672 : index
        %get3A_580 = tpu.vector_load %arg11[%get3A_578, %get3A_579] {strides = array<i32>} : memref<16x1024xf32, #tpu.memory_space<vmem>>, vector<16xf32>,
        %add3A_581 = arith.addf %get3A_577, %get3A_580 : vector<16xf32>
        %get3A_582 = arith.constant 672 : index
        %get3A_583 = tpu.vector_load %arg12[%get3A_582] {strides = array<i32>} : memref<1024xf32, #tpu.memory_space<vmem>>, vector<16xf32>,
        %add3A_584 = arith.addf %add3A_581, %get3A_583 : vector<16xf32>
        %add3A_585 = arith.addf %add3A_572, %add3A_584 : vector<16xf32>
        %mul3A_586 = arith.mulf %add3A_584, %add3A_584 : vector<16xf32>
        %add3A_587 = arith.addf %add3A_574, %mul3A_586 : vector<16xf32>
        %get3A_588 = arith.index_cast %scan3A_26 : i32 to index
        %get3A_589 = arith.constant 688 : index
        %get3A_590 = tpu.vector_load %arg10[%get3A_588, %get3A_589] {strides = array<i32>} : memref<16x1024xf32, #tpu.memory_space<vmem>>, vector<16xf32>,
        %get3A_591 = arith.index_cast %scan3A_26 : i32 to index
        %get3A_592 = arith.constant 688 : index
        %get3A_593 = tpu.vector_load %arg11[%get3A_591, %get3A_592] {strides = array<i32>} : memref<16x1024xf32, #tpu.memory_space<vmem>>, vector<16xf32>,
        %add3A_594 = arith.addf %get3A_590, %get3A_593 : vector<16xf32>
        %get3A_595 = arith.constant 688 : index
        %get3A_596 = tpu.vector_load %arg12[%get3A_595] {strides = array<i32>} : memref<1024xf32, #tpu.memory_space<vmem>>, vector<16xf32>,
        %add3A_597 = arith.addf %add3A_594, %get3A_596 : vector<16xf32>
        %add3A_598 = arith.addf %add3A_585, %add3A_597 : vector<16xf32>
        %mul3A_599 = arith.mulf %add3A_597, %add3A_597 : vector<16xf32>
        %add3A_600 = arith.addf %add3A_587, %mul3A_599 : vector<16xf32>
        %get3A_601 = arith.index_cast %scan3A_26 : i32 to index
        %get3A_602 = arith.constant 704 : index
        %get3A_603 = tpu.vector_load %arg10[%get3A_601, %get3A_602] {strides = array<i32>} : memref<16x1024xf32, #tpu.memory_space<vmem>>, vector<16xf32>,
        %get3A_604 = arith.index_cast %scan3A_26 : i32 to index
        %get3A_605 = arith.constant 704 : index
        %get3A_606 = tpu.vector_load %arg11[%get3A_604, %get3A_605] {strides = array<i32>} : memref<16x1024xf32, #tpu.memory_space<vmem>>, vector<16xf32>,
        %add3A_607 = arith.addf %get3A_603, %get3A_606 : vector<16xf32>
        %get3A_608 = arith.constant 704 : index
        %get3A_609 = tpu.vector_load %arg12[%get3A_608] {strides = array<i32>} : memref<1024xf32, #tpu.memory_space<vmem>>, vector<16xf32>,
        %add3A_610 = arith.addf %add3A_607, %get3A_609 : vector<16xf32>
        %add3A_611 = arith.addf %add3A_598, %add3A_610 : vector<16xf32>
        %mul3A_612 = arith.mulf %add3A_610, %add3A_610 : vector<16xf32>
        %add3A_613 = arith.addf %add3A_600, %mul3A_612 : vector<16xf32>
        %get3A_614 = arith.index_cast %scan3A_26 : i32 to index
        %get3A_615 = arith.constant 720 : index
        %get3A_616 = tpu.vector_load %arg10[%get3A_614, %get3A_615] {strides = array<i32>} : memref<16x1024xf32, #tpu.memory_space<vmem>>, vector<16xf32>,
        %get3A_617 = arith.index_cast %scan3A_26 : i32 to index
        %get3A_618 = arith.constant 720 : index
        %get3A_619 = tpu.vector_load %arg11[%get3A_617, %get3A_618] {strides = array<i32>} : memref<16x1024xf32, #tpu.memory_space<vmem>>, vector<16xf32>,
        %add3A_620 = arith.addf %get3A_616, %get3A_619 : vector<16xf32>
        %get3A_621 = arith.constant 720 : index
        %get3A_622 = tpu.vector_load %arg12[%get3A_621] {strides = array<i32>} : memref<1024xf32, #tpu.memory_space<vmem>>, vector<16xf32>,
        %add3A_623 = arith.addf %add3A_620, %get3A_622 : vector<16xf32>
        %add3A_624 = arith.addf %add3A_611, %add3A_623 : vector<16xf32>
        %mul3A_625 = arith.mulf %add3A_623, %add3A_623 : vector<16xf32>
        %add3A_626 = arith.addf %add3A_613, %mul3A_625 : vector<16xf32>
        %get3A_627 = arith.index_cast %scan3A_26 : i32 to index
        %get3A_628 = arith.constant 736 : index
        %get3A_629 = tpu.vector_load %arg10[%get3A_627, %get3A_628] {strides = array<i32>} : memref<16x1024xf32, #tpu.memory_space<vmem>>, vector<16xf32>,
        %get3A_630 = arith.index_cast %scan3A_26 : i32 to index
        %get3A_631 = arith.constant 736 : index
        %get3A_632 = tpu.vector_load %arg11[%get3A_630, %get3A_631] {strides = array<i32>} : memref<16x1024xf32, #tpu.memory_space<vmem>>, vector<16xf32>,
        %add3A_633 = arith.addf %get3A_629, %get3A_632 : vector<16xf32>
        %get3A_634 = arith.constant 736 : index
        %get3A_635 = tpu.vector_load %arg12[%get3A_634] {strides = array<i32>} : memref<1024xf32, #tpu.memory_space<vmem>>, vector<16xf32>,
        %add3A_636 = arith.addf %add3A_633, %get3A_635 : vector<16xf32>
        %add3A_637 = arith.addf %add3A_624, %add3A_636 : vector<16xf32>
        %mul3A_638 = arith.mulf %add3A_636, %add3A_636 : vector<16xf32>
        %add3A_639 = arith.addf %add3A_626, %mul3A_638 : vector<16xf32>
        %get3A_640 = arith.index_cast %scan3A_26 : i32 to index
        %get3A_641 = arith.constant 752 : index
        %get3A_642 = tpu.vector_load %arg10[%get3A_640, %get3A_641] {strides = array<i32>} : memref<16x1024xf32, #tpu.memory_space<vmem>>, vector<16xf32>,
        %get3A_643 = arith.index_cast %scan3A_26 : i32 to index
        %get3A_644 = arith.constant 752 : index
        %get3A_645 = tpu.vector_load %arg11[%get3A_643, %get3A_644] {strides = array<i32>} : memref<16x1024xf32, #tpu.memory_space<vmem>>, vector<16xf32>,
        %add3A_646 = arith.addf %get3A_642, %get3A_645 : vector<16xf32>
        %get3A_647 = arith.constant 752 : index
        %get3A_648 = tpu.vector_load %arg12[%get3A_647] {strides = array<i32>} : memref<1024xf32, #tpu.memory_space<vmem>>, vector<16xf32>,
        %add3A_649 = arith.addf %add3A_646, %get3A_648 : vector<16xf32>
        %add3A_650 = arith.addf %add3A_637, %add3A_649 : vector<16xf32>
        %mul3A_651 = arith.mulf %add3A_649, %add3A_649 : vector<16xf32>
        %add3A_652 = arith.addf %add3A_639, %mul3A_651 : vector<16xf32>
        %get3A_653 = arith.index_cast %scan3A_26 : i32 to index
        %get3A_654 = arith.constant 768 : index
        %get3A_655 = tpu.vector_load %arg10[%get3A_653, %get3A_654] {strides = array<i32>} : memref<16x1024xf32, #tpu.memory_space<vmem>>, vector<16xf32>,
        %get3A_656 = arith.index_cast %scan3A_26 : i32 to index
        %get3A_657 = arith.constant 768 : index
        %get3A_658 = tpu.vector_load %arg11[%get3A_656, %get3A_657] {strides = array<i32>} : memref<16x1024xf32, #tpu.memory_space<vmem>>, vector<16xf32>,
        %add3A_659 = arith.addf %get3A_655, %get3A_658 : vector<16xf32>
        %get3A_660 = arith.constant 768 : index
        %get3A_661 = tpu.vector_load %arg12[%get3A_660] {strides = array<i32>} : memref<1024xf32, #tpu.memory_space<vmem>>, vector<16xf32>,
        %add3A_662 = arith.addf %add3A_659, %get3A_661 : vector<16xf32>
        %add3A_663 = arith.addf %add3A_650, %add3A_662 : vector<16xf32>
        %mul3A_664 = arith.mulf %add3A_662, %add3A_662 : vector<16xf32>
        %add3A_665 = arith.addf %add3A_652, %mul3A_664 : vector<16xf32>
        %get3A_666 = arith.index_cast %scan3A_26 : i32 to index
        %get3A_667 = arith.constant 784 : index
        %get3A_668 = tpu.vector_load %arg10[%get3A_666, %get3A_667] {strides = array<i32>} : memref<16x1024xf32, #tpu.memory_space<vmem>>, vector<16xf32>,
        %get3A_669 = arith.index_cast %scan3A_26 : i32 to index
        %get3A_670 = arith.constant 784 : index
        %get3A_671 = tpu.vector_load %arg11[%get3A_669, %get3A_670] {strides = array<i32>} : memref<16x1024xf32, #tpu.memory_space<vmem>>, vector<16xf32>,
        %add3A_672 = arith.addf %get3A_668, %get3A_671 : vector<16xf32>
        %get3A_673 = arith.constant 784 : index
        %get3A_674 = tpu.vector_load %arg12[%get3A_673] {strides = array<i32>} : memref<1024xf32, #tpu.memory_space<vmem>>, vector<16xf32>,
        %add3A_675 = arith.addf %add3A_672, %get3A_674 : vector<16xf32>
        %add3A_676 = arith.addf %add3A_663, %add3A_675 : vector<16xf32>
        %mul3A_677 = arith.mulf %add3A_675, %add3A_675 : vector<16xf32>
        %add3A_678 = arith.addf %add3A_665, %mul3A_677 : vector<16xf32>
        %get3A_679 = arith.index_cast %scan3A_26 : i32 to index
        %get3A_680 = arith.constant 800 : index
        %get3A_681 = tpu.vector_load %arg10[%get3A_679, %get3A_680] {strides = array<i32>} : memref<16x1024xf32, #tpu.memory_space<vmem>>, vector<16xf32>,
        %get3A_682 = arith.index_cast %scan3A_26 : i32 to index
        %get3A_683 = arith.constant 800 : index
        %get3A_684 = tpu.vector_load %arg11[%get3A_682, %get3A_683] {strides = array<i32>} : memref<16x1024xf32, #tpu.memory_space<vmem>>, vector<16xf32>,
        %add3A_685 = arith.addf %get3A_681, %get3A_684 : vector<16xf32>
        %get3A_686 = arith.constant 800 : index
        %get3A_687 = tpu.vector_load %arg12[%get3A_686] {strides = array<i32>} : memref<1024xf32, #tpu.memory_space<vmem>>, vector<16xf32>,
        %add3A_688 = arith.addf %add3A_685, %get3A_687 : vector<16xf32>
        %add3A_689 = arith.addf %add3A_676, %add3A_688 : vector<16xf32>
        %mul3A_690 = arith.mulf %add3A_688, %add3A_688 : vector<16xf32>
        %add3A_691 = arith.addf %add3A_678, %mul3A_690 : vector<16xf32>
        %get3A_692 = arith.index_cast %scan3A_26 : i32 to index
        %get3A_693 = arith.constant 816 : index
        %get3A_694 = tpu.vector_load %arg10[%get3A_692, %get3A_693] {strides = array<i32>} : memref<16x1024xf32, #tpu.memory_space<vmem>>, vector<16xf32>,
        %get3A_695 = arith.index_cast %scan3A_26 : i32 to index
        %get3A_696 = arith.constant 816 : index
        %get3A_697 = tpu.vector_load %arg11[%get3A_695, %get3A_696] {strides = array<i32>} : memref<16x1024xf32, #tpu.memory_space<vmem>>, vector<16xf32>,
        %add3A_698 = arith.addf %get3A_694, %get3A_697 : vector<16xf32>
        %get3A_699 = arith.constant 816 : index
        %get3A_700 = tpu.vector_load %arg12[%get3A_699] {strides = array<i32>} : memref<1024xf32, #tpu.memory_space<vmem>>, vector<16xf32>,
        %add3A_701 = arith.addf %add3A_698, %get3A_700 : vector<16xf32>
        %add3A_702 = arith.addf %add3A_689, %add3A_701 : vector<16xf32>
        %mul3A_703 = arith.mulf %add3A_701, %add3A_701 : vector<16xf32>
        %add3A_704 = arith.addf %add3A_691, %mul3A_703 : vector<16xf32>
        %get3A_705 = arith.index_cast %scan3A_26 : i32 to index
        %get3A_706 = arith.constant 832 : index
        %get3A_707 = tpu.vector_load %arg10[%get3A_705, %get3A_706] {strides = array<i32>} : memref<16x1024xf32, #tpu.memory_space<vmem>>, vector<16xf32>,
        %get3A_708 = arith.index_cast %scan3A_26 : i32 to index
        %get3A_709 = arith.constant 832 : index
        %get3A_710 = tpu.vector_load %arg11[%get3A_708, %get3A_709] {strides = array<i32>} : memref<16x1024xf32, #tpu.memory_space<vmem>>, vector<16xf32>,
        %add3A_711 = arith.addf %get3A_707, %get3A_710 : vector<16xf32>
        %get3A_712 = arith.constant 832 : index
        %get3A_713 = tpu.vector_load %arg12[%get3A_712] {strides = array<i32>} : memref<1024xf32, #tpu.memory_space<vmem>>, vector<16xf32>,
        %add3A_714 = arith.addf %add3A_711, %get3A_713 : vector<16xf32>
        %add3A_715 = arith.addf %add3A_702, %add3A_714 : vector<16xf32>
        %mul3A_716 = arith.mulf %add3A_714, %add3A_714 : vector<16xf32>
        %add3A_717 = arith.addf %add3A_704, %mul3A_716 : vector<16xf32>
        %get3A_718 = arith.index_cast %scan3A_26 : i32 to index
        %get3A_719 = arith.constant 848 : index
        %get3A_720 = tpu.vector_load %arg10[%get3A_718, %get3A_719] {strides = array<i32>} : memref<16x1024xf32, #tpu.memory_space<vmem>>, vector<16xf32>,
        %get3A_721 = arith.index_cast %scan3A_26 : i32 to index
        %get3A_722 = arith.constant 848 : index
        %get3A_723 = tpu.vector_load %arg11[%get3A_721, %get3A_722] {strides = array<i32>} : memref<16x1024xf32, #tpu.memory_space<vmem>>, vector<16xf32>,
        %add3A_724 = arith.addf %get3A_720, %get3A_723 : vector<16xf32>
        %get3A_725 = arith.constant 848 : index
        %get3A_726 = tpu.vector_load %arg12[%get3A_725] {strides = array<i32>} : memref<1024xf32, #tpu.memory_space<vmem>>, vector<16xf32>,
        %add3A_727 = arith.addf %add3A_724, %get3A_726 : vector<16xf32>
        %add3A_728 = arith.addf %add3A_715, %add3A_727 : vector<16xf32>
        %mul3A_729 = arith.mulf %add3A_727, %add3A_727 : vector<16xf32>
        %add3A_730 = arith.addf %add3A_717, %mul3A_729 : vector<16xf32>
        %get3A_731 = arith.index_cast %scan3A_26 : i32 to index
        %get3A_732 = arith.constant 864 : index
        %get3A_733 = tpu.vector_load %arg10[%get3A_731, %get3A_732] {strides = array<i32>} : memref<16x1024xf32, #tpu.memory_space<vmem>>, vector<16xf32>,
        %get3A_734 = arith.index_cast %scan3A_26 : i32 to index
        %get3A_735 = arith.constant 864 : index
        %get3A_736 = tpu.vector_load %arg11[%get3A_734, %get3A_735] {strides = array<i32>} : memref<16x1024xf32, #tpu.memory_space<vmem>>, vector<16xf32>,
        %add3A_737 = arith.addf %get3A_733, %get3A_736 : vector<16xf32>
        %get3A_738 = arith.constant 864 : index
        %get3A_739 = tpu.vector_load %arg12[%get3A_738] {strides = array<i32>} : memref<1024xf32, #tpu.memory_space<vmem>>, vector<16xf32>,
        %add3A_740 = arith.addf %add3A_737, %get3A_739 : vector<16xf32>
        %add3A_741 = arith.addf %add3A_728, %add3A_740 : vector<16xf32>
        %mul3A_742 = arith.mulf %add3A_740, %add3A_740 : vector<16xf32>
        %add3A_743 = arith.addf %add3A_730, %mul3A_742 : vector<16xf32>
        %get3A_744 = arith.index_cast %scan3A_26 : i32 to index
        %get3A_745 = arith.constant 880 : index
        %get3A_746 = tpu.vector_load %arg10[%get3A_744, %get3A_745] {strides = array<i32>} : memref<16x1024xf32, #tpu.memory_space<vmem>>, vector<16xf32>,
        %get3A_747 = arith.index_cast %scan3A_26 : i32 to index
        %get3A_748 = arith.constant 880 : index
        %get3A_749 = tpu.vector_load %arg11[%get3A_747, %get3A_748] {strides = array<i32>} : memref<16x1024xf32, #tpu.memory_space<vmem>>, vector<16xf32>,
        %add3A_750 = arith.addf %get3A_746, %get3A_749 : vector<16xf32>
        %get3A_751 = arith.constant 880 : index
        %get3A_752 = tpu.vector_load %arg12[%get3A_751] {strides = array<i32>} : memref<1024xf32, #tpu.memory_space<vmem>>, vector<16xf32>,
        %add3A_753 = arith.addf %add3A_750, %get3A_752 : vector<16xf32>
        %add3A_754 = arith.addf %add3A_741, %add3A_753 : vector<16xf32>
        %mul3A_755 = arith.mulf %add3A_753, %add3A_753 : vector<16xf32>
        %add3A_756 = arith.addf %add3A_743, %mul3A_755 : vector<16xf32>
        %get3A_757 = arith.index_cast %scan3A_26 : i32 to index
        %get3A_758 = arith.constant 896 : index
        %get3A_759 = tpu.vector_load %arg10[%get3A_757, %get3A_758] {strides = array<i32>} : memref<16x1024xf32, #tpu.memory_space<vmem>>, vector<16xf32>,
        %get3A_760 = arith.index_cast %scan3A_26 : i32 to index
        %get3A_761 = arith.constant 896 : index
        %get3A_762 = tpu.vector_load %arg11[%get3A_760, %get3A_761] {strides = array<i32>} : memref<16x1024xf32, #tpu.memory_space<vmem>>, vector<16xf32>,
        %add3A_763 = arith.addf %get3A_759, %get3A_762 : vector<16xf32>
        %get3A_764 = arith.constant 896 : index
        %get3A_765 = tpu.vector_load %arg12[%get3A_764] {strides = array<i32>} : memref<1024xf32, #tpu.memory_space<vmem>>, vector<16xf32>,
        %add3A_766 = arith.addf %add3A_763, %get3A_765 : vector<16xf32>
        %add3A_767 = arith.addf %add3A_754, %add3A_766 : vector<16xf32>
        %mul3A_768 = arith.mulf %add3A_766, %add3A_766 : vector<16xf32>
        %add3A_769 = arith.addf %add3A_756, %mul3A_768 : vector<16xf32>
        %get3A_770 = arith.index_cast %scan3A_26 : i32 to index
        %get3A_771 = arith.constant 912 : index
        %get3A_772 = tpu.vector_load %arg10[%get3A_770, %get3A_771] {strides = array<i32>} : memref<16x1024xf32, #tpu.memory_space<vmem>>, vector<16xf32>,
        %get3A_773 = arith.index_cast %scan3A_26 : i32 to index
        %get3A_774 = arith.constant 912 : index
        %get3A_775 = tpu.vector_load %arg11[%get3A_773, %get3A_774] {strides = array<i32>} : memref<16x1024xf32, #tpu.memory_space<vmem>>, vector<16xf32>,
        %add3A_776 = arith.addf %get3A_772, %get3A_775 : vector<16xf32>
        %get3A_777 = arith.constant 912 : index
        %get3A_778 = tpu.vector_load %arg12[%get3A_777] {strides = array<i32>} : memref<1024xf32, #tpu.memory_space<vmem>>, vector<16xf32>,
        %add3A_779 = arith.addf %add3A_776, %get3A_778 : vector<16xf32>
        %add3A_780 = arith.addf %add3A_767, %add3A_779 : vector<16xf32>
        %mul3A_781 = arith.mulf %add3A_779, %add3A_779 : vector<16xf32>
        %add3A_782 = arith.addf %add3A_769, %mul3A_781 : vector<16xf32>
        %get3A_783 = arith.index_cast %scan3A_26 : i32 to index
        %get3A_784 = arith.constant 928 : index
        %get3A_785 = tpu.vector_load %arg10[%get3A_783, %get3A_784] {strides = array<i32>} : memref<16x1024xf32, #tpu.memory_space<vmem>>, vector<16xf32>,
        %get3A_786 = arith.index_cast %scan3A_26 : i32 to index
        %get3A_787 = arith.constant 928 : index
        %get3A_788 = tpu.vector_load %arg11[%get3A_786, %get3A_787] {strides = array<i32>} : memref<16x1024xf32, #tpu.memory_space<vmem>>, vector<16xf32>,
        %add3A_789 = arith.addf %get3A_785, %get3A_788 : vector<16xf32>
        %get3A_790 = arith.constant 928 : index
        %get3A_791 = tpu.vector_load %arg12[%get3A_790] {strides = array<i32>} : memref<1024xf32, #tpu.memory_space<vmem>>, vector<16xf32>,
        %add3A_792 = arith.addf %add3A_789, %get3A_791 : vector<16xf32>
        %add3A_793 = arith.addf %add3A_780, %add3A_792 : vector<16xf32>
        %mul3A_794 = arith.mulf %add3A_792, %add3A_792 : vector<16xf32>
        %add3A_795 = arith.addf %add3A_782, %mul3A_794 : vector<16xf32>
        %get3A_796 = arith.index_cast %scan3A_26 : i32 to index
        %get3A_797 = arith.constant 944 : index
        %get3A_798 = tpu.vector_load %arg10[%get3A_796, %get3A_797] {strides = array<i32>} : memref<16x1024xf32, #tpu.memory_space<vmem>>, vector<16xf32>,
        %get3A_799 = arith.index_cast %scan3A_26 : i32 to index
        %get3A_800 = arith.constant 944 : index
        %get3A_801 = tpu.vector_load %arg11[%get3A_799, %get3A_800] {strides = array<i32>} : memref<16x1024xf32, #tpu.memory_space<vmem>>, vector<16xf32>,
        %add3A_802 = arith.addf %get3A_798, %get3A_801 : vector<16xf32>
        %get3A_803 = arith.constant 944 : index
        %get3A_804 = tpu.vector_load %arg12[%get3A_803] {strides = array<i32>} : memref<1024xf32, #tpu.memory_space<vmem>>, vector<16xf32>,
        %add3A_805 = arith.addf %add3A_802, %get3A_804 : vector<16xf32>
        %add3A_806 = arith.addf %add3A_793, %add3A_805 : vector<16xf32>
        %mul3A_807 = arith.mulf %add3A_805, %add3A_805 : vector<16xf32>
        %add3A_808 = arith.addf %add3A_795, %mul3A_807 : vector<16xf32>
        %get3A_809 = arith.index_cast %scan3A_26 : i32 to index
        %get3A_810 = arith.constant 960 : index
        %get3A_811 = tpu.vector_load %arg10[%get3A_809, %get3A_810] {strides = array<i32>} : memref<16x1024xf32, #tpu.memory_space<vmem>>, vector<16xf32>,
        %get3A_812 = arith.index_cast %scan3A_26 : i32 to index
        %get3A_813 = arith.constant 960 : index
        %get3A_814 = tpu.vector_load %arg11[%get3A_812, %get3A_813] {strides = array<i32>} : memref<16x1024xf32, #tpu.memory_space<vmem>>, vector<16xf32>,
        %add3A_815 = arith.addf %get3A_811, %get3A_814 : vector<16xf32>
        %get3A_816 = arith.constant 960 : index
        %get3A_817 = tpu.vector_load %arg12[%get3A_816] {strides = array<i32>} : memref<1024xf32, #tpu.memory_space<vmem>>, vector<16xf32>,
        %add3A_818 = arith.addf %add3A_815, %get3A_817 : vector<16xf32>
        %add3A_819 = arith.addf %add3A_806, %add3A_818 : vector<16xf32>
        %mul3A_820 = arith.mulf %add3A_818, %add3A_818 : vector<16xf32>
        %add3A_821 = arith.addf %add3A_808, %mul3A_820 : vector<16xf32>
        %get3A_822 = arith.index_cast %scan3A_26 : i32 to index
        %get3A_823 = arith.constant 976 : index
        %get3A_824 = tpu.vector_load %arg10[%get3A_822, %get3A_823] {strides = array<i32>} : memref<16x1024xf32, #tpu.memory_space<vmem>>, vector<16xf32>,
        %get3A_825 = arith.index_cast %scan3A_26 : i32 to index
        %get3A_826 = arith.constant 976 : index
        %get3A_827 = tpu.vector_load %arg11[%get3A_825, %get3A_826] {strides = array<i32>} : memref<16x1024xf32, #tpu.memory_space<vmem>>, vector<16xf32>,
        %add3A_828 = arith.addf %get3A_824, %get3A_827 : vector<16xf32>
        %get3A_829 = arith.constant 976 : index
        %get3A_830 = tpu.vector_load %arg12[%get3A_829] {strides = array<i32>} : memref<1024xf32, #tpu.memory_space<vmem>>, vector<16xf32>,
        %add3A_831 = arith.addf %add3A_828, %get3A_830 : vector<16xf32>
        %add3A_832 = arith.addf %add3A_819, %add3A_831 : vector<16xf32>
        %mul3A_833 = arith.mulf %add3A_831, %add3A_831 : vector<16xf32>
        %add3A_834 = arith.addf %add3A_821, %mul3A_833 : vector<16xf32>
        %get3A_835 = arith.index_cast %scan3A_26 : i32 to index
        %get3A_836 = arith.constant 992 : index
        %get3A_837 = tpu.vector_load %arg10[%get3A_835, %get3A_836] {strides = array<i32>} : memref<16x1024xf32, #tpu.memory_space<vmem>>, vector<16xf32>,
        %get3A_838 = arith.index_cast %scan3A_26 : i32 to index
        %get3A_839 = arith.constant 992 : index
        %get3A_840 = tpu.vector_load %arg11[%get3A_838, %get3A_839] {strides = array<i32>} : memref<16x1024xf32, #tpu.memory_space<vmem>>, vector<16xf32>,
        %add3A_841 = arith.addf %get3A_837, %get3A_840 : vector<16xf32>
        %get3A_842 = arith.constant 992 : index
        %get3A_843 = tpu.vector_load %arg12[%get3A_842] {strides = array<i32>} : memref<1024xf32, #tpu.memory_space<vmem>>, vector<16xf32>,
        %add3A_844 = arith.addf %add3A_841, %get3A_843 : vector<16xf32>
        %add3A_845 = arith.addf %add3A_832, %add3A_844 : vector<16xf32>
        %mul3A_846 = arith.mulf %add3A_844, %add3A_844 : vector<16xf32>
        %add3A_847 = arith.addf %add3A_834, %mul3A_846 : vector<16xf32>
        %get3A_848 = arith.index_cast %scan3A_26 : i32 to index
        %get3A_849 = arith.constant 1008 : index
        %get3A_850 = tpu.vector_load %arg10[%get3A_848, %get3A_849] {strides = array<i32>} : memref<16x1024xf32, #tpu.memory_space<vmem>>, vector<16xf32>,
        %get3A_851 = arith.index_cast %scan3A_26 : i32 to index
        %get3A_852 = arith.constant 1008 : index
        %get3A_853 = tpu.vector_load %arg11[%get3A_851, %get3A_852] {strides = array<i32>} : memref<16x1024xf32, #tpu.memory_space<vmem>>, vector<16xf32>,
        %add3A_854 = arith.addf %get3A_850, %get3A_853 : vector<16xf32>
        %get3A_855 = arith.constant 1008 : index
        %get3A_856 = tpu.vector_load %arg12[%get3A_855] {strides = array<i32>} : memref<1024xf32, #tpu.memory_space<vmem>>, vector<16xf32>,
        %add3A_857 = arith.addf %add3A_854, %get3A_856 : vector<16xf32>
        %add3A_858 = arith.addf %add3A_845, %add3A_857 : vector<16xf32>
        %mul3A_859 = arith.mulf %add3A_857, %add3A_857 : vector<16xf32>
        %add3A_860 = arith.addf %add3A_847, %mul3A_859 : vector<16xf32>
        %iota3A = tpu.iota {dimensions = array<i32: 0>} : vector<16xi32>
        %xor3A = arith.constant 8 : i32
        %xor3A_861 = vector.broadcast %xor3A : i32 to vector<16xi32>
        %xor3A_862 = arith.xori %iota3A, %xor3A_861 : vector<16xi32>
        %broadcast_in_dim3A_863 = vector.shape_cast %xor3A_862 : vector<16xi32> to vector<16x1xi32>
        %gather3A = vector.shape_cast %broadcast_in_dim3A_863 : vector<16x1xi32> to vector<16xi32>
        %gather3A_864 = tpu.dynamic_gather %add3A_858[%gather3A] in [0] : vector<16xf32>, vector<16xi32> -> vector<16xf32>
        %add3A_865 = arith.addf %add3A_858, %gather3A_864 : vector<16xf32>
        %xor3A_866 = arith.constant 4 : i32
        %xor3A_867 = vector.broadcast %xor3A_866 : i32 to vector<16xi32>
        %xor3A_868 = arith.xori %iota3A, %xor3A_867 : vector<16xi32>
        %broadcast_in_dim3A_869 = vector.shape_cast %xor3A_868 : vector<16xi32> to vector<16x1xi32>
        %gather3A_870 = vector.shape_cast %broadcast_in_dim3A_869 : vector<16x1xi32> to vector<16xi32>
        %gather3A_871 = tpu.dynamic_gather %add3A_865[%gather3A_870] in [0] : vector<16xf32>, vector<16xi32> -> vector<16xf32>
        %add3A_872 = arith.addf %add3A_865, %gather3A_871 : vector<16xf32>
        %xor3A_873 = arith.constant 2 : i32
        %xor3A_874 = vector.broadcast %xor3A_873 : i32 to vector<16xi32>
        %xor3A_875 = arith.xori %iota3A, %xor3A_874 : vector<16xi32>
        %broadcast_in_dim3A_876 = vector.shape_cast %xor3A_875 : vector<16xi32> to vector<16x1xi32>
        %gather3A_877 = vector.shape_cast %broadcast_in_dim3A_876 : vector<16x1xi32> to vector<16xi32>
        %gather3A_878 = tpu.dynamic_gather %add3A_872[%gather3A_877] in [0] : vector<16xf32>, vector<16xi32> -> vector<16xf32>
        %add3A_879 = arith.addf %add3A_872, %gather3A_878 : vector<16xf32>
        %xor3A_880 = arith.constant 1 : i32
        %xor3A_881 = vector.broadcast %xor3A_880 : i32 to vector<16xi32>
        %xor3A_882 = arith.xori %iota3A, %xor3A_881 : vector<16xi32>
        %broadcast_in_dim3A_883 = vector.shape_cast %xor3A_882 : vector<16xi32> to vector<16x1xi32>
        %gather3A_884 = vector.shape_cast %broadcast_in_dim3A_883 : vector<16x1xi32> to vector<16xi32>
        %gather3A_885 = tpu.dynamic_gather %add3A_879[%gather3A_884] in [0] : vector<16xf32>, vector<16xi32> -> vector<16xf32>
        %add3A_886 = arith.addf %add3A_879, %gather3A_885 : vector<16xf32>
        %mul3A_887 = arith.constant 9.765625E-4 : f32
        %mul3A_888 = vector.broadcast %mul3A_887 : f32 to vector<16xf32>
        %mul3A_889 = arith.mulf %add3A_886, %mul3A_888 : vector<16xf32>
        %iota3A_890 = tpu.iota {dimensions = array<i32: 0>} : vector<16xi32>
        %xor3A_891 = arith.constant 8 : i32
        %xor3A_892 = vector.broadcast %xor3A_891 : i32 to vector<16xi32>
        %xor3A_893 = arith.xori %iota3A_890, %xor3A_892 : vector<16xi32>
        %broadcast_in_dim3A_894 = vector.shape_cast %xor3A_893 : vector<16xi32> to vector<16x1xi32>
        %gather3A_895 = vector.shape_cast %broadcast_in_dim3A_894 : vector<16x1xi32> to vector<16xi32>
        %gather3A_896 = tpu.dynamic_gather %add3A_860[%gather3A_895] in [0] : vector<16xf32>, vector<16xi32> -> vector<16xf32>
        %add3A_897 = arith.addf %add3A_860, %gather3A_896 : vector<16xf32>
        %xor3A_898 = arith.constant 4 : i32
        %xor3A_899 = vector.broadcast %xor3A_898 : i32 to vector<16xi32>
        %xor3A_900 = arith.xori %iota3A_890, %xor3A_899 : vector<16xi32>
        %broadcast_in_dim3A_901 = vector.shape_cast %xor3A_900 : vector<16xi32> to vector<16x1xi32>
        %gather3A_902 = vector.shape_cast %broadcast_in_dim3A_901 : vector<16x1xi32> to vector<16xi32>
        %gather3A_903 = tpu.dynamic_gather %add3A_897[%gather3A_902] in [0] : vector<16xf32>, vector<16xi32> -> vector<16xf32>
        %add3A_904 = arith.addf %add3A_897, %gather3A_903 : vector<16xf32>
        %xor3A_905 = arith.constant 2 : i32
        %xor3A_906 = vector.broadcast %xor3A_905 : i32 to vector<16xi32>
        %xor3A_907 = arith.xori %iota3A_890, %xor3A_906 : vector<16xi32>
        %broadcast_in_dim3A_908 = vector.shape_cast %xor3A_907 : vector<16xi32> to vector<16x1xi32>
        %gather3A_909 = vector.shape_cast %broadcast_in_dim3A_908 : vector<16x1xi32> to vector<16xi32>
        %gather3A_910 = tpu.dynamic_gather %add3A_904[%gather3A_909] in [0] : vector<16xf32>, vector<16xi32> -> vector<16xf32>
        %add3A_911 = arith.addf %add3A_904, %gather3A_910 : vector<16xf32>
        %xor3A_912 = arith.constant 1 : i32
        %xor3A_913 = vector.broadcast %xor3A_912 : i32 to vector<16xi32>
        %xor3A_914 = arith.xori %iota3A_890, %xor3A_913 : vector<16xi32>
        %broadcast_in_dim3A_915 = vector.shape_cast %xor3A_914 : vector<16xi32> to vector<16x1xi32>
        %gather3A_916 = vector.shape_cast %broadcast_in_dim3A_915 : vector<16x1xi32> to vector<16xi32>
        %gather3A_917 = tpu.dynamic_gather %add3A_911[%gather3A_916] in [0] : vector<16xf32>, vector<16xi32> -> vector<16xf32>
        %add3A_918 = arith.addf %add3A_911, %gather3A_917 : vector<16xf32>
        %mul3A_919 = arith.constant 9.765625E-4 : f32
        %mul3A_920 = vector.broadcast %mul3A_919 : f32 to vector<16xf32>
        %mul3A_921 = arith.mulf %add3A_918, %mul3A_920 : vector<16xf32>
        %mul3A_922 = arith.mulf %mul3A_889, %mul3A_889 : vector<16xf32>
        %sub3A = arith.subf %mul3A_921, %mul3A_922 : vector<16xf32>
        %add3A_923 = arith.constant 9.99999974E-6 : f32
        %add3A_924 = vector.broadcast %add3A_923 : f32 to vector<16xf32>
        %add3A_925 = arith.addf %sub3A, %add3A_924 : vector<16xf32>
        %bitcast3A = vector.bitcast %add3A_925 : vector<16xf32> to vector<16xi32>
        %shift_right_arithmetic3A = arith.constant 1 : i32
        %shift_right_arithmetic3A_926 = vector.broadcast %shift_right_arithmetic3A : i32 to vector<16xi32>
        %shift_right_arithmetic3A_927 = arith.shrsi %bitcast3A, %shift_right_arithmetic3A_926 : vector<16xi32>
        %sub3A_928 = arith.constant 1597463007 : i32
        %sub3A_929 = vector.broadcast %sub3A_928 : i32 to vector<16xi32>
        %sub3A_930 = arith.subi %sub3A_929, %shift_right_arithmetic3A_927 : vector<16xi32>
        %bitcast3A_931 = vector.bitcast %sub3A_930 : vector<16xi32> to vector<16xf32>
        %mul3A_932 = arith.constant 5.000000e-01 : f32
        %mul3A_933 = vector.broadcast %mul3A_932 : f32 to vector<16xf32>
        %mul3A_934 = arith.mulf %mul3A_933, %add3A_925 : vector<16xf32>
        %mul3A_935 = arith.mulf %mul3A_934, %bitcast3A_931 : vector<16xf32>
        %mul3A_936 = arith.mulf %mul3A_935, %bitcast3A_931 : vector<16xf32>
        %sub3A_937 = arith.constant 1.500000e+00 : f32
        %sub3A_938 = vector.broadcast %sub3A_937 : f32 to vector<16xf32>
        %sub3A_939 = arith.subf %sub3A_938, %mul3A_936 : vector<16xf32>
        %mul3A_940 = arith.mulf %bitcast3A_931, %sub3A_939 : vector<16xf32>
        %mul3A_941 = arith.constant 5.000000e-01 : f32
        %mul3A_942 = vector.broadcast %mul3A_941 : f32 to vector<16xf32>
        %mul3A_943 = arith.mulf %mul3A_942, %add3A_925 : vector<16xf32>
        %mul3A_944 = arith.mulf %mul3A_943, %mul3A_940 : vector<16xf32>
        %mul3A_945 = arith.mulf %mul3A_944, %mul3A_940 : vector<16xf32>
        %sub3A_946 = arith.constant 1.500000e+00 : f32
        %sub3A_947 = vector.broadcast %sub3A_946 : f32 to vector<16xf32>
        %sub3A_948 = arith.subf %sub3A_947, %mul3A_945 : vector<16xf32>
        %mul3A_949 = arith.mulf %mul3A_940, %sub3A_948 : vector<16xf32>
        %mul3A_950 = arith.constant 5.000000e-01 : f32
        %mul3A_951 = vector.broadcast %mul3A_950 : f32 to vector<16xf32>
        %mul3A_952 = arith.mulf %mul3A_951, %add3A_925 : vector<16xf32>
        %mul3A_953 = arith.mulf %mul3A_952, %mul3A_949 : vector<16xf32>
        %mul3A_954 = arith.mulf %mul3A_953, %mul3A_949 : vector<16xf32>
        %sub3A_955 = arith.constant 1.500000e+00 : f32
        %sub3A_956 = vector.broadcast %sub3A_955 : f32 to vector<16xf32>
        %sub3A_957 = arith.subf %sub3A_956, %mul3A_954 : vector<16xf32>
        %mul3A_958 = arith.mulf %mul3A_949, %sub3A_957 : vector<16xf32>
        %get3A_959 = arith.index_cast %scan3A_26 : i32 to index
        %get3A_960 = arith.constant 0 : index
        %get3A_961 = tpu.vector_load %arg10[%get3A_959, %get3A_960] {strides = array<i32>} : memref<16x1024xf32, #tpu.memory_space<vmem>>, vector<16xf32>,
        %get3A_962 = arith.index_cast %scan3A_26 : i32 to index
        %get3A_963 = arith.constant 0 : index
        %get3A_964 = tpu.vector_load %arg11[%get3A_962, %get3A_963] {strides = array<i32>} : memref<16x1024xf32, #tpu.memory_space<vmem>>, vector<16xf32>,
        %add3A_965 = arith.addf %get3A_961, %get3A_964 : vector<16xf32>
        %get3A_966 = arith.constant 0 : index
        %get3A_967 = tpu.vector_load %arg12[%get3A_966] {strides = array<i32>} : memref<1024xf32, #tpu.memory_space<vmem>>, vector<16xf32>,
        %add3A_968 = arith.addf %add3A_965, %get3A_967 : vector<16xf32>
        %sub3A_969 = arith.subf %add3A_968, %mul3A_889 : vector<16xf32>
        %mul3A_970 = arith.mulf %sub3A_969, %mul3A_958 : vector<16xf32>
        %get3A_971 = arith.constant 0 : index
        %get3A_972 = tpu.vector_load %arg13[%get3A_971] {strides = array<i32>} : memref<1024xf32, #tpu.memory_space<vmem>>, vector<16xf32>,
        %mul3A_973 = arith.mulf %mul3A_970, %get3A_972 : vector<16xf32>
        %get3A_974 = arith.constant 0 : index
        %get3A_975 = tpu.vector_load %arg14[%get3A_974] {strides = array<i32>} : memref<1024xf32, #tpu.memory_space<vmem>>, vector<16xf32>,
        %add3A_976 = arith.addf %mul3A_973, %get3A_975 : vector<16xf32>
        %swap3A = arith.index_cast %scan3A_26 : i32 to index
        %swap3A_977 = arith.constant 0 : index
        %swap3A_978 = tpu.vector_load %arg10[%swap3A, %swap3A_977] {strides = array<i32>} : memref<16x1024xf32, #tpu.memory_space<vmem>>, vector<16xf32>,
        tpu.vector_store %arg10[%swap3A, %swap3A_977], %add3A_976 {strides = array<i32>} : memref<16x1024xf32, #tpu.memory_space<vmem>>, vector<16xf32>,
        %get3A_979 = arith.index_cast %scan3A_26 : i32 to index
        %get3A_980 = arith.constant 16 : index
        %get3A_981 = tpu.vector_load %arg10[%get3A_979, %get3A_980] {strides = array<i32>} : memref<16x1024xf32, #tpu.memory_space<vmem>>, vector<16xf32>,
        %get3A_982 = arith.index_cast %scan3A_26 : i32 to index
        %get3A_983 = arith.constant 16 : index
        %get3A_984 = tpu.vector_load %arg11[%get3A_982, %get3A_983] {strides = array<i32>} : memref<16x1024xf32, #tpu.memory_space<vmem>>, vector<16xf32>,
        %add3A_985 = arith.addf %get3A_981, %get3A_984 : vector<16xf32>
        %get3A_986 = arith.constant 16 : index
        %get3A_987 = tpu.vector_load %arg12[%get3A_986] {strides = array<i32>} : memref<1024xf32, #tpu.memory_space<vmem>>, vector<16xf32>,
        %add3A_988 = arith.addf %add3A_985, %get3A_987 : vector<16xf32>
        %sub3A_989 = arith.subf %add3A_988, %mul3A_889 : vector<16xf32>
        %mul3A_990 = arith.mulf %sub3A_989, %mul3A_958 : vector<16xf32>
        %get3A_991 = arith.constant 16 : index
        %get3A_992 = tpu.vector_load %arg13[%get3A_991] {strides = array<i32>} : memref<1024xf32, #tpu.memory_space<vmem>>, vector<16xf32>,
        %mul3A_993 = arith.mulf %mul3A_990, %get3A_992 : vector<16xf32>
        %get3A_994 = arith.constant 16 : index
        %get3A_995 = tpu.vector_load %arg14[%get3A_994] {strides = array<i32>} : memref<1024xf32, #tpu.memory_space<vmem>>, vector<16xf32>,
        %add3A_996 = arith.addf %mul3A_993, %get3A_995 : vector<16xf32>
        %swap3A_997 = arith.index_cast %scan3A_26 : i32 to index
        %swap3A_998 = arith.constant 16 : index
        %swap3A_999 = tpu.vector_load %arg10[%swap3A_997, %swap3A_998] {strides = array<i32>} : memref<16x1024xf32, #tpu.memory_space<vmem>>, vector<16xf32>,
        tpu.vector_store %arg10[%swap3A_997, %swap3A_998], %add3A_996 {strides = array<i32>} : memref<16x1024xf32, #tpu.memory_space<vmem>>, vector<16xf32>,
        %get3A_1000 = arith.index_cast %scan3A_26 : i32 to index
        %get3A_1001 = arith.constant 32 : index
        %get3A_1002 = tpu.vector_load %arg10[%get3A_1000, %get3A_1001] {strides = array<i32>} : memref<16x1024xf32, #tpu.memory_space<vmem>>, vector<16xf32>,
        %get3A_1003 = arith.index_cast %scan3A_26 : i32 to index
        %get3A_1004 = arith.constant 32 : index
        %get3A_1005 = tpu.vector_load %arg11[%get3A_1003, %get3A_1004] {strides = array<i32>} : memref<16x1024xf32, #tpu.memory_space<vmem>>, vector<16xf32>,
        %add3A_1006 = arith.addf %get3A_1002, %get3A_1005 : vector<16xf32>
        %get3A_1007 = arith.constant 32 : index
        %get3A_1008 = tpu.vector_load %arg12[%get3A_1007] {strides = array<i32>} : memref<1024xf32, #tpu.memory_space<vmem>>, vector<16xf32>,
        %add3A_1009 = arith.addf %add3A_1006, %get3A_1008 : vector<16xf32>
        %sub3A_1010 = arith.subf %add3A_1009, %mul3A_889 : vector<16xf32>
        %mul3A_1011 = arith.mulf %sub3A_1010, %mul3A_958 : vector<16xf32>
        %get3A_1012 = arith.constant 32 : index
        %get3A_1013 = tpu.vector_load %arg13[%get3A_1012] {strides = array<i32>} : memref<1024xf32, #tpu.memory_space<vmem>>, vector<16xf32>,
        %mul3A_1014 = arith.mulf %mul3A_1011, %get3A_1013 : vector<16xf32>
        %get3A_1015 = arith.constant 32 : index
        %get3A_1016 = tpu.vector_load %arg14[%get3A_1015] {strides = array<i32>} : memref<1024xf32, #tpu.memory_space<vmem>>, vector<16xf32>,
        %add3A_1017 = arith.addf %mul3A_1014, %get3A_1016 : vector<16xf32>
        %swap3A_1018 = arith.index_cast %scan3A_26 : i32 to index
        %swap3A_1019 = arith.constant 32 : index
        %swap3A_1020 = tpu.vector_load %arg10[%swap3A_1018, %swap3A_1019] {strides = array<i32>} : memref<16x1024xf32, #tpu.memory_space<vmem>>, vector<16xf32>,
        tpu.vector_store %arg10[%swap3A_1018, %swap3A_1019], %add3A_1017 {strides = array<i32>} : memref<16x1024xf32, #tpu.memory_space<vmem>>, vector<16xf32>,
        %get3A_1021 = arith.index_cast %scan3A_26 : i32 to index
        %get3A_1022 = arith.constant 48 : index
        %get3A_1023 = tpu.vector_load %arg10[%get3A_1021, %get3A_1022] {strides = array<i32>} : memref<16x1024xf32, #tpu.memory_space<vmem>>, vector<16xf32>,
        %get3A_1024 = arith.index_cast %scan3A_26 : i32 to index
        %get3A_1025 = arith.constant 48 : index
        %get3A_1026 = tpu.vector_load %arg11[%get3A_1024, %get3A_1025] {strides = array<i32>} : memref<16x1024xf32, #tpu.memory_space<vmem>>, vector<16xf32>,
        %add3A_1027 = arith.addf %get3A_1023, %get3A_1026 : vector<16xf32>
        %get3A_1028 = arith.constant 48 : index
        %get3A_1029 = tpu.vector_load %arg12[%get3A_1028] {strides = array<i32>} : memref<1024xf32, #tpu.memory_space<vmem>>, vector<16xf32>,
        %add3A_1030 = arith.addf %add3A_1027, %get3A_1029 : vector<16xf32>
        %sub3A_1031 = arith.subf %add3A_1030, %mul3A_889 : vector<16xf32>
        %mul3A_1032 = arith.mulf %sub3A_1031, %mul3A_958 : vector<16xf32>
        %get3A_1033 = arith.constant 48 : index
        %get3A_1034 = tpu.vector_load %arg13[%get3A_1033] {strides = array<i32>} : memref<1024xf32, #tpu.memory_space<vmem>>, vector<16xf32>,
        %mul3A_1035 = arith.mulf %mul3A_1032, %get3A_1034 : vector<16xf32>
        %get3A_1036 = arith.constant 48 : index
        %get3A_1037 = tpu.vector_load %arg14[%get3A_1036] {strides = array<i32>} : memref<1024xf32, #tpu.memory_space<vmem>>, vector<16xf32>,
        %add3A_1038 = arith.addf %mul3A_1035, %get3A_1037 : vector<16xf32>
        %swap3A_1039 = arith.index_cast %scan3A_26 : i32 to index
        %swap3A_1040 = arith.constant 48 : index
        %swap3A_1041 = tpu.vector_load %arg10[%swap3A_1039, %swap3A_1040] {strides = array<i32>} : memref<16x1024xf32, #tpu.memory_space<vmem>>, vector<16xf32>,
        tpu.vector_store %arg10[%swap3A_1039, %swap3A_1040], %add3A_1038 {strides = array<i32>} : memref<16x1024xf32, #tpu.memory_space<vmem>>, vector<16xf32>,
        %get3A_1042 = arith.index_cast %scan3A_26 : i32 to index
        %get3A_1043 = arith.constant 64 : index
        %get3A_1044 = tpu.vector_load %arg10[%get3A_1042, %get3A_1043] {strides = array<i32>} : memref<16x1024xf32, #tpu.memory_space<vmem>>, vector<16xf32>,
        %get3A_1045 = arith.index_cast %scan3A_26 : i32 to index
        %get3A_1046 = arith.constant 64 : index
        %get3A_1047 = tpu.vector_load %arg11[%get3A_1045, %get3A_1046] {strides = array<i32>} : memref<16x1024xf32, #tpu.memory_space<vmem>>, vector<16xf32>,
        %add3A_1048 = arith.addf %get3A_1044, %get3A_1047 : vector<16xf32>
        %get3A_1049 = arith.constant 64 : index
        %get3A_1050 = tpu.vector_load %arg12[%get3A_1049] {strides = array<i32>} : memref<1024xf32, #tpu.memory_space<vmem>>, vector<16xf32>,
        %add3A_1051 = arith.addf %add3A_1048, %get3A_1050 : vector<16xf32>
        %sub3A_1052 = arith.subf %add3A_1051, %mul3A_889 : vector<16xf32>
        %mul3A_1053 = arith.mulf %sub3A_1052, %mul3A_958 : vector<16xf32>
        %get3A_1054 = arith.constant 64 : index
        %get3A_1055 = tpu.vector_load %arg13[%get3A_1054] {strides = array<i32>} : memref<1024xf32, #tpu.memory_space<vmem>>, vector<16xf32>,
        %mul3A_1056 = arith.mulf %mul3A_1053, %get3A_1055 : vector<16xf32>
        %get3A_1057 = arith.constant 64 : index
        %get3A_1058 = tpu.vector_load %arg14[%get3A_1057] {strides = array<i32>} : memref<1024xf32, #tpu.memory_space<vmem>>, vector<16xf32>,
        %add3A_1059 = arith.addf %mul3A_1056, %get3A_1058 : vector<16xf32>
        %swap3A_1060 = arith.index_cast %scan3A_26 : i32 to index
        %swap3A_1061 = arith.constant 64 : index
        %swap3A_1062 = tpu.vector_load %arg10[%swap3A_1060, %swap3A_1061] {strides = array<i32>} : memref<16x1024xf32, #tpu.memory_space<vmem>>, vector<16xf32>,
        tpu.vector_store %arg10[%swap3A_1060, %swap3A_1061], %add3A_1059 {strides = array<i32>} : memref<16x1024xf32, #tpu.memory_space<vmem>>, vector<16xf32>,
        %get3A_1063 = arith.index_cast %scan3A_26 : i32 to index
        %get3A_1064 = arith.constant 80 : index
        %get3A_1065 = tpu.vector_load %arg10[%get3A_1063, %get3A_1064] {strides = array<i32>} : memref<16x1024xf32, #tpu.memory_space<vmem>>, vector<16xf32>,
        %get3A_1066 = arith.index_cast %scan3A_26 : i32 to index
        %get3A_1067 = arith.constant 80 : index
        %get3A_1068 = tpu.vector_load %arg11[%get3A_1066, %get3A_1067] {strides = array<i32>} : memref<16x1024xf32, #tpu.memory_space<vmem>>, vector<16xf32>,
        %add3A_1069 = arith.addf %get3A_1065, %get3A_1068 : vector<16xf32>
        %get3A_1070 = arith.constant 80 : index
        %get3A_1071 = tpu.vector_load %arg12[%get3A_1070] {strides = array<i32>} : memref<1024xf32, #tpu.memory_space<vmem>>, vector<16xf32>,
        %add3A_1072 = arith.addf %add3A_1069, %get3A_1071 : vector<16xf32>
        %sub3A_1073 = arith.subf %add3A_1072, %mul3A_889 : vector<16xf32>
        %mul3A_1074 = arith.mulf %sub3A_1073, %mul3A_958 : vector<16xf32>
        %get3A_1075 = arith.constant 80 : index
        %get3A_1076 = tpu.vector_load %arg13[%get3A_1075] {strides = array<i32>} : memref<1024xf32, #tpu.memory_space<vmem>>, vector<16xf32>,
        %mul3A_1077 = arith.mulf %mul3A_1074, %get3A_1076 : vector<16xf32>
        %get3A_1078 = arith.constant 80 : index
        %get3A_1079 = tpu.vector_load %arg14[%get3A_1078] {strides = array<i32>} : memref<1024xf32, #tpu.memory_space<vmem>>, vector<16xf32>,
        %add3A_1080 = arith.addf %mul3A_1077, %get3A_1079 : vector<16xf32>
        %swap3A_1081 = arith.index_cast %scan3A_26 : i32 to index
        %swap3A_1082 = arith.constant 80 : index
        %swap3A_1083 = tpu.vector_load %arg10[%swap3A_1081, %swap3A_1082] {strides = array<i32>} : memref<16x1024xf32, #tpu.memory_space<vmem>>, vector<16xf32>,
        tpu.vector_store %arg10[%swap3A_1081, %swap3A_1082], %add3A_1080 {strides = array<i32>} : memref<16x1024xf32, #tpu.memory_space<vmem>>, vector<16xf32>,
        %get3A_1084 = arith.index_cast %scan3A_26 : i32 to index
        %get3A_1085 = arith.constant 96 : index
        %get3A_1086 = tpu.vector_load %arg10[%get3A_1084, %get3A_1085] {strides = array<i32>} : memref<16x1024xf32, #tpu.memory_space<vmem>>, vector<16xf32>,
        %get3A_1087 = arith.index_cast %scan3A_26 : i32 to index
        %get3A_1088 = arith.constant 96 : index
        %get3A_1089 = tpu.vector_load %arg11[%get3A_1087, %get3A_1088] {strides = array<i32>} : memref<16x1024xf32, #tpu.memory_space<vmem>>, vector<16xf32>,
        %add3A_1090 = arith.addf %get3A_1086, %get3A_1089 : vector<16xf32>
        %get3A_1091 = arith.constant 96 : index
        %get3A_1092 = tpu.vector_load %arg12[%get3A_1091] {strides = array<i32>} : memref<1024xf32, #tpu.memory_space<vmem>>, vector<16xf32>,
        %add3A_1093 = arith.addf %add3A_1090, %get3A_1092 : vector<16xf32>
        %sub3A_1094 = arith.subf %add3A_1093, %mul3A_889 : vector<16xf32>
        %mul3A_1095 = arith.mulf %sub3A_1094, %mul3A_958 : vector<16xf32>
        %get3A_1096 = arith.constant 96 : index
        %get3A_1097 = tpu.vector_load %arg13[%get3A_1096] {strides = array<i32>} : memref<1024xf32, #tpu.memory_space<vmem>>, vector<16xf32>,
        %mul3A_1098 = arith.mulf %mul3A_1095, %get3A_1097 : vector<16xf32>
        %get3A_1099 = arith.constant 96 : index
        %get3A_1100 = tpu.vector_load %arg14[%get3A_1099] {strides = array<i32>} : memref<1024xf32, #tpu.memory_space<vmem>>, vector<16xf32>,
        %add3A_1101 = arith.addf %mul3A_1098, %get3A_1100 : vector<16xf32>
        %swap3A_1102 = arith.index_cast %scan3A_26 : i32 to index
        %swap3A_1103 = arith.constant 96 : index
        %swap3A_1104 = tpu.vector_load %arg10[%swap3A_1102, %swap3A_1103] {strides = array<i32>} : memref<16x1024xf32, #tpu.memory_space<vmem>>, vector<16xf32>,
        tpu.vector_store %arg10[%swap3A_1102, %swap3A_1103], %add3A_1101 {strides = array<i32>} : memref<16x1024xf32, #tpu.memory_space<vmem>>, vector<16xf32>,
        %get3A_1105 = arith.index_cast %scan3A_26 : i32 to index
        %get3A_1106 = arith.constant 112 : index
        %get3A_1107 = tpu.vector_load %arg10[%get3A_1105, %get3A_1106] {strides = array<i32>} : memref<16x1024xf32, #tpu.memory_space<vmem>>, vector<16xf32>,
        %get3A_1108 = arith.index_cast %scan3A_26 : i32 to index
        %get3A_1109 = arith.constant 112 : index
        %get3A_1110 = tpu.vector_load %arg11[%get3A_1108, %get3A_1109] {strides = array<i32>} : memref<16x1024xf32, #tpu.memory_space<vmem>>, vector<16xf32>,
        %add3A_1111 = arith.addf %get3A_1107, %get3A_1110 : vector<16xf32>
        %get3A_1112 = arith.constant 112 : index
        %get3A_1113 = tpu.vector_load %arg12[%get3A_1112] {strides = array<i32>} : memref<1024xf32, #tpu.memory_space<vmem>>, vector<16xf32>,
        %add3A_1114 = arith.addf %add3A_1111, %get3A_1113 : vector<16xf32>
        %sub3A_1115 = arith.subf %add3A_1114, %mul3A_889 : vector<16xf32>
        %mul3A_1116 = arith.mulf %sub3A_1115, %mul3A_958 : vector<16xf32>
        %get3A_1117 = arith.constant 112 : index
        %get3A_1118 = tpu.vector_load %arg13[%get3A_1117] {strides = array<i32>} : memref<1024xf32, #tpu.memory_space<vmem>>, vector<16xf32>,
        %mul3A_1119 = arith.mulf %mul3A_1116, %get3A_1118 : vector<16xf32>
        %get3A_1120 = arith.constant 112 : index
        %get3A_1121 = tpu.vector_load %arg14[%get3A_1120] {strides = array<i32>} : memref<1024xf32, #tpu.memory_space<vmem>>, vector<16xf32>,
        %add3A_1122 = arith.addf %mul3A_1119, %get3A_1121 : vector<16xf32>
        %swap3A_1123 = arith.index_cast %scan3A_26 : i32 to index
        %swap3A_1124 = arith.constant 112 : index
        %swap3A_1125 = tpu.vector_load %arg10[%swap3A_1123, %swap3A_1124] {strides = array<i32>} : memref<16x1024xf32, #tpu.memory_space<vmem>>, vector<16xf32>,
        tpu.vector_store %arg10[%swap3A_1123, %swap3A_1124], %add3A_1122 {strides = array<i32>} : memref<16x1024xf32, #tpu.memory_space<vmem>>, vector<16xf32>,
        %get3A_1126 = arith.index_cast %scan3A_26 : i32 to index
        %get3A_1127 = arith.constant 128 : index
        %get3A_1128 = tpu.vector_load %arg10[%get3A_1126, %get3A_1127] {strides = array<i32>} : memref<16x1024xf32, #tpu.memory_space<vmem>>, vector<16xf32>,
        %get3A_1129 = arith.index_cast %scan3A_26 : i32 to index
        %get3A_1130 = arith.constant 128 : index
        %get3A_1131 = tpu.vector_load %arg11[%get3A_1129, %get3A_1130] {strides = array<i32>} : memref<16x1024xf32, #tpu.memory_space<vmem>>, vector<16xf32>,
        %add3A_1132 = arith.addf %get3A_1128, %get3A_1131 : vector<16xf32>
        %get3A_1133 = arith.constant 128 : index
        %get3A_1134 = tpu.vector_load %arg12[%get3A_1133] {strides = array<i32>} : memref<1024xf32, #tpu.memory_space<vmem>>, vector<16xf32>,
        %add3A_1135 = arith.addf %add3A_1132, %get3A_1134 : vector<16xf32>
        %sub3A_1136 = arith.subf %add3A_1135, %mul3A_889 : vector<16xf32>
        %mul3A_1137 = arith.mulf %sub3A_1136, %mul3A_958 : vector<16xf32>
        %get3A_1138 = arith.constant 128 : index
        %get3A_1139 = tpu.vector_load %arg13[%get3A_1138] {strides = array<i32>} : memref<1024xf32, #tpu.memory_space<vmem>>, vector<16xf32>,
        %mul3A_1140 = arith.mulf %mul3A_1137, %get3A_1139 : vector<16xf32>
        %get3A_1141 = arith.constant 128 : index
        %get3A_1142 = tpu.vector_load %arg14[%get3A_1141] {strides = array<i32>} : memref<1024xf32, #tpu.memory_space<vmem>>, vector<16xf32>,
        %add3A_1143 = arith.addf %mul3A_1140, %get3A_1142 : vector<16xf32>
        %swap3A_1144 = arith.index_cast %scan3A_26 : i32 to index
        %swap3A_1145 = arith.constant 128 : index
        %swap3A_1146 = tpu.vector_load %arg10[%swap3A_1144, %swap3A_1145] {strides = array<i32>} : memref<16x1024xf32, #tpu.memory_space<vmem>>, vector<16xf32>,
        tpu.vector_store %arg10[%swap3A_1144, %swap3A_1145], %add3A_1143 {strides = array<i32>} : memref<16x1024xf32, #tpu.memory_space<vmem>>, vector<16xf32>,
        %get3A_1147 = arith.index_cast %scan3A_26 : i32 to index
        %get3A_1148 = arith.constant 144 : index
        %get3A_1149 = tpu.vector_load %arg10[%get3A_1147, %get3A_1148] {strides = array<i32>} : memref<16x1024xf32, #tpu.memory_space<vmem>>, vector<16xf32>,
        %get3A_1150 = arith.index_cast %scan3A_26 : i32 to index
        %get3A_1151 = arith.constant 144 : index
        %get3A_1152 = tpu.vector_load %arg11[%get3A_1150, %get3A_1151] {strides = array<i32>} : memref<16x1024xf32, #tpu.memory_space<vmem>>, vector<16xf32>,
        %add3A_1153 = arith.addf %get3A_1149, %get3A_1152 : vector<16xf32>
        %get3A_1154 = arith.constant 144 : index
        %get3A_1155 = tpu.vector_load %arg12[%get3A_1154] {strides = array<i32>} : memref<1024xf32, #tpu.memory_space<vmem>>, vector<16xf32>,
        %add3A_1156 = arith.addf %add3A_1153, %get3A_1155 : vector<16xf32>
        %sub3A_1157 = arith.subf %add3A_1156, %mul3A_889 : vector<16xf32>
        %mul3A_1158 = arith.mulf %sub3A_1157, %mul3A_958 : vector<16xf32>
        %get3A_1159 = arith.constant 144 : index
        %get3A_1160 = tpu.vector_load %arg13[%get3A_1159] {strides = array<i32>} : memref<1024xf32, #tpu.memory_space<vmem>>, vector<16xf32>,
        %mul3A_1161 = arith.mulf %mul3A_1158, %get3A_1160 : vector<16xf32>
        %get3A_1162 = arith.constant 144 : index
        %get3A_1163 = tpu.vector_load %arg14[%get3A_1162] {strides = array<i32>} : memref<1024xf32, #tpu.memory_space<vmem>>, vector<16xf32>,
        %add3A_1164 = arith.addf %mul3A_1161, %get3A_1163 : vector<16xf32>
        %swap3A_1165 = arith.index_cast %scan3A_26 : i32 to index
        %swap3A_1166 = arith.constant 144 : index
        %swap3A_1167 = tpu.vector_load %arg10[%swap3A_1165, %swap3A_1166] {strides = array<i32>} : memref<16x1024xf32, #tpu.memory_space<vmem>>, vector<16xf32>,
        tpu.vector_store %arg10[%swap3A_1165, %swap3A_1166], %add3A_1164 {strides = array<i32>} : memref<16x1024xf32, #tpu.memory_space<vmem>>, vector<16xf32>,
        %get3A_1168 = arith.index_cast %scan3A_26 : i32 to index
        %get3A_1169 = arith.constant 160 : index
        %get3A_1170 = tpu.vector_load %arg10[%get3A_1168, %get3A_1169] {strides = array<i32>} : memref<16x1024xf32, #tpu.memory_space<vmem>>, vector<16xf32>,
        %get3A_1171 = arith.index_cast %scan3A_26 : i32 to index
        %get3A_1172 = arith.constant 160 : index
        %get3A_1173 = tpu.vector_load %arg11[%get3A_1171, %get3A_1172] {strides = array<i32>} : memref<16x1024xf32, #tpu.memory_space<vmem>>, vector<16xf32>,
        %add3A_1174 = arith.addf %get3A_1170, %get3A_1173 : vector<16xf32>
        %get3A_1175 = arith.constant 160 : index
        %get3A_1176 = tpu.vector_load %arg12[%get3A_1175] {strides = array<i32>} : memref<1024xf32, #tpu.memory_space<vmem>>, vector<16xf32>,
        %add3A_1177 = arith.addf %add3A_1174, %get3A_1176 : vector<16xf32>
        %sub3A_1178 = arith.subf %add3A_1177, %mul3A_889 : vector<16xf32>
        %mul3A_1179 = arith.mulf %sub3A_1178, %mul3A_958 : vector<16xf32>
        %get3A_1180 = arith.constant 160 : index
        %get3A_1181 = tpu.vector_load %arg13[%get3A_1180] {strides = array<i32>} : memref<1024xf32, #tpu.memory_space<vmem>>, vector<16xf32>,
        %mul3A_1182 = arith.mulf %mul3A_1179, %get3A_1181 : vector<16xf32>
        %get3A_1183 = arith.constant 160 : index
        %get3A_1184 = tpu.vector_load %arg14[%get3A_1183] {strides = array<i32>} : memref<1024xf32, #tpu.memory_space<vmem>>, vector<16xf32>,
        %add3A_1185 = arith.addf %mul3A_1182, %get3A_1184 : vector<16xf32>
        %swap3A_1186 = arith.index_cast %scan3A_26 : i32 to index
        %swap3A_1187 = arith.constant 160 : index
        %swap3A_1188 = tpu.vector_load %arg10[%swap3A_1186, %swap3A_1187] {strides = array<i32>} : memref<16x1024xf32, #tpu.memory_space<vmem>>, vector<16xf32>,
        tpu.vector_store %arg10[%swap3A_1186, %swap3A_1187], %add3A_1185 {strides = array<i32>} : memref<16x1024xf32, #tpu.memory_space<vmem>>, vector<16xf32>,
        %get3A_1189 = arith.index_cast %scan3A_26 : i32 to index
        %get3A_1190 = arith.constant 176 : index
        %get3A_1191 = tpu.vector_load %arg10[%get3A_1189, %get3A_1190] {strides = array<i32>} : memref<16x1024xf32, #tpu.memory_space<vmem>>, vector<16xf32>,
        %get3A_1192 = arith.index_cast %scan3A_26 : i32 to index
        %get3A_1193 = arith.constant 176 : index
        %get3A_1194 = tpu.vector_load %arg11[%get3A_1192, %get3A_1193] {strides = array<i32>} : memref<16x1024xf32, #tpu.memory_space<vmem>>, vector<16xf32>,
        %add3A_1195 = arith.addf %get3A_1191, %get3A_1194 : vector<16xf32>
        %get3A_1196 = arith.constant 176 : index
        %get3A_1197 = tpu.vector_load %arg12[%get3A_1196] {strides = array<i32>} : memref<1024xf32, #tpu.memory_space<vmem>>, vector<16xf32>,
        %add3A_1198 = arith.addf %add3A_1195, %get3A_1197 : vector<16xf32>
        %sub3A_1199 = arith.subf %add3A_1198, %mul3A_889 : vector<16xf32>
        %mul3A_1200 = arith.mulf %sub3A_1199, %mul3A_958 : vector<16xf32>
        %get3A_1201 = arith.constant 176 : index
        %get3A_1202 = tpu.vector_load %arg13[%get3A_1201] {strides = array<i32>} : memref<1024xf32, #tpu.memory_space<vmem>>, vector<16xf32>,
        %mul3A_1203 = arith.mulf %mul3A_1200, %get3A_1202 : vector<16xf32>
        %get3A_1204 = arith.constant 176 : index
        %get3A_1205 = tpu.vector_load %arg14[%get3A_1204] {strides = array<i32>} : memref<1024xf32, #tpu.memory_space<vmem>>, vector<16xf32>,
        %add3A_1206 = arith.addf %mul3A_1203, %get3A_1205 : vector<16xf32>
        %swap3A_1207 = arith.index_cast %scan3A_26 : i32 to index
        %swap3A_1208 = arith.constant 176 : index
        %swap3A_1209 = tpu.vector_load %arg10[%swap3A_1207, %swap3A_1208] {strides = array<i32>} : memref<16x1024xf32, #tpu.memory_space<vmem>>, vector<16xf32>,
        tpu.vector_store %arg10[%swap3A_1207, %swap3A_1208], %add3A_1206 {strides = array<i32>} : memref<16x1024xf32, #tpu.memory_space<vmem>>, vector<16xf32>,
        %get3A_1210 = arith.index_cast %scan3A_26 : i32 to index
        %get3A_1211 = arith.constant 192 : index
        %get3A_1212 = tpu.vector_load %arg10[%get3A_1210, %get3A_1211] {strides = array<i32>} : memref<16x1024xf32, #tpu.memory_space<vmem>>, vector<16xf32>,
        %get3A_1213 = arith.index_cast %scan3A_26 : i32 to index
        %get3A_1214 = arith.constant 192 : index
        %get3A_1215 = tpu.vector_load %arg11[%get3A_1213, %get3A_1214] {strides = array<i32>} : memref<16x1024xf32, #tpu.memory_space<vmem>>, vector<16xf32>,
        %add3A_1216 = arith.addf %get3A_1212, %get3A_1215 : vector<16xf32>
        %get3A_1217 = arith.constant 192 : index
        %get3A_1218 = tpu.vector_load %arg12[%get3A_1217] {strides = array<i32>} : memref<1024xf32, #tpu.memory_space<vmem>>, vector<16xf32>,
        %add3A_1219 = arith.addf %add3A_1216, %get3A_1218 : vector<16xf32>
        %sub3A_1220 = arith.subf %add3A_1219, %mul3A_889 : vector<16xf32>
        %mul3A_1221 = arith.mulf %sub3A_1220, %mul3A_958 : vector<16xf32>
        %get3A_1222 = arith.constant 192 : index
        %get3A_1223 = tpu.vector_load %arg13[%get3A_1222] {strides = array<i32>} : memref<1024xf32, #tpu.memory_space<vmem>>, vector<16xf32>,
        %mul3A_1224 = arith.mulf %mul3A_1221, %get3A_1223 : vector<16xf32>
        %get3A_1225 = arith.constant 192 : index
        %get3A_1226 = tpu.vector_load %arg14[%get3A_1225] {strides = array<i32>} : memref<1024xf32, #tpu.memory_space<vmem>>, vector<16xf32>,
        %add3A_1227 = arith.addf %mul3A_1224, %get3A_1226 : vector<16xf32>
        %swap3A_1228 = arith.index_cast %scan3A_26 : i32 to index
        %swap3A_1229 = arith.constant 192 : index
        %swap3A_1230 = tpu.vector_load %arg10[%swap3A_1228, %swap3A_1229] {strides = array<i32>} : memref<16x1024xf32, #tpu.memory_space<vmem>>, vector<16xf32>,
        tpu.vector_store %arg10[%swap3A_1228, %swap3A_1229], %add3A_1227 {strides = array<i32>} : memref<16x1024xf32, #tpu.memory_space<vmem>>, vector<16xf32>,
        %get3A_1231 = arith.index_cast %scan3A_26 : i32 to index
        %get3A_1232 = arith.constant 208 : index
        %get3A_1233 = tpu.vector_load %arg10[%get3A_1231, %get3A_1232] {strides = array<i32>} : memref<16x1024xf32, #tpu.memory_space<vmem>>, vector<16xf32>,
        %get3A_1234 = arith.index_cast %scan3A_26 : i32 to index
        %get3A_1235 = arith.constant 208 : index
        %get3A_1236 = tpu.vector_load %arg11[%get3A_1234, %get3A_1235] {strides = array<i32>} : memref<16x1024xf32, #tpu.memory_space<vmem>>, vector<16xf32>,
        %add3A_1237 = arith.addf %get3A_1233, %get3A_1236 : vector<16xf32>
        %get3A_1238 = arith.constant 208 : index
        %get3A_1239 = tpu.vector_load %arg12[%get3A_1238] {strides = array<i32>} : memref<1024xf32, #tpu.memory_space<vmem>>, vector<16xf32>,
        %add3A_1240 = arith.addf %add3A_1237, %get3A_1239 : vector<16xf32>
        %sub3A_1241 = arith.subf %add3A_1240, %mul3A_889 : vector<16xf32>
        %mul3A_1242 = arith.mulf %sub3A_1241, %mul3A_958 : vector<16xf32>
        %get3A_1243 = arith.constant 208 : index
        %get3A_1244 = tpu.vector_load %arg13[%get3A_1243] {strides = array<i32>} : memref<1024xf32, #tpu.memory_space<vmem>>, vector<16xf32>,
        %mul3A_1245 = arith.mulf %mul3A_1242, %get3A_1244 : vector<16xf32>
        %get3A_1246 = arith.constant 208 : index
        %get3A_1247 = tpu.vector_load %arg14[%get3A_1246] {strides = array<i32>} : memref<1024xf32, #tpu.memory_space<vmem>>, vector<16xf32>,
        %add3A_1248 = arith.addf %mul3A_1245, %get3A_1247 : vector<16xf32>
        %swap3A_1249 = arith.index_cast %scan3A_26 : i32 to index
        %swap3A_1250 = arith.constant 208 : index
        %swap3A_1251 = tpu.vector_load %arg10[%swap3A_1249, %swap3A_1250] {strides = array<i32>} : memref<16x1024xf32, #tpu.memory_space<vmem>>, vector<16xf32>,
        tpu.vector_store %arg10[%swap3A_1249, %swap3A_1250], %add3A_1248 {strides = array<i32>} : memref<16x1024xf32, #tpu.memory_space<vmem>>, vector<16xf32>,
        %get3A_1252 = arith.index_cast %scan3A_26 : i32 to index
        %get3A_1253 = arith.constant 224 : index
        %get3A_1254 = tpu.vector_load %arg10[%get3A_1252, %get3A_1253] {strides = array<i32>} : memref<16x1024xf32, #tpu.memory_space<vmem>>, vector<16xf32>,
        %get3A_1255 = arith.index_cast %scan3A_26 : i32 to index
        %get3A_1256 = arith.constant 224 : index
        %get3A_1257 = tpu.vector_load %arg11[%get3A_1255, %get3A_1256] {strides = array<i32>} : memref<16x1024xf32, #tpu.memory_space<vmem>>, vector<16xf32>,
        %add3A_1258 = arith.addf %get3A_1254, %get3A_1257 : vector<16xf32>
        %get3A_1259 = arith.constant 224 : index
        %get3A_1260 = tpu.vector_load %arg12[%get3A_1259] {strides = array<i32>} : memref<1024xf32, #tpu.memory_space<vmem>>, vector<16xf32>,
        %add3A_1261 = arith.addf %add3A_1258, %get3A_1260 : vector<16xf32>
        %sub3A_1262 = arith.subf %add3A_1261, %mul3A_889 : vector<16xf32>
        %mul3A_1263 = arith.mulf %sub3A_1262, %mul3A_958 : vector<16xf32>
        %get3A_1264 = arith.constant 224 : index
        %get3A_1265 = tpu.vector_load %arg13[%get3A_1264] {strides = array<i32>} : memref<1024xf32, #tpu.memory_space<vmem>>, vector<16xf32>,
        %mul3A_1266 = arith.mulf %mul3A_1263, %get3A_1265 : vector<16xf32>
        %get3A_1267 = arith.constant 224 : index
        %get3A_1268 = tpu.vector_load %arg14[%get3A_1267] {strides = array<i32>} : memref<1024xf32, #tpu.memory_space<vmem>>, vector<16xf32>,
        %add3A_1269 = arith.addf %mul3A_1266, %get3A_1268 : vector<16xf32>
        %swap3A_1270 = arith.index_cast %scan3A_26 : i32 to index
        %swap3A_1271 = arith.constant 224 : index
        %swap3A_1272 = tpu.vector_load %arg10[%swap3A_1270, %swap3A_1271] {strides = array<i32>} : memref<16x1024xf32, #tpu.memory_space<vmem>>, vector<16xf32>,
        tpu.vector_store %arg10[%swap3A_1270, %swap3A_1271], %add3A_1269 {strides = array<i32>} : memref<16x1024xf32, #tpu.memory_space<vmem>>, vector<16xf32>,
        %get3A_1273 = arith.index_cast %scan3A_26 : i32 to index
        %get3A_1274 = arith.constant 240 : index
        %get3A_1275 = tpu.vector_load %arg10[%get3A_1273, %get3A_1274] {strides = array<i32>} : memref<16x1024xf32, #tpu.memory_space<vmem>>, vector<16xf32>,
        %get3A_1276 = arith.index_cast %scan3A_26 : i32 to index
        %get3A_1277 = arith.constant 240 : index
        %get3A_1278 = tpu.vector_load %arg11[%get3A_1276, %get3A_1277] {strides = array<i32>} : memref<16x1024xf32, #tpu.memory_space<vmem>>, vector<16xf32>,
        %add3A_1279 = arith.addf %get3A_1275, %get3A_1278 : vector<16xf32>
        %get3A_1280 = arith.constant 240 : index
        %get3A_1281 = tpu.vector_load %arg12[%get3A_1280] {strides = array<i32>} : memref<1024xf32, #tpu.memory_space<vmem>>, vector<16xf32>,
        %add3A_1282 = arith.addf %add3A_1279, %get3A_1281 : vector<16xf32>
        %sub3A_1283 = arith.subf %add3A_1282, %mul3A_889 : vector<16xf32>
        %mul3A_1284 = arith.mulf %sub3A_1283, %mul3A_958 : vector<16xf32>
        %get3A_1285 = arith.constant 240 : index
        %get3A_1286 = tpu.vector_load %arg13[%get3A_1285] {strides = array<i32>} : memref<1024xf32, #tpu.memory_space<vmem>>, vector<16xf32>,
        %mul3A_1287 = arith.mulf %mul3A_1284, %get3A_1286 : vector<16xf32>
        %get3A_1288 = arith.constant 240 : index
        %get3A_1289 = tpu.vector_load %arg14[%get3A_1288] {strides = array<i32>} : memref<1024xf32, #tpu.memory_space<vmem>>, vector<16xf32>,
        %add3A_1290 = arith.addf %mul3A_1287, %get3A_1289 : vector<16xf32>
        %swap3A_1291 = arith.index_cast %scan3A_26 : i32 to index
        %swap3A_1292 = arith.constant 240 : index
        %swap3A_1293 = tpu.vector_load %arg10[%swap3A_1291, %swap3A_1292] {strides = array<i32>} : memref<16x1024xf32, #tpu.memory_space<vmem>>, vector<16xf32>,
        tpu.vector_store %arg10[%swap3A_1291, %swap3A_1292], %add3A_1290 {strides = array<i32>} : memref<16x1024xf32, #tpu.memory_space<vmem>>, vector<16xf32>,
        %get3A_1294 = arith.index_cast %scan3A_26 : i32 to index
        %get3A_1295 = arith.constant 256 : index
        %get3A_1296 = tpu.vector_load %arg10[%get3A_1294, %get3A_1295] {strides = array<i32>} : memref<16x1024xf32, #tpu.memory_space<vmem>>, vector<16xf32>,
        %get3A_1297 = arith.index_cast %scan3A_26 : i32 to index
        %get3A_1298 = arith.constant 256 : index
        %get3A_1299 = tpu.vector_load %arg11[%get3A_1297, %get3A_1298] {strides = array<i32>} : memref<16x1024xf32, #tpu.memory_space<vmem>>, vector<16xf32>,
        %add3A_1300 = arith.addf %get3A_1296, %get3A_1299 : vector<16xf32>
        %get3A_1301 = arith.constant 256 : index
        %get3A_1302 = tpu.vector_load %arg12[%get3A_1301] {strides = array<i32>} : memref<1024xf32, #tpu.memory_space<vmem>>, vector<16xf32>,
        %add3A_1303 = arith.addf %add3A_1300, %get3A_1302 : vector<16xf32>
        %sub3A_1304 = arith.subf %add3A_1303, %mul3A_889 : vector<16xf32>
        %mul3A_1305 = arith.mulf %sub3A_1304, %mul3A_958 : vector<16xf32>
        %get3A_1306 = arith.constant 256 : index
        %get3A_1307 = tpu.vector_load %arg13[%get3A_1306] {strides = array<i32>} : memref<1024xf32, #tpu.memory_space<vmem>>, vector<16xf32>,
        %mul3A_1308 = arith.mulf %mul3A_1305, %get3A_1307 : vector<16xf32>
        %get3A_1309 = arith.constant 256 : index
        %get3A_1310 = tpu.vector_load %arg14[%get3A_1309] {strides = array<i32>} : memref<1024xf32, #tpu.memory_space<vmem>>, vector<16xf32>,
        %add3A_1311 = arith.addf %mul3A_1308, %get3A_1310 : vector<16xf32>
        %swap3A_1312 = arith.index_cast %scan3A_26 : i32 to index
        %swap3A_1313 = arith.constant 256 : index
        %swap3A_1314 = tpu.vector_load %arg10[%swap3A_1312, %swap3A_1313] {strides = array<i32>} : memref<16x1024xf32, #tpu.memory_space<vmem>>, vector<16xf32>,
        tpu.vector_store %arg10[%swap3A_1312, %swap3A_1313], %add3A_1311 {strides = array<i32>} : memref<16x1024xf32, #tpu.memory_space<vmem>>, vector<16xf32>,
        %get3A_1315 = arith.index_cast %scan3A_26 : i32 to index
        %get3A_1316 = arith.constant 272 : index
        %get3A_1317 = tpu.vector_load %arg10[%get3A_1315, %get3A_1316] {strides = array<i32>} : memref<16x1024xf32, #tpu.memory_space<vmem>>, vector<16xf32>,
        %get3A_1318 = arith.index_cast %scan3A_26 : i32 to index
        %get3A_1319 = arith.constant 272 : index
        %get3A_1320 = tpu.vector_load %arg11[%get3A_1318, %get3A_1319] {strides = array<i32>} : memref<16x1024xf32, #tpu.memory_space<vmem>>, vector<16xf32>,
        %add3A_1321 = arith.addf %get3A_1317, %get3A_1320 : vector<16xf32>
        %get3A_1322 = arith.constant 272 : index
        %get3A_1323 = tpu.vector_load %arg12[%get3A_1322] {strides = array<i32>} : memref<1024xf32, #tpu.memory_space<vmem>>, vector<16xf32>,
        %add3A_1324 = arith.addf %add3A_1321, %get3A_1323 : vector<16xf32>
        %sub3A_1325 = arith.subf %add3A_1324, %mul3A_889 : vector<16xf32>
        %mul3A_1326 = arith.mulf %sub3A_1325, %mul3A_958 : vector<16xf32>
        %get3A_1327 = arith.constant 272 : index
        %get3A_1328 = tpu.vector_load %arg13[%get3A_1327] {strides = array<i32>} : memref<1024xf32, #tpu.memory_space<vmem>>, vector<16xf32>,
        %mul3A_1329 = arith.mulf %mul3A_1326, %get3A_1328 : vector<16xf32>
        %get3A_1330 = arith.constant 272 : index
        %get3A_1331 = tpu.vector_load %arg14[%get3A_1330] {strides = array<i32>} : memref<1024xf32, #tpu.memory_space<vmem>>, vector<16xf32>,
        %add3A_1332 = arith.addf %mul3A_1329, %get3A_1331 : vector<16xf32>
        %swap3A_1333 = arith.index_cast %scan3A_26 : i32 to index
        %swap3A_1334 = arith.constant 272 : index
        %swap3A_1335 = tpu.vector_load %arg10[%swap3A_1333, %swap3A_1334] {strides = array<i32>} : memref<16x1024xf32, #tpu.memory_space<vmem>>, vector<16xf32>,
        tpu.vector_store %arg10[%swap3A_1333, %swap3A_1334], %add3A_1332 {strides = array<i32>} : memref<16x1024xf32, #tpu.memory_space<vmem>>, vector<16xf32>,
        %get3A_1336 = arith.index_cast %scan3A_26 : i32 to index
        %get3A_1337 = arith.constant 288 : index
        %get3A_1338 = tpu.vector_load %arg10[%get3A_1336, %get3A_1337] {strides = array<i32>} : memref<16x1024xf32, #tpu.memory_space<vmem>>, vector<16xf32>,
        %get3A_1339 = arith.index_cast %scan3A_26 : i32 to index
        %get3A_1340 = arith.constant 288 : index
        %get3A_1341 = tpu.vector_load %arg11[%get3A_1339, %get3A_1340] {strides = array<i32>} : memref<16x1024xf32, #tpu.memory_space<vmem>>, vector<16xf32>,
        %add3A_1342 = arith.addf %get3A_1338, %get3A_1341 : vector<16xf32>
        %get3A_1343 = arith.constant 288 : index
        %get3A_1344 = tpu.vector_load %arg12[%get3A_1343] {strides = array<i32>} : memref<1024xf32, #tpu.memory_space<vmem>>, vector<16xf32>,
        %add3A_1345 = arith.addf %add3A_1342, %get3A_1344 : vector<16xf32>
        %sub3A_1346 = arith.subf %add3A_1345, %mul3A_889 : vector<16xf32>
        %mul3A_1347 = arith.mulf %sub3A_1346, %mul3A_958 : vector<16xf32>
        %get3A_1348 = arith.constant 288 : index
        %get3A_1349 = tpu.vector_load %arg13[%get3A_1348] {strides = array<i32>} : memref<1024xf32, #tpu.memory_space<vmem>>, vector<16xf32>,
        %mul3A_1350 = arith.mulf %mul3A_1347, %get3A_1349 : vector<16xf32>
        %get3A_1351 = arith.constant 288 : index
        %get3A_1352 = tpu.vector_load %arg14[%get3A_1351] {strides = array<i32>} : memref<1024xf32, #tpu.memory_space<vmem>>, vector<16xf32>,
        %add3A_1353 = arith.addf %mul3A_1350, %get3A_1352 : vector<16xf32>
        %swap3A_1354 = arith.index_cast %scan3A_26 : i32 to index
        %swap3A_1355 = arith.constant 288 : index
        %swap3A_1356 = tpu.vector_load %arg10[%swap3A_1354, %swap3A_1355] {strides = array<i32>} : memref<16x1024xf32, #tpu.memory_space<vmem>>, vector<16xf32>,
        tpu.vector_store %arg10[%swap3A_1354, %swap3A_1355], %add3A_1353 {strides = array<i32>} : memref<16x1024xf32, #tpu.memory_space<vmem>>, vector<16xf32>,
        %get3A_1357 = arith.index_cast %scan3A_26 : i32 to index
        %get3A_1358 = arith.constant 304 : index
        %get3A_1359 = tpu.vector_load %arg10[%get3A_1357, %get3A_1358] {strides = array<i32>} : memref<16x1024xf32, #tpu.memory_space<vmem>>, vector<16xf32>,
        %get3A_1360 = arith.index_cast %scan3A_26 : i32 to index
        %get3A_1361 = arith.constant 304 : index
        %get3A_1362 = tpu.vector_load %arg11[%get3A_1360, %get3A_1361] {strides = array<i32>} : memref<16x1024xf32, #tpu.memory_space<vmem>>, vector<16xf32>,
        %add3A_1363 = arith.addf %get3A_1359, %get3A_1362 : vector<16xf32>
        %get3A_1364 = arith.constant 304 : index
        %get3A_1365 = tpu.vector_load %arg12[%get3A_1364] {strides = array<i32>} : memref<1024xf32, #tpu.memory_space<vmem>>, vector<16xf32>,
        %add3A_1366 = arith.addf %add3A_1363, %get3A_1365 : vector<16xf32>
        %sub3A_1367 = arith.subf %add3A_1366, %mul3A_889 : vector<16xf32>
        %mul3A_1368 = arith.mulf %sub3A_1367, %mul3A_958 : vector<16xf32>
        %get3A_1369 = arith.constant 304 : index
        %get3A_1370 = tpu.vector_load %arg13[%get3A_1369] {strides = array<i32>} : memref<1024xf32, #tpu.memory_space<vmem>>, vector<16xf32>,
        %mul3A_1371 = arith.mulf %mul3A_1368, %get3A_1370 : vector<16xf32>
        %get3A_1372 = arith.constant 304 : index
        %get3A_1373 = tpu.vector_load %arg14[%get3A_1372] {strides = array<i32>} : memref<1024xf32, #tpu.memory_space<vmem>>, vector<16xf32>,
        %add3A_1374 = arith.addf %mul3A_1371, %get3A_1373 : vector<16xf32>
        %swap3A_1375 = arith.index_cast %scan3A_26 : i32 to index
        %swap3A_1376 = arith.constant 304 : index
        %swap3A_1377 = tpu.vector_load %arg10[%swap3A_1375, %swap3A_1376] {strides = array<i32>} : memref<16x1024xf32, #tpu.memory_space<vmem>>, vector<16xf32>,
        tpu.vector_store %arg10[%swap3A_1375, %swap3A_1376], %add3A_1374 {strides = array<i32>} : memref<16x1024xf32, #tpu.memory_space<vmem>>, vector<16xf32>,
        %get3A_1378 = arith.index_cast %scan3A_26 : i32 to index
        %get3A_1379 = arith.constant 320 : index
        %get3A_1380 = tpu.vector_load %arg10[%get3A_1378, %get3A_1379] {strides = array<i32>} : memref<16x1024xf32, #tpu.memory_space<vmem>>, vector<16xf32>,
        %get3A_1381 = arith.index_cast %scan3A_26 : i32 to index
        %get3A_1382 = arith.constant 320 : index
        %get3A_1383 = tpu.vector_load %arg11[%get3A_1381, %get3A_1382] {strides = array<i32>} : memref<16x1024xf32, #tpu.memory_space<vmem>>, vector<16xf32>,
        %add3A_1384 = arith.addf %get3A_1380, %get3A_1383 : vector<16xf32>
        %get3A_1385 = arith.constant 320 : index
        %get3A_1386 = tpu.vector_load %arg12[%get3A_1385] {strides = array<i32>} : memref<1024xf32, #tpu.memory_space<vmem>>, vector<16xf32>,
        %add3A_1387 = arith.addf %add3A_1384, %get3A_1386 : vector<16xf32>
        %sub3A_1388 = arith.subf %add3A_1387, %mul3A_889 : vector<16xf32>
        %mul3A_1389 = arith.mulf %sub3A_1388, %mul3A_958 : vector<16xf32>
        %get3A_1390 = arith.constant 320 : index
        %get3A_1391 = tpu.vector_load %arg13[%get3A_1390] {strides = array<i32>} : memref<1024xf32, #tpu.memory_space<vmem>>, vector<16xf32>,
        %mul3A_1392 = arith.mulf %mul3A_1389, %get3A_1391 : vector<16xf32>
        %get3A_1393 = arith.constant 320 : index
        %get3A_1394 = tpu.vector_load %arg14[%get3A_1393] {strides = array<i32>} : memref<1024xf32, #tpu.memory_space<vmem>>, vector<16xf32>,
        %add3A_1395 = arith.addf %mul3A_1392, %get3A_1394 : vector<16xf32>
        %swap3A_1396 = arith.index_cast %scan3A_26 : i32 to index
        %swap3A_1397 = arith.constant 320 : index
        %swap3A_1398 = tpu.vector_load %arg10[%swap3A_1396, %swap3A_1397] {strides = array<i32>} : memref<16x1024xf32, #tpu.memory_space<vmem>>, vector<16xf32>,
        tpu.vector_store %arg10[%swap3A_1396, %swap3A_1397], %add3A_1395 {strides = array<i32>} : memref<16x1024xf32, #tpu.memory_space<vmem>>, vector<16xf32>,
        %get3A_1399 = arith.index_cast %scan3A_26 : i32 to index
        %get3A_1400 = arith.constant 336 : index
        %get3A_1401 = tpu.vector_load %arg10[%get3A_1399, %get3A_1400] {strides = array<i32>} : memref<16x1024xf32, #tpu.memory_space<vmem>>, vector<16xf32>,
        %get3A_1402 = arith.index_cast %scan3A_26 : i32 to index
        %get3A_1403 = arith.constant 336 : index
        %get3A_1404 = tpu.vector_load %arg11[%get3A_1402, %get3A_1403] {strides = array<i32>} : memref<16x1024xf32, #tpu.memory_space<vmem>>, vector<16xf32>,
        %add3A_1405 = arith.addf %get3A_1401, %get3A_1404 : vector<16xf32>
        %get3A_1406 = arith.constant 336 : index
        %get3A_1407 = tpu.vector_load %arg12[%get3A_1406] {strides = array<i32>} : memref<1024xf32, #tpu.memory_space<vmem>>, vector<16xf32>,
        %add3A_1408 = arith.addf %add3A_1405, %get3A_1407 : vector<16xf32>
        %sub3A_1409 = arith.subf %add3A_1408, %mul3A_889 : vector<16xf32>
        %mul3A_1410 = arith.mulf %sub3A_1409, %mul3A_958 : vector<16xf32>
        %get3A_1411 = arith.constant 336 : index
        %get3A_1412 = tpu.vector_load %arg13[%get3A_1411] {strides = array<i32>} : memref<1024xf32, #tpu.memory_space<vmem>>, vector<16xf32>,
        %mul3A_1413 = arith.mulf %mul3A_1410, %get3A_1412 : vector<16xf32>
        %get3A_1414 = arith.constant 336 : index
        %get3A_1415 = tpu.vector_load %arg14[%get3A_1414] {strides = array<i32>} : memref<1024xf32, #tpu.memory_space<vmem>>, vector<16xf32>,
        %add3A_1416 = arith.addf %mul3A_1413, %get3A_1415 : vector<16xf32>
        %swap3A_1417 = arith.index_cast %scan3A_26 : i32 to index
        %swap3A_1418 = arith.constant 336 : index
        %swap3A_1419 = tpu.vector_load %arg10[%swap3A_1417, %swap3A_1418] {strides = array<i32>} : memref<16x1024xf32, #tpu.memory_space<vmem>>, vector<16xf32>,
        tpu.vector_store %arg10[%swap3A_1417, %swap3A_1418], %add3A_1416 {strides = array<i32>} : memref<16x1024xf32, #tpu.memory_space<vmem>>, vector<16xf32>,
        %get3A_1420 = arith.index_cast %scan3A_26 : i32 to index
        %get3A_1421 = arith.constant 352 : index
        %get3A_1422 = tpu.vector_load %arg10[%get3A_1420, %get3A_1421] {strides = array<i32>} : memref<16x1024xf32, #tpu.memory_space<vmem>>, vector<16xf32>,
        %get3A_1423 = arith.index_cast %scan3A_26 : i32 to index
        %get3A_1424 = arith.constant 352 : index
        %get3A_1425 = tpu.vector_load %arg11[%get3A_1423, %get3A_1424] {strides = array<i32>} : memref<16x1024xf32, #tpu.memory_space<vmem>>, vector<16xf32>,
        %add3A_1426 = arith.addf %get3A_1422, %get3A_1425 : vector<16xf32>
        %get3A_1427 = arith.constant 352 : index
        %get3A_1428 = tpu.vector_load %arg12[%get3A_1427] {strides = array<i32>} : memref<1024xf32, #tpu.memory_space<vmem>>, vector<16xf32>,
        %add3A_1429 = arith.addf %add3A_1426, %get3A_1428 : vector<16xf32>
        %sub3A_1430 = arith.subf %add3A_1429, %mul3A_889 : vector<16xf32>
        %mul3A_1431 = arith.mulf %sub3A_1430, %mul3A_958 : vector<16xf32>
        %get3A_1432 = arith.constant 352 : index
        %get3A_1433 = tpu.vector_load %arg13[%get3A_1432] {strides = array<i32>} : memref<1024xf32, #tpu.memory_space<vmem>>, vector<16xf32>,
        %mul3A_1434 = arith.mulf %mul3A_1431, %get3A_1433 : vector<16xf32>
        %get3A_1435 = arith.constant 352 : index
        %get3A_1436 = tpu.vector_load %arg14[%get3A_1435] {strides = array<i32>} : memref<1024xf32, #tpu.memory_space<vmem>>, vector<16xf32>,
        %add3A_1437 = arith.addf %mul3A_1434, %get3A_1436 : vector<16xf32>
        %swap3A_1438 = arith.index_cast %scan3A_26 : i32 to index
        %swap3A_1439 = arith.constant 352 : index
        %swap3A_1440 = tpu.vector_load %arg10[%swap3A_1438, %swap3A_1439] {strides = array<i32>} : memref<16x1024xf32, #tpu.memory_space<vmem>>, vector<16xf32>,
        tpu.vector_store %arg10[%swap3A_1438, %swap3A_1439], %add3A_1437 {strides = array<i32>} : memref<16x1024xf32, #tpu.memory_space<vmem>>, vector<16xf32>,
        %get3A_1441 = arith.index_cast %scan3A_26 : i32 to index
        %get3A_1442 = arith.constant 368 : index
        %get3A_1443 = tpu.vector_load %arg10[%get3A_1441, %get3A_1442] {strides = array<i32>} : memref<16x1024xf32, #tpu.memory_space<vmem>>, vector<16xf32>,
        %get3A_1444 = arith.index_cast %scan3A_26 : i32 to index
        %get3A_1445 = arith.constant 368 : index
        %get3A_1446 = tpu.vector_load %arg11[%get3A_1444, %get3A_1445] {strides = array<i32>} : memref<16x1024xf32, #tpu.memory_space<vmem>>, vector<16xf32>,
        %add3A_1447 = arith.addf %get3A_1443, %get3A_1446 : vector<16xf32>
        %get3A_1448 = arith.constant 368 : index
        %get3A_1449 = tpu.vector_load %arg12[%get3A_1448] {strides = array<i32>} : memref<1024xf32, #tpu.memory_space<vmem>>, vector<16xf32>,
        %add3A_1450 = arith.addf %add3A_1447, %get3A_1449 : vector<16xf32>
        %sub3A_1451 = arith.subf %add3A_1450, %mul3A_889 : vector<16xf32>
        %mul3A_1452 = arith.mulf %sub3A_1451, %mul3A_958 : vector<16xf32>
        %get3A_1453 = arith.constant 368 : index
        %get3A_1454 = tpu.vector_load %arg13[%get3A_1453] {strides = array<i32>} : memref<1024xf32, #tpu.memory_space<vmem>>, vector<16xf32>,
        %mul3A_1455 = arith.mulf %mul3A_1452, %get3A_1454 : vector<16xf32>
        %get3A_1456 = arith.constant 368 : index
        %get3A_1457 = tpu.vector_load %arg14[%get3A_1456] {strides = array<i32>} : memref<1024xf32, #tpu.memory_space<vmem>>, vector<16xf32>,
        %add3A_1458 = arith.addf %mul3A_1455, %get3A_1457 : vector<16xf32>
        %swap3A_1459 = arith.index_cast %scan3A_26 : i32 to index
        %swap3A_1460 = arith.constant 368 : index
        %swap3A_1461 = tpu.vector_load %arg10[%swap3A_1459, %swap3A_1460] {strides = array<i32>} : memref<16x1024xf32, #tpu.memory_space<vmem>>, vector<16xf32>,
        tpu.vector_store %arg10[%swap3A_1459, %swap3A_1460], %add3A_1458 {strides = array<i32>} : memref<16x1024xf32, #tpu.memory_space<vmem>>, vector<16xf32>,
        %get3A_1462 = arith.index_cast %scan3A_26 : i32 to index
        %get3A_1463 = arith.constant 384 : index
        %get3A_1464 = tpu.vector_load %arg10[%get3A_1462, %get3A_1463] {strides = array<i32>} : memref<16x1024xf32, #tpu.memory_space<vmem>>, vector<16xf32>,
        %get3A_1465 = arith.index_cast %scan3A_26 : i32 to index
        %get3A_1466 = arith.constant 384 : index
        %get3A_1467 = tpu.vector_load %arg11[%get3A_1465, %get3A_1466] {strides = array<i32>} : memref<16x1024xf32, #tpu.memory_space<vmem>>, vector<16xf32>,
        %add3A_1468 = arith.addf %get3A_1464, %get3A_1467 : vector<16xf32>
        %get3A_1469 = arith.constant 384 : index
        %get3A_1470 = tpu.vector_load %arg12[%get3A_1469] {strides = array<i32>} : memref<1024xf32, #tpu.memory_space<vmem>>, vector<16xf32>,
        %add3A_1471 = arith.addf %add3A_1468, %get3A_1470 : vector<16xf32>
        %sub3A_1472 = arith.subf %add3A_1471, %mul3A_889 : vector<16xf32>
        %mul3A_1473 = arith.mulf %sub3A_1472, %mul3A_958 : vector<16xf32>
        %get3A_1474 = arith.constant 384 : index
        %get3A_1475 = tpu.vector_load %arg13[%get3A_1474] {strides = array<i32>} : memref<1024xf32, #tpu.memory_space<vmem>>, vector<16xf32>,
        %mul3A_1476 = arith.mulf %mul3A_1473, %get3A_1475 : vector<16xf32>
        %get3A_1477 = arith.constant 384 : index
        %get3A_1478 = tpu.vector_load %arg14[%get3A_1477] {strides = array<i32>} : memref<1024xf32, #tpu.memory_space<vmem>>, vector<16xf32>,
        %add3A_1479 = arith.addf %mul3A_1476, %get3A_1478 : vector<16xf32>
        %swap3A_1480 = arith.index_cast %scan3A_26 : i32 to index
        %swap3A_1481 = arith.constant 384 : index
        %swap3A_1482 = tpu.vector_load %arg10[%swap3A_1480, %swap3A_1481] {strides = array<i32>} : memref<16x1024xf32, #tpu.memory_space<vmem>>, vector<16xf32>,
        tpu.vector_store %arg10[%swap3A_1480, %swap3A_1481], %add3A_1479 {strides = array<i32>} : memref<16x1024xf32, #tpu.memory_space<vmem>>, vector<16xf32>,
        %get3A_1483 = arith.index_cast %scan3A_26 : i32 to index
        %get3A_1484 = arith.constant 400 : index
        %get3A_1485 = tpu.vector_load %arg10[%get3A_1483, %get3A_1484] {strides = array<i32>} : memref<16x1024xf32, #tpu.memory_space<vmem>>, vector<16xf32>,
        %get3A_1486 = arith.index_cast %scan3A_26 : i32 to index
        %get3A_1487 = arith.constant 400 : index
        %get3A_1488 = tpu.vector_load %arg11[%get3A_1486, %get3A_1487] {strides = array<i32>} : memref<16x1024xf32, #tpu.memory_space<vmem>>, vector<16xf32>,
        %add3A_1489 = arith.addf %get3A_1485, %get3A_1488 : vector<16xf32>
        %get3A_1490 = arith.constant 400 : index
        %get3A_1491 = tpu.vector_load %arg12[%get3A_1490] {strides = array<i32>} : memref<1024xf32, #tpu.memory_space<vmem>>, vector<16xf32>,
        %add3A_1492 = arith.addf %add3A_1489, %get3A_1491 : vector<16xf32>
        %sub3A_1493 = arith.subf %add3A_1492, %mul3A_889 : vector<16xf32>
        %mul3A_1494 = arith.mulf %sub3A_1493, %mul3A_958 : vector<16xf32>
        %get3A_1495 = arith.constant 400 : index
        %get3A_1496 = tpu.vector_load %arg13[%get3A_1495] {strides = array<i32>} : memref<1024xf32, #tpu.memory_space<vmem>>, vector<16xf32>,
        %mul3A_1497 = arith.mulf %mul3A_1494, %get3A_1496 : vector<16xf32>
        %get3A_1498 = arith.constant 400 : index
        %get3A_1499 = tpu.vector_load %arg14[%get3A_1498] {strides = array<i32>} : memref<1024xf32, #tpu.memory_space<vmem>>, vector<16xf32>,
        %add3A_1500 = arith.addf %mul3A_1497, %get3A_1499 : vector<16xf32>
        %swap3A_1501 = arith.index_cast %scan3A_26 : i32 to index
        %swap3A_1502 = arith.constant 400 : index
        %swap3A_1503 = tpu.vector_load %arg10[%swap3A_1501, %swap3A_1502] {strides = array<i32>} : memref<16x1024xf32, #tpu.memory_space<vmem>>, vector<16xf32>,
        tpu.vector_store %arg10[%swap3A_1501, %swap3A_1502], %add3A_1500 {strides = array<i32>} : memref<16x1024xf32, #tpu.memory_space<vmem>>, vector<16xf32>,
        %get3A_1504 = arith.index_cast %scan3A_26 : i32 to index
        %get3A_1505 = arith.constant 416 : index
        %get3A_1506 = tpu.vector_load %arg10[%get3A_1504, %get3A_1505] {strides = array<i32>} : memref<16x1024xf32, #tpu.memory_space<vmem>>, vector<16xf32>,
        %get3A_1507 = arith.index_cast %scan3A_26 : i32 to index
        %get3A_1508 = arith.constant 416 : index
        %get3A_1509 = tpu.vector_load %arg11[%get3A_1507, %get3A_1508] {strides = array<i32>} : memref<16x1024xf32, #tpu.memory_space<vmem>>, vector<16xf32>,
        %add3A_1510 = arith.addf %get3A_1506, %get3A_1509 : vector<16xf32>
        %get3A_1511 = arith.constant 416 : index
        %get3A_1512 = tpu.vector_load %arg12[%get3A_1511] {strides = array<i32>} : memref<1024xf32, #tpu.memory_space<vmem>>, vector<16xf32>,
        %add3A_1513 = arith.addf %add3A_1510, %get3A_1512 : vector<16xf32>
        %sub3A_1514 = arith.subf %add3A_1513, %mul3A_889 : vector<16xf32>
        %mul3A_1515 = arith.mulf %sub3A_1514, %mul3A_958 : vector<16xf32>
        %get3A_1516 = arith.constant 416 : index
        %get3A_1517 = tpu.vector_load %arg13[%get3A_1516] {strides = array<i32>} : memref<1024xf32, #tpu.memory_space<vmem>>, vector<16xf32>,
        %mul3A_1518 = arith.mulf %mul3A_1515, %get3A_1517 : vector<16xf32>
        %get3A_1519 = arith.constant 416 : index
        %get3A_1520 = tpu.vector_load %arg14[%get3A_1519] {strides = array<i32>} : memref<1024xf32, #tpu.memory_space<vmem>>, vector<16xf32>,
        %add3A_1521 = arith.addf %mul3A_1518, %get3A_1520 : vector<16xf32>
        %swap3A_1522 = arith.index_cast %scan3A_26 : i32 to index
        %swap3A_1523 = arith.constant 416 : index
        %swap3A_1524 = tpu.vector_load %arg10[%swap3A_1522, %swap3A_1523] {strides = array<i32>} : memref<16x1024xf32, #tpu.memory_space<vmem>>, vector<16xf32>,
        tpu.vector_store %arg10[%swap3A_1522, %swap3A_1523], %add3A_1521 {strides = array<i32>} : memref<16x1024xf32, #tpu.memory_space<vmem>>, vector<16xf32>,
        %get3A_1525 = arith.index_cast %scan3A_26 : i32 to index
        %get3A_1526 = arith.constant 432 : index
        %get3A_1527 = tpu.vector_load %arg10[%get3A_1525, %get3A_1526] {strides = array<i32>} : memref<16x1024xf32, #tpu.memory_space<vmem>>, vector<16xf32>,
        %get3A_1528 = arith.index_cast %scan3A_26 : i32 to index
        %get3A_1529 = arith.constant 432 : index
        %get3A_1530 = tpu.vector_load %arg11[%get3A_1528, %get3A_1529] {strides = array<i32>} : memref<16x1024xf32, #tpu.memory_space<vmem>>, vector<16xf32>,
        %add3A_1531 = arith.addf %get3A_1527, %get3A_1530 : vector<16xf32>
        %get3A_1532 = arith.constant 432 : index
        %get3A_1533 = tpu.vector_load %arg12[%get3A_1532] {strides = array<i32>} : memref<1024xf32, #tpu.memory_space<vmem>>, vector<16xf32>,
        %add3A_1534 = arith.addf %add3A_1531, %get3A_1533 : vector<16xf32>
        %sub3A_1535 = arith.subf %add3A_1534, %mul3A_889 : vector<16xf32>
        %mul3A_1536 = arith.mulf %sub3A_1535, %mul3A_958 : vector<16xf32>
        %get3A_1537 = arith.constant 432 : index
        %get3A_1538 = tpu.vector_load %arg13[%get3A_1537] {strides = array<i32>} : memref<1024xf32, #tpu.memory_space<vmem>>, vector<16xf32>,
        %mul3A_1539 = arith.mulf %mul3A_1536, %get3A_1538 : vector<16xf32>
        %get3A_1540 = arith.constant 432 : index
        %get3A_1541 = tpu.vector_load %arg14[%get3A_1540] {strides = array<i32>} : memref<1024xf32, #tpu.memory_space<vmem>>, vector<16xf32>,
        %add3A_1542 = arith.addf %mul3A_1539, %get3A_1541 : vector<16xf32>
        %swap3A_1543 = arith.index_cast %scan3A_26 : i32 to index
        %swap3A_1544 = arith.constant 432 : index
        %swap3A_1545 = tpu.vector_load %arg10[%swap3A_1543, %swap3A_1544] {strides = array<i32>} : memref<16x1024xf32, #tpu.memory_space<vmem>>, vector<16xf32>,
        tpu.vector_store %arg10[%swap3A_1543, %swap3A_1544], %add3A_1542 {strides = array<i32>} : memref<16x1024xf32, #tpu.memory_space<vmem>>, vector<16xf32>,
        %get3A_1546 = arith.index_cast %scan3A_26 : i32 to index
        %get3A_1547 = arith.constant 448 : index
        %get3A_1548 = tpu.vector_load %arg10[%get3A_1546, %get3A_1547] {strides = array<i32>} : memref<16x1024xf32, #tpu.memory_space<vmem>>, vector<16xf32>,
        %get3A_1549 = arith.index_cast %scan3A_26 : i32 to index
        %get3A_1550 = arith.constant 448 : index
        %get3A_1551 = tpu.vector_load %arg11[%get3A_1549, %get3A_1550] {strides = array<i32>} : memref<16x1024xf32, #tpu.memory_space<vmem>>, vector<16xf32>,
        %add3A_1552 = arith.addf %get3A_1548, %get3A_1551 : vector<16xf32>
        %get3A_1553 = arith.constant 448 : index
        %get3A_1554 = tpu.vector_load %arg12[%get3A_1553] {strides = array<i32>} : memref<1024xf32, #tpu.memory_space<vmem>>, vector<16xf32>,
        %add3A_1555 = arith.addf %add3A_1552, %get3A_1554 : vector<16xf32>
        %sub3A_1556 = arith.subf %add3A_1555, %mul3A_889 : vector<16xf32>
        %mul3A_1557 = arith.mulf %sub3A_1556, %mul3A_958 : vector<16xf32>
        %get3A_1558 = arith.constant 448 : index
        %get3A_1559 = tpu.vector_load %arg13[%get3A_1558] {strides = array<i32>} : memref<1024xf32, #tpu.memory_space<vmem>>, vector<16xf32>,
        %mul3A_1560 = arith.mulf %mul3A_1557, %get3A_1559 : vector<16xf32>
        %get3A_1561 = arith.constant 448 : index
        %get3A_1562 = tpu.vector_load %arg14[%get3A_1561] {strides = array<i32>} : memref<1024xf32, #tpu.memory_space<vmem>>, vector<16xf32>,
        %add3A_1563 = arith.addf %mul3A_1560, %get3A_1562 : vector<16xf32>
        %swap3A_1564 = arith.index_cast %scan3A_26 : i32 to index
        %swap3A_1565 = arith.constant 448 : index
        %swap3A_1566 = tpu.vector_load %arg10[%swap3A_1564, %swap3A_1565] {strides = array<i32>} : memref<16x1024xf32, #tpu.memory_space<vmem>>, vector<16xf32>,
        tpu.vector_store %arg10[%swap3A_1564, %swap3A_1565], %add3A_1563 {strides = array<i32>} : memref<16x1024xf32, #tpu.memory_space<vmem>>, vector<16xf32>,
        %get3A_1567 = arith.index_cast %scan3A_26 : i32 to index
        %get3A_1568 = arith.constant 464 : index
        %get3A_1569 = tpu.vector_load %arg10[%get3A_1567, %get3A_1568] {strides = array<i32>} : memref<16x1024xf32, #tpu.memory_space<vmem>>, vector<16xf32>,
        %get3A_1570 = arith.index_cast %scan3A_26 : i32 to index
        %get3A_1571 = arith.constant 464 : index
        %get3A_1572 = tpu.vector_load %arg11[%get3A_1570, %get3A_1571] {strides = array<i32>} : memref<16x1024xf32, #tpu.memory_space<vmem>>, vector<16xf32>,
        %add3A_1573 = arith.addf %get3A_1569, %get3A_1572 : vector<16xf32>
        %get3A_1574 = arith.constant 464 : index
        %get3A_1575 = tpu.vector_load %arg12[%get3A_1574] {strides = array<i32>} : memref<1024xf32, #tpu.memory_space<vmem>>, vector<16xf32>,
        %add3A_1576 = arith.addf %add3A_1573, %get3A_1575 : vector<16xf32>
        %sub3A_1577 = arith.subf %add3A_1576, %mul3A_889 : vector<16xf32>
        %mul3A_1578 = arith.mulf %sub3A_1577, %mul3A_958 : vector<16xf32>
        %get3A_1579 = arith.constant 464 : index
        %get3A_1580 = tpu.vector_load %arg13[%get3A_1579] {strides = array<i32>} : memref<1024xf32, #tpu.memory_space<vmem>>, vector<16xf32>,
        %mul3A_1581 = arith.mulf %mul3A_1578, %get3A_1580 : vector<16xf32>
        %get3A_1582 = arith.constant 464 : index
        %get3A_1583 = tpu.vector_load %arg14[%get3A_1582] {strides = array<i32>} : memref<1024xf32, #tpu.memory_space<vmem>>, vector<16xf32>,
        %add3A_1584 = arith.addf %mul3A_1581, %get3A_1583 : vector<16xf32>
        %swap3A_1585 = arith.index_cast %scan3A_26 : i32 to index
        %swap3A_1586 = arith.constant 464 : index
        %swap3A_1587 = tpu.vector_load %arg10[%swap3A_1585, %swap3A_1586] {strides = array<i32>} : memref<16x1024xf32, #tpu.memory_space<vmem>>, vector<16xf32>,
        tpu.vector_store %arg10[%swap3A_1585, %swap3A_1586], %add3A_1584 {strides = array<i32>} : memref<16x1024xf32, #tpu.memory_space<vmem>>, vector<16xf32>,
        %get3A_1588 = arith.index_cast %scan3A_26 : i32 to index
        %get3A_1589 = arith.constant 480 : index
        %get3A_1590 = tpu.vector_load %arg10[%get3A_1588, %get3A_1589] {strides = array<i32>} : memref<16x1024xf32, #tpu.memory_space<vmem>>, vector<16xf32>,
        %get3A_1591 = arith.index_cast %scan3A_26 : i32 to index
        %get3A_1592 = arith.constant 480 : index
        %get3A_1593 = tpu.vector_load %arg11[%get3A_1591, %get3A_1592] {strides = array<i32>} : memref<16x1024xf32, #tpu.memory_space<vmem>>, vector<16xf32>,
        %add3A_1594 = arith.addf %get3A_1590, %get3A_1593 : vector<16xf32>
        %get3A_1595 = arith.constant 480 : index
        %get3A_1596 = tpu.vector_load %arg12[%get3A_1595] {strides = array<i32>} : memref<1024xf32, #tpu.memory_space<vmem>>, vector<16xf32>,
        %add3A_1597 = arith.addf %add3A_1594, %get3A_1596 : vector<16xf32>
        %sub3A_1598 = arith.subf %add3A_1597, %mul3A_889 : vector<16xf32>
        %mul3A_1599 = arith.mulf %sub3A_1598, %mul3A_958 : vector<16xf32>
        %get3A_1600 = arith.constant 480 : index
        %get3A_1601 = tpu.vector_load %arg13[%get3A_1600] {strides = array<i32>} : memref<1024xf32, #tpu.memory_space<vmem>>, vector<16xf32>,
        %mul3A_1602 = arith.mulf %mul3A_1599, %get3A_1601 : vector<16xf32>
        %get3A_1603 = arith.constant 480 : index
        %get3A_1604 = tpu.vector_load %arg14[%get3A_1603] {strides = array<i32>} : memref<1024xf32, #tpu.memory_space<vmem>>, vector<16xf32>,
        %add3A_1605 = arith.addf %mul3A_1602, %get3A_1604 : vector<16xf32>
        %swap3A_1606 = arith.index_cast %scan3A_26 : i32 to index
        %swap3A_1607 = arith.constant 480 : index
        %swap3A_1608 = tpu.vector_load %arg10[%swap3A_1606, %swap3A_1607] {strides = array<i32>} : memref<16x1024xf32, #tpu.memory_space<vmem>>, vector<16xf32>,
        tpu.vector_store %arg10[%swap3A_1606, %swap3A_1607], %add3A_1605 {strides = array<i32>} : memref<16x1024xf32, #tpu.memory_space<vmem>>, vector<16xf32>,
        %get3A_1609 = arith.index_cast %scan3A_26 : i32 to index
        %get3A_1610 = arith.constant 496 : index
        %get3A_1611 = tpu.vector_load %arg10[%get3A_1609, %get3A_1610] {strides = array<i32>} : memref<16x1024xf32, #tpu.memory_space<vmem>>, vector<16xf32>,
        %get3A_1612 = arith.index_cast %scan3A_26 : i32 to index
        %get3A_1613 = arith.constant 496 : index
        %get3A_1614 = tpu.vector_load %arg11[%get3A_1612, %get3A_1613] {strides = array<i32>} : memref<16x1024xf32, #tpu.memory_space<vmem>>, vector<16xf32>,
        %add3A_1615 = arith.addf %get3A_1611, %get3A_1614 : vector<16xf32>
        %get3A_1616 = arith.constant 496 : index
        %get3A_1617 = tpu.vector_load %arg12[%get3A_1616] {strides = array<i32>} : memref<1024xf32, #tpu.memory_space<vmem>>, vector<16xf32>,
        %add3A_1618 = arith.addf %add3A_1615, %get3A_1617 : vector<16xf32>
        %sub3A_1619 = arith.subf %add3A_1618, %mul3A_889 : vector<16xf32>
        %mul3A_1620 = arith.mulf %sub3A_1619, %mul3A_958 : vector<16xf32>
        %get3A_1621 = arith.constant 496 : index
        %get3A_1622 = tpu.vector_load %arg13[%get3A_1621] {strides = array<i32>} : memref<1024xf32, #tpu.memory_space<vmem>>, vector<16xf32>,
        %mul3A_1623 = arith.mulf %mul3A_1620, %get3A_1622 : vector<16xf32>
        %get3A_1624 = arith.constant 496 : index
        %get3A_1625 = tpu.vector_load %arg14[%get3A_1624] {strides = array<i32>} : memref<1024xf32, #tpu.memory_space<vmem>>, vector<16xf32>,
        %add3A_1626 = arith.addf %mul3A_1623, %get3A_1625 : vector<16xf32>
        %swap3A_1627 = arith.index_cast %scan3A_26 : i32 to index
        %swap3A_1628 = arith.constant 496 : index
        %swap3A_1629 = tpu.vector_load %arg10[%swap3A_1627, %swap3A_1628] {strides = array<i32>} : memref<16x1024xf32, #tpu.memory_space<vmem>>, vector<16xf32>,
        tpu.vector_store %arg10[%swap3A_1627, %swap3A_1628], %add3A_1626 {strides = array<i32>} : memref<16x1024xf32, #tpu.memory_space<vmem>>, vector<16xf32>,
        %get3A_1630 = arith.index_cast %scan3A_26 : i32 to index
        %get3A_1631 = arith.constant 512 : index
        %get3A_1632 = tpu.vector_load %arg10[%get3A_1630, %get3A_1631] {strides = array<i32>} : memref<16x1024xf32, #tpu.memory_space<vmem>>, vector<16xf32>,
        %get3A_1633 = arith.index_cast %scan3A_26 : i32 to index
        %get3A_1634 = arith.constant 512 : index
        %get3A_1635 = tpu.vector_load %arg11[%get3A_1633, %get3A_1634] {strides = array<i32>} : memref<16x1024xf32, #tpu.memory_space<vmem>>, vector<16xf32>,
        %add3A_1636 = arith.addf %get3A_1632, %get3A_1635 : vector<16xf32>
        %get3A_1637 = arith.constant 512 : index
        %get3A_1638 = tpu.vector_load %arg12[%get3A_1637] {strides = array<i32>} : memref<1024xf32, #tpu.memory_space<vmem>>, vector<16xf32>,
        %add3A_1639 = arith.addf %add3A_1636, %get3A_1638 : vector<16xf32>
        %sub3A_1640 = arith.subf %add3A_1639, %mul3A_889 : vector<16xf32>
        %mul3A_1641 = arith.mulf %sub3A_1640, %mul3A_958 : vector<16xf32>
        %get3A_1642 = arith.constant 512 : index
        %get3A_1643 = tpu.vector_load %arg13[%get3A_1642] {strides = array<i32>} : memref<1024xf32, #tpu.memory_space<vmem>>, vector<16xf32>,
        %mul3A_1644 = arith.mulf %mul3A_1641, %get3A_1643 : vector<16xf32>
        %get3A_1645 = arith.constant 512 : index
        %get3A_1646 = tpu.vector_load %arg14[%get3A_1645] {strides = array<i32>} : memref<1024xf32, #tpu.memory_space<vmem>>, vector<16xf32>,
        %add3A_1647 = arith.addf %mul3A_1644, %get3A_1646 : vector<16xf32>
        %swap3A_1648 = arith.index_cast %scan3A_26 : i32 to index
        %swap3A_1649 = arith.constant 512 : index
        %swap3A_1650 = tpu.vector_load %arg10[%swap3A_1648, %swap3A_1649] {strides = array<i32>} : memref<16x1024xf32, #tpu.memory_space<vmem>>, vector<16xf32>,
        tpu.vector_store %arg10[%swap3A_1648, %swap3A_1649], %add3A_1647 {strides = array<i32>} : memref<16x1024xf32, #tpu.memory_space<vmem>>, vector<16xf32>,
        %get3A_1651 = arith.index_cast %scan3A_26 : i32 to index
        %get3A_1652 = arith.constant 528 : index
        %get3A_1653 = tpu.vector_load %arg10[%get3A_1651, %get3A_1652] {strides = array<i32>} : memref<16x1024xf32, #tpu.memory_space<vmem>>, vector<16xf32>,
        %get3A_1654 = arith.index_cast %scan3A_26 : i32 to index
        %get3A_1655 = arith.constant 528 : index
        %get3A_1656 = tpu.vector_load %arg11[%get3A_1654, %get3A_1655] {strides = array<i32>} : memref<16x1024xf32, #tpu.memory_space<vmem>>, vector<16xf32>,
        %add3A_1657 = arith.addf %get3A_1653, %get3A_1656 : vector<16xf32>
        %get3A_1658 = arith.constant 528 : index
        %get3A_1659 = tpu.vector_load %arg12[%get3A_1658] {strides = array<i32>} : memref<1024xf32, #tpu.memory_space<vmem>>, vector<16xf32>,
        %add3A_1660 = arith.addf %add3A_1657, %get3A_1659 : vector<16xf32>
        %sub3A_1661 = arith.subf %add3A_1660, %mul3A_889 : vector<16xf32>
        %mul3A_1662 = arith.mulf %sub3A_1661, %mul3A_958 : vector<16xf32>
        %get3A_1663 = arith.constant 528 : index
        %get3A_1664 = tpu.vector_load %arg13[%get3A_1663] {strides = array<i32>} : memref<1024xf32, #tpu.memory_space<vmem>>, vector<16xf32>,
        %mul3A_1665 = arith.mulf %mul3A_1662, %get3A_1664 : vector<16xf32>
        %get3A_1666 = arith.constant 528 : index
        %get3A_1667 = tpu.vector_load %arg14[%get3A_1666] {strides = array<i32>} : memref<1024xf32, #tpu.memory_space<vmem>>, vector<16xf32>,
        %add3A_1668 = arith.addf %mul3A_1665, %get3A_1667 : vector<16xf32>
        %swap3A_1669 = arith.index_cast %scan3A_26 : i32 to index
        %swap3A_1670 = arith.constant 528 : index
        %swap3A_1671 = tpu.vector_load %arg10[%swap3A_1669, %swap3A_1670] {strides = array<i32>} : memref<16x1024xf32, #tpu.memory_space<vmem>>, vector<16xf32>,
        tpu.vector_store %arg10[%swap3A_1669, %swap3A_1670], %add3A_1668 {strides = array<i32>} : memref<16x1024xf32, #tpu.memory_space<vmem>>, vector<16xf32>,
        %get3A_1672 = arith.index_cast %scan3A_26 : i32 to index
        %get3A_1673 = arith.constant 544 : index
        %get3A_1674 = tpu.vector_load %arg10[%get3A_1672, %get3A_1673] {strides = array<i32>} : memref<16x1024xf32, #tpu.memory_space<vmem>>, vector<16xf32>,
        %get3A_1675 = arith.index_cast %scan3A_26 : i32 to index
        %get3A_1676 = arith.constant 544 : index
        %get3A_1677 = tpu.vector_load %arg11[%get3A_1675, %get3A_1676] {strides = array<i32>} : memref<16x1024xf32, #tpu.memory_space<vmem>>, vector<16xf32>,
        %add3A_1678 = arith.addf %get3A_1674, %get3A_1677 : vector<16xf32>
        %get3A_1679 = arith.constant 544 : index
        %get3A_1680 = tpu.vector_load %arg12[%get3A_1679] {strides = array<i32>} : memref<1024xf32, #tpu.memory_space<vmem>>, vector<16xf32>,
        %add3A_1681 = arith.addf %add3A_1678, %get3A_1680 : vector<16xf32>
        %sub3A_1682 = arith.subf %add3A_1681, %mul3A_889 : vector<16xf32>
        %mul3A_1683 = arith.mulf %sub3A_1682, %mul3A_958 : vector<16xf32>
        %get3A_1684 = arith.constant 544 : index
        %get3A_1685 = tpu.vector_load %arg13[%get3A_1684] {strides = array<i32>} : memref<1024xf32, #tpu.memory_space<vmem>>, vector<16xf32>,
        %mul3A_1686 = arith.mulf %mul3A_1683, %get3A_1685 : vector<16xf32>
        %get3A_1687 = arith.constant 544 : index
        %get3A_1688 = tpu.vector_load %arg14[%get3A_1687] {strides = array<i32>} : memref<1024xf32, #tpu.memory_space<vmem>>, vector<16xf32>,
        %add3A_1689 = arith.addf %mul3A_1686, %get3A_1688 : vector<16xf32>
        %swap3A_1690 = arith.index_cast %scan3A_26 : i32 to index
        %swap3A_1691 = arith.constant 544 : index
        %swap3A_1692 = tpu.vector_load %arg10[%swap3A_1690, %swap3A_1691] {strides = array<i32>} : memref<16x1024xf32, #tpu.memory_space<vmem>>, vector<16xf32>,
        tpu.vector_store %arg10[%swap3A_1690, %swap3A_1691], %add3A_1689 {strides = array<i32>} : memref<16x1024xf32, #tpu.memory_space<vmem>>, vector<16xf32>,
        %get3A_1693 = arith.index_cast %scan3A_26 : i32 to index
        %get3A_1694 = arith.constant 560 : index
        %get3A_1695 = tpu.vector_load %arg10[%get3A_1693, %get3A_1694] {strides = array<i32>} : memref<16x1024xf32, #tpu.memory_space<vmem>>, vector<16xf32>,
        %get3A_1696 = arith.index_cast %scan3A_26 : i32 to index
        %get3A_1697 = arith.constant 560 : index
        %get3A_1698 = tpu.vector_load %arg11[%get3A_1696, %get3A_1697] {strides = array<i32>} : memref<16x1024xf32, #tpu.memory_space<vmem>>, vector<16xf32>,
        %add3A_1699 = arith.addf %get3A_1695, %get3A_1698 : vector<16xf32>
        %get3A_1700 = arith.constant 560 : index
        %get3A_1701 = tpu.vector_load %arg12[%get3A_1700] {strides = array<i32>} : memref<1024xf32, #tpu.memory_space<vmem>>, vector<16xf32>,
        %add3A_1702 = arith.addf %add3A_1699, %get3A_1701 : vector<16xf32>
        %sub3A_1703 = arith.subf %add3A_1702, %mul3A_889 : vector<16xf32>
        %mul3A_1704 = arith.mulf %sub3A_1703, %mul3A_958 : vector<16xf32>
        %get3A_1705 = arith.constant 560 : index
        %get3A_1706 = tpu.vector_load %arg13[%get3A_1705] {strides = array<i32>} : memref<1024xf32, #tpu.memory_space<vmem>>, vector<16xf32>,
        %mul3A_1707 = arith.mulf %mul3A_1704, %get3A_1706 : vector<16xf32>
        %get3A_1708 = arith.constant 560 : index
        %get3A_1709 = tpu.vector_load %arg14[%get3A_1708] {strides = array<i32>} : memref<1024xf32, #tpu.memory_space<vmem>>, vector<16xf32>,
        %add3A_1710 = arith.addf %mul3A_1707, %get3A_1709 : vector<16xf32>
        %swap3A_1711 = arith.index_cast %scan3A_26 : i32 to index
        %swap3A_1712 = arith.constant 560 : index
        %swap3A_1713 = tpu.vector_load %arg10[%swap3A_1711, %swap3A_1712] {strides = array<i32>} : memref<16x1024xf32, #tpu.memory_space<vmem>>, vector<16xf32>,
        tpu.vector_store %arg10[%swap3A_1711, %swap3A_1712], %add3A_1710 {strides = array<i32>} : memref<16x1024xf32, #tpu.memory_space<vmem>>, vector<16xf32>,
        %get3A_1714 = arith.index_cast %scan3A_26 : i32 to index
        %get3A_1715 = arith.constant 576 : index
        %get3A_1716 = tpu.vector_load %arg10[%get3A_1714, %get3A_1715] {strides = array<i32>} : memref<16x1024xf32, #tpu.memory_space<vmem>>, vector<16xf32>,
        %get3A_1717 = arith.index_cast %scan3A_26 : i32 to index
        %get3A_1718 = arith.constant 576 : index
        %get3A_1719 = tpu.vector_load %arg11[%get3A_1717, %get3A_1718] {strides = array<i32>} : memref<16x1024xf32, #tpu.memory_space<vmem>>, vector<16xf32>,
        %add3A_1720 = arith.addf %get3A_1716, %get3A_1719 : vector<16xf32>
        %get3A_1721 = arith.constant 576 : index
        %get3A_1722 = tpu.vector_load %arg12[%get3A_1721] {strides = array<i32>} : memref<1024xf32, #tpu.memory_space<vmem>>, vector<16xf32>,
        %add3A_1723 = arith.addf %add3A_1720, %get3A_1722 : vector<16xf32>
        %sub3A_1724 = arith.subf %add3A_1723, %mul3A_889 : vector<16xf32>
        %mul3A_1725 = arith.mulf %sub3A_1724, %mul3A_958 : vector<16xf32>
        %get3A_1726 = arith.constant 576 : index
        %get3A_1727 = tpu.vector_load %arg13[%get3A_1726] {strides = array<i32>} : memref<1024xf32, #tpu.memory_space<vmem>>, vector<16xf32>,
        %mul3A_1728 = arith.mulf %mul3A_1725, %get3A_1727 : vector<16xf32>
        %get3A_1729 = arith.constant 576 : index
        %get3A_1730 = tpu.vector_load %arg14[%get3A_1729] {strides = array<i32>} : memref<1024xf32, #tpu.memory_space<vmem>>, vector<16xf32>,
        %add3A_1731 = arith.addf %mul3A_1728, %get3A_1730 : vector<16xf32>
        %swap3A_1732 = arith.index_cast %scan3A_26 : i32 to index
        %swap3A_1733 = arith.constant 576 : index
        %swap3A_1734 = tpu.vector_load %arg10[%swap3A_1732, %swap3A_1733] {strides = array<i32>} : memref<16x1024xf32, #tpu.memory_space<vmem>>, vector<16xf32>,
        tpu.vector_store %arg10[%swap3A_1732, %swap3A_1733], %add3A_1731 {strides = array<i32>} : memref<16x1024xf32, #tpu.memory_space<vmem>>, vector<16xf32>,
        %get3A_1735 = arith.index_cast %scan3A_26 : i32 to index
        %get3A_1736 = arith.constant 592 : index
        %get3A_1737 = tpu.vector_load %arg10[%get3A_1735, %get3A_1736] {strides = array<i32>} : memref<16x1024xf32, #tpu.memory_space<vmem>>, vector<16xf32>,
        %get3A_1738 = arith.index_cast %scan3A_26 : i32 to index
        %get3A_1739 = arith.constant 592 : index
        %get3A_1740 = tpu.vector_load %arg11[%get3A_1738, %get3A_1739] {strides = array<i32>} : memref<16x1024xf32, #tpu.memory_space<vmem>>, vector<16xf32>,
        %add3A_1741 = arith.addf %get3A_1737, %get3A_1740 : vector<16xf32>
        %get3A_1742 = arith.constant 592 : index
        %get3A_1743 = tpu.vector_load %arg12[%get3A_1742] {strides = array<i32>} : memref<1024xf32, #tpu.memory_space<vmem>>, vector<16xf32>,
        %add3A_1744 = arith.addf %add3A_1741, %get3A_1743 : vector<16xf32>
        %sub3A_1745 = arith.subf %add3A_1744, %mul3A_889 : vector<16xf32>
        %mul3A_1746 = arith.mulf %sub3A_1745, %mul3A_958 : vector<16xf32>
        %get3A_1747 = arith.constant 592 : index
        %get3A_1748 = tpu.vector_load %arg13[%get3A_1747] {strides = array<i32>} : memref<1024xf32, #tpu.memory_space<vmem>>, vector<16xf32>,
        %mul3A_1749 = arith.mulf %mul3A_1746, %get3A_1748 : vector<16xf32>
        %get3A_1750 = arith.constant 592 : index
        %get3A_1751 = tpu.vector_load %arg14[%get3A_1750] {strides = array<i32>} : memref<1024xf32, #tpu.memory_space<vmem>>, vector<16xf32>,
        %add3A_1752 = arith.addf %mul3A_1749, %get3A_1751 : vector<16xf32>
        %swap3A_1753 = arith.index_cast %scan3A_26 : i32 to index
        %swap3A_1754 = arith.constant 592 : index
        %swap3A_1755 = tpu.vector_load %arg10[%swap3A_1753, %swap3A_1754] {strides = array<i32>} : memref<16x1024xf32, #tpu.memory_space<vmem>>, vector<16xf32>,
        tpu.vector_store %arg10[%swap3A_1753, %swap3A_1754], %add3A_1752 {strides = array<i32>} : memref<16x1024xf32, #tpu.memory_space<vmem>>, vector<16xf32>,
        %get3A_1756 = arith.index_cast %scan3A_26 : i32 to index
        %get3A_1757 = arith.constant 608 : index
        %get3A_1758 = tpu.vector_load %arg10[%get3A_1756, %get3A_1757] {strides = array<i32>} : memref<16x1024xf32, #tpu.memory_space<vmem>>, vector<16xf32>,
        %get3A_1759 = arith.index_cast %scan3A_26 : i32 to index
        %get3A_1760 = arith.constant 608 : index
        %get3A_1761 = tpu.vector_load %arg11[%get3A_1759, %get3A_1760] {strides = array<i32>} : memref<16x1024xf32, #tpu.memory_space<vmem>>, vector<16xf32>,
        %add3A_1762 = arith.addf %get3A_1758, %get3A_1761 : vector<16xf32>
        %get3A_1763 = arith.constant 608 : index
        %get3A_1764 = tpu.vector_load %arg12[%get3A_1763] {strides = array<i32>} : memref<1024xf32, #tpu.memory_space<vmem>>, vector<16xf32>,
        %add3A_1765 = arith.addf %add3A_1762, %get3A_1764 : vector<16xf32>
        %sub3A_1766 = arith.subf %add3A_1765, %mul3A_889 : vector<16xf32>
        %mul3A_1767 = arith.mulf %sub3A_1766, %mul3A_958 : vector<16xf32>
        %get3A_1768 = arith.constant 608 : index
        %get3A_1769 = tpu.vector_load %arg13[%get3A_1768] {strides = array<i32>} : memref<1024xf32, #tpu.memory_space<vmem>>, vector<16xf32>,
        %mul3A_1770 = arith.mulf %mul3A_1767, %get3A_1769 : vector<16xf32>
        %get3A_1771 = arith.constant 608 : index
        %get3A_1772 = tpu.vector_load %arg14[%get3A_1771] {strides = array<i32>} : memref<1024xf32, #tpu.memory_space<vmem>>, vector<16xf32>,
        %add3A_1773 = arith.addf %mul3A_1770, %get3A_1772 : vector<16xf32>
        %swap3A_1774 = arith.index_cast %scan3A_26 : i32 to index
        %swap3A_1775 = arith.constant 608 : index
        %swap3A_1776 = tpu.vector_load %arg10[%swap3A_1774, %swap3A_1775] {strides = array<i32>} : memref<16x1024xf32, #tpu.memory_space<vmem>>, vector<16xf32>,
        tpu.vector_store %arg10[%swap3A_1774, %swap3A_1775], %add3A_1773 {strides = array<i32>} : memref<16x1024xf32, #tpu.memory_space<vmem>>, vector<16xf32>,
        %get3A_1777 = arith.index_cast %scan3A_26 : i32 to index
        %get3A_1778 = arith.constant 624 : index
        %get3A_1779 = tpu.vector_load %arg10[%get3A_1777, %get3A_1778] {strides = array<i32>} : memref<16x1024xf32, #tpu.memory_space<vmem>>, vector<16xf32>,
        %get3A_1780 = arith.index_cast %scan3A_26 : i32 to index
        %get3A_1781 = arith.constant 624 : index
        %get3A_1782 = tpu.vector_load %arg11[%get3A_1780, %get3A_1781] {strides = array<i32>} : memref<16x1024xf32, #tpu.memory_space<vmem>>, vector<16xf32>,
        %add3A_1783 = arith.addf %get3A_1779, %get3A_1782 : vector<16xf32>
        %get3A_1784 = arith.constant 624 : index
        %get3A_1785 = tpu.vector_load %arg12[%get3A_1784] {strides = array<i32>} : memref<1024xf32, #tpu.memory_space<vmem>>, vector<16xf32>,
        %add3A_1786 = arith.addf %add3A_1783, %get3A_1785 : vector<16xf32>
        %sub3A_1787 = arith.subf %add3A_1786, %mul3A_889 : vector<16xf32>
        %mul3A_1788 = arith.mulf %sub3A_1787, %mul3A_958 : vector<16xf32>
        %get3A_1789 = arith.constant 624 : index
        %get3A_1790 = tpu.vector_load %arg13[%get3A_1789] {strides = array<i32>} : memref<1024xf32, #tpu.memory_space<vmem>>, vector<16xf32>,
        %mul3A_1791 = arith.mulf %mul3A_1788, %get3A_1790 : vector<16xf32>
        %get3A_1792 = arith.constant 624 : index
        %get3A_1793 = tpu.vector_load %arg14[%get3A_1792] {strides = array<i32>} : memref<1024xf32, #tpu.memory_space<vmem>>, vector<16xf32>,
        %add3A_1794 = arith.addf %mul3A_1791, %get3A_1793 : vector<16xf32>
        %swap3A_1795 = arith.index_cast %scan3A_26 : i32 to index
        %swap3A_1796 = arith.constant 624 : index
        %swap3A_1797 = tpu.vector_load %arg10[%swap3A_1795, %swap3A_1796] {strides = array<i32>} : memref<16x1024xf32, #tpu.memory_space<vmem>>, vector<16xf32>,
        tpu.vector_store %arg10[%swap3A_1795, %swap3A_1796], %add3A_1794 {strides = array<i32>} : memref<16x1024xf32, #tpu.memory_space<vmem>>, vector<16xf32>,
        %get3A_1798 = arith.index_cast %scan3A_26 : i32 to index
        %get3A_1799 = arith.constant 640 : index
        %get3A_1800 = tpu.vector_load %arg10[%get3A_1798, %get3A_1799] {strides = array<i32>} : memref<16x1024xf32, #tpu.memory_space<vmem>>, vector<16xf32>,
        %get3A_1801 = arith.index_cast %scan3A_26 : i32 to index
        %get3A_1802 = arith.constant 640 : index
        %get3A_1803 = tpu.vector_load %arg11[%get3A_1801, %get3A_1802] {strides = array<i32>} : memref<16x1024xf32, #tpu.memory_space<vmem>>, vector<16xf32>,
        %add3A_1804 = arith.addf %get3A_1800, %get3A_1803 : vector<16xf32>
        %get3A_1805 = arith.constant 640 : index
        %get3A_1806 = tpu.vector_load %arg12[%get3A_1805] {strides = array<i32>} : memref<1024xf32, #tpu.memory_space<vmem>>, vector<16xf32>,
        %add3A_1807 = arith.addf %add3A_1804, %get3A_1806 : vector<16xf32>
        %sub3A_1808 = arith.subf %add3A_1807, %mul3A_889 : vector<16xf32>
        %mul3A_1809 = arith.mulf %sub3A_1808, %mul3A_958 : vector<16xf32>
        %get3A_1810 = arith.constant 640 : index
        %get3A_1811 = tpu.vector_load %arg13[%get3A_1810] {strides = array<i32>} : memref<1024xf32, #tpu.memory_space<vmem>>, vector<16xf32>,
        %mul3A_1812 = arith.mulf %mul3A_1809, %get3A_1811 : vector<16xf32>
        %get3A_1813 = arith.constant 640 : index
        %get3A_1814 = tpu.vector_load %arg14[%get3A_1813] {strides = array<i32>} : memref<1024xf32, #tpu.memory_space<vmem>>, vector<16xf32>,
        %add3A_1815 = arith.addf %mul3A_1812, %get3A_1814 : vector<16xf32>
        %swap3A_1816 = arith.index_cast %scan3A_26 : i32 to index
        %swap3A_1817 = arith.constant 640 : index
        %swap3A_1818 = tpu.vector_load %arg10[%swap3A_1816, %swap3A_1817] {strides = array<i32>} : memref<16x1024xf32, #tpu.memory_space<vmem>>, vector<16xf32>,
        tpu.vector_store %arg10[%swap3A_1816, %swap3A_1817], %add3A_1815 {strides = array<i32>} : memref<16x1024xf32, #tpu.memory_space<vmem>>, vector<16xf32>,
        %get3A_1819 = arith.index_cast %scan3A_26 : i32 to index
        %get3A_1820 = arith.constant 656 : index
        %get3A_1821 = tpu.vector_load %arg10[%get3A_1819, %get3A_1820] {strides = array<i32>} : memref<16x1024xf32, #tpu.memory_space<vmem>>, vector<16xf32>,
        %get3A_1822 = arith.index_cast %scan3A_26 : i32 to index
        %get3A_1823 = arith.constant 656 : index
        %get3A_1824 = tpu.vector_load %arg11[%get3A_1822, %get3A_1823] {strides = array<i32>} : memref<16x1024xf32, #tpu.memory_space<vmem>>, vector<16xf32>,
        %add3A_1825 = arith.addf %get3A_1821, %get3A_1824 : vector<16xf32>
        %get3A_1826 = arith.constant 656 : index
        %get3A_1827 = tpu.vector_load %arg12[%get3A_1826] {strides = array<i32>} : memref<1024xf32, #tpu.memory_space<vmem>>, vector<16xf32>,
        %add3A_1828 = arith.addf %add3A_1825, %get3A_1827 : vector<16xf32>
        %sub3A_1829 = arith.subf %add3A_1828, %mul3A_889 : vector<16xf32>
        %mul3A_1830 = arith.mulf %sub3A_1829, %mul3A_958 : vector<16xf32>
        %get3A_1831 = arith.constant 656 : index
        %get3A_1832 = tpu.vector_load %arg13[%get3A_1831] {strides = array<i32>} : memref<1024xf32, #tpu.memory_space<vmem>>, vector<16xf32>,
        %mul3A_1833 = arith.mulf %mul3A_1830, %get3A_1832 : vector<16xf32>
        %get3A_1834 = arith.constant 656 : index
        %get3A_1835 = tpu.vector_load %arg14[%get3A_1834] {strides = array<i32>} : memref<1024xf32, #tpu.memory_space<vmem>>, vector<16xf32>,
        %add3A_1836 = arith.addf %mul3A_1833, %get3A_1835 : vector<16xf32>
        %swap3A_1837 = arith.index_cast %scan3A_26 : i32 to index
        %swap3A_1838 = arith.constant 656 : index
        %swap3A_1839 = tpu.vector_load %arg10[%swap3A_1837, %swap3A_1838] {strides = array<i32>} : memref<16x1024xf32, #tpu.memory_space<vmem>>, vector<16xf32>,
        tpu.vector_store %arg10[%swap3A_1837, %swap3A_1838], %add3A_1836 {strides = array<i32>} : memref<16x1024xf32, #tpu.memory_space<vmem>>, vector<16xf32>,
        %get3A_1840 = arith.index_cast %scan3A_26 : i32 to index
        %get3A_1841 = arith.constant 672 : index
        %get3A_1842 = tpu.vector_load %arg10[%get3A_1840, %get3A_1841] {strides = array<i32>} : memref<16x1024xf32, #tpu.memory_space<vmem>>, vector<16xf32>,
        %get3A_1843 = arith.index_cast %scan3A_26 : i32 to index
        %get3A_1844 = arith.constant 672 : index
        %get3A_1845 = tpu.vector_load %arg11[%get3A_1843, %get3A_1844] {strides = array<i32>} : memref<16x1024xf32, #tpu.memory_space<vmem>>, vector<16xf32>,
        %add3A_1846 = arith.addf %get3A_1842, %get3A_1845 : vector<16xf32>
        %get3A_1847 = arith.constant 672 : index
        %get3A_1848 = tpu.vector_load %arg12[%get3A_1847] {strides = array<i32>} : memref<1024xf32, #tpu.memory_space<vmem>>, vector<16xf32>,
        %add3A_1849 = arith.addf %add3A_1846, %get3A_1848 : vector<16xf32>
        %sub3A_1850 = arith.subf %add3A_1849, %mul3A_889 : vector<16xf32>
        %mul3A_1851 = arith.mulf %sub3A_1850, %mul3A_958 : vector<16xf32>
        %get3A_1852 = arith.constant 672 : index
        %get3A_1853 = tpu.vector_load %arg13[%get3A_1852] {strides = array<i32>} : memref<1024xf32, #tpu.memory_space<vmem>>, vector<16xf32>,
        %mul3A_1854 = arith.mulf %mul3A_1851, %get3A_1853 : vector<16xf32>
        %get3A_1855 = arith.constant 672 : index
        %get3A_1856 = tpu.vector_load %arg14[%get3A_1855] {strides = array<i32>} : memref<1024xf32, #tpu.memory_space<vmem>>, vector<16xf32>,
        %add3A_1857 = arith.addf %mul3A_1854, %get3A_1856 : vector<16xf32>
        %swap3A_1858 = arith.index_cast %scan3A_26 : i32 to index
        %swap3A_1859 = arith.constant 672 : index
        %swap3A_1860 = tpu.vector_load %arg10[%swap3A_1858, %swap3A_1859] {strides = array<i32>} : memref<16x1024xf32, #tpu.memory_space<vmem>>, vector<16xf32>,
        tpu.vector_store %arg10[%swap3A_1858, %swap3A_1859], %add3A_1857 {strides = array<i32>} : memref<16x1024xf32, #tpu.memory_space<vmem>>, vector<16xf32>,
        %get3A_1861 = arith.index_cast %scan3A_26 : i32 to index
        %get3A_1862 = arith.constant 688 : index
        %get3A_1863 = tpu.vector_load %arg10[%get3A_1861, %get3A_1862] {strides = array<i32>} : memref<16x1024xf32, #tpu.memory_space<vmem>>, vector<16xf32>,
        %get3A_1864 = arith.index_cast %scan3A_26 : i32 to index
        %get3A_1865 = arith.constant 688 : index
        %get3A_1866 = tpu.vector_load %arg11[%get3A_1864, %get3A_1865] {strides = array<i32>} : memref<16x1024xf32, #tpu.memory_space<vmem>>, vector<16xf32>,
        %add3A_1867 = arith.addf %get3A_1863, %get3A_1866 : vector<16xf32>
        %get3A_1868 = arith.constant 688 : index
        %get3A_1869 = tpu.vector_load %arg12[%get3A_1868] {strides = array<i32>} : memref<1024xf32, #tpu.memory_space<vmem>>, vector<16xf32>,
        %add3A_1870 = arith.addf %add3A_1867, %get3A_1869 : vector<16xf32>
        %sub3A_1871 = arith.subf %add3A_1870, %mul3A_889 : vector<16xf32>
        %mul3A_1872 = arith.mulf %sub3A_1871, %mul3A_958 : vector<16xf32>
        %get3A_1873 = arith.constant 688 : index
        %get3A_1874 = tpu.vector_load %arg13[%get3A_1873] {strides = array<i32>} : memref<1024xf32, #tpu.memory_space<vmem>>, vector<16xf32>,
        %mul3A_1875 = arith.mulf %mul3A_1872, %get3A_1874 : vector<16xf32>
        %get3A_1876 = arith.constant 688 : index
        %get3A_1877 = tpu.vector_load %arg14[%get3A_1876] {strides = array<i32>} : memref<1024xf32, #tpu.memory_space<vmem>>, vector<16xf32>,
        %add3A_1878 = arith.addf %mul3A_1875, %get3A_1877 : vector<16xf32>
        %swap3A_1879 = arith.index_cast %scan3A_26 : i32 to index
        %swap3A_1880 = arith.constant 688 : index
        %swap3A_1881 = tpu.vector_load %arg10[%swap3A_1879, %swap3A_1880] {strides = array<i32>} : memref<16x1024xf32, #tpu.memory_space<vmem>>, vector<16xf32>,
        tpu.vector_store %arg10[%swap3A_1879, %swap3A_1880], %add3A_1878 {strides = array<i32>} : memref<16x1024xf32, #tpu.memory_space<vmem>>, vector<16xf32>,
        %get3A_1882 = arith.index_cast %scan3A_26 : i32 to index
        %get3A_1883 = arith.constant 704 : index
        %get3A_1884 = tpu.vector_load %arg10[%get3A_1882, %get3A_1883] {strides = array<i32>} : memref<16x1024xf32, #tpu.memory_space<vmem>>, vector<16xf32>,
        %get3A_1885 = arith.index_cast %scan3A_26 : i32 to index
        %get3A_1886 = arith.constant 704 : index
        %get3A_1887 = tpu.vector_load %arg11[%get3A_1885, %get3A_1886] {strides = array<i32>} : memref<16x1024xf32, #tpu.memory_space<vmem>>, vector<16xf32>,
        %add3A_1888 = arith.addf %get3A_1884, %get3A_1887 : vector<16xf32>
        %get3A_1889 = arith.constant 704 : index
        %get3A_1890 = tpu.vector_load %arg12[%get3A_1889] {strides = array<i32>} : memref<1024xf32, #tpu.memory_space<vmem>>, vector<16xf32>,
        %add3A_1891 = arith.addf %add3A_1888, %get3A_1890 : vector<16xf32>
        %sub3A_1892 = arith.subf %add3A_1891, %mul3A_889 : vector<16xf32>
        %mul3A_1893 = arith.mulf %sub3A_1892, %mul3A_958 : vector<16xf32>
        %get3A_1894 = arith.constant 704 : index
        %get3A_1895 = tpu.vector_load %arg13[%get3A_1894] {strides = array<i32>} : memref<1024xf32, #tpu.memory_space<vmem>>, vector<16xf32>,
        %mul3A_1896 = arith.mulf %mul3A_1893, %get3A_1895 : vector<16xf32>
        %get3A_1897 = arith.constant 704 : index
        %get3A_1898 = tpu.vector_load %arg14[%get3A_1897] {strides = array<i32>} : memref<1024xf32, #tpu.memory_space<vmem>>, vector<16xf32>,
        %add3A_1899 = arith.addf %mul3A_1896, %get3A_1898 : vector<16xf32>
        %swap3A_1900 = arith.index_cast %scan3A_26 : i32 to index
        %swap3A_1901 = arith.constant 704 : index
        %swap3A_1902 = tpu.vector_load %arg10[%swap3A_1900, %swap3A_1901] {strides = array<i32>} : memref<16x1024xf32, #tpu.memory_space<vmem>>, vector<16xf32>,
        tpu.vector_store %arg10[%swap3A_1900, %swap3A_1901], %add3A_1899 {strides = array<i32>} : memref<16x1024xf32, #tpu.memory_space<vmem>>, vector<16xf32>,
        %get3A_1903 = arith.index_cast %scan3A_26 : i32 to index
        %get3A_1904 = arith.constant 720 : index
        %get3A_1905 = tpu.vector_load %arg10[%get3A_1903, %get3A_1904] {strides = array<i32>} : memref<16x1024xf32, #tpu.memory_space<vmem>>, vector<16xf32>,
        %get3A_1906 = arith.index_cast %scan3A_26 : i32 to index
        %get3A_1907 = arith.constant 720 : index
        %get3A_1908 = tpu.vector_load %arg11[%get3A_1906, %get3A_1907] {strides = array<i32>} : memref<16x1024xf32, #tpu.memory_space<vmem>>, vector<16xf32>,
        %add3A_1909 = arith.addf %get3A_1905, %get3A_1908 : vector<16xf32>
        %get3A_1910 = arith.constant 720 : index
        %get3A_1911 = tpu.vector_load %arg12[%get3A_1910] {strides = array<i32>} : memref<1024xf32, #tpu.memory_space<vmem>>, vector<16xf32>,
        %add3A_1912 = arith.addf %add3A_1909, %get3A_1911 : vector<16xf32>
        %sub3A_1913 = arith.subf %add3A_1912, %mul3A_889 : vector<16xf32>
        %mul3A_1914 = arith.mulf %sub3A_1913, %mul3A_958 : vector<16xf32>
        %get3A_1915 = arith.constant 720 : index
        %get3A_1916 = tpu.vector_load %arg13[%get3A_1915] {strides = array<i32>} : memref<1024xf32, #tpu.memory_space<vmem>>, vector<16xf32>,
        %mul3A_1917 = arith.mulf %mul3A_1914, %get3A_1916 : vector<16xf32>
        %get3A_1918 = arith.constant 720 : index
        %get3A_1919 = tpu.vector_load %arg14[%get3A_1918] {strides = array<i32>} : memref<1024xf32, #tpu.memory_space<vmem>>, vector<16xf32>,
        %add3A_1920 = arith.addf %mul3A_1917, %get3A_1919 : vector<16xf32>
        %swap3A_1921 = arith.index_cast %scan3A_26 : i32 to index
        %swap3A_1922 = arith.constant 720 : index
        %swap3A_1923 = tpu.vector_load %arg10[%swap3A_1921, %swap3A_1922] {strides = array<i32>} : memref<16x1024xf32, #tpu.memory_space<vmem>>, vector<16xf32>,
        tpu.vector_store %arg10[%swap3A_1921, %swap3A_1922], %add3A_1920 {strides = array<i32>} : memref<16x1024xf32, #tpu.memory_space<vmem>>, vector<16xf32>,
        %get3A_1924 = arith.index_cast %scan3A_26 : i32 to index
        %get3A_1925 = arith.constant 736 : index
        %get3A_1926 = tpu.vector_load %arg10[%get3A_1924, %get3A_1925] {strides = array<i32>} : memref<16x1024xf32, #tpu.memory_space<vmem>>, vector<16xf32>,
        %get3A_1927 = arith.index_cast %scan3A_26 : i32 to index
        %get3A_1928 = arith.constant 736 : index
        %get3A_1929 = tpu.vector_load %arg11[%get3A_1927, %get3A_1928] {strides = array<i32>} : memref<16x1024xf32, #tpu.memory_space<vmem>>, vector<16xf32>,
        %add3A_1930 = arith.addf %get3A_1926, %get3A_1929 : vector<16xf32>
        %get3A_1931 = arith.constant 736 : index
        %get3A_1932 = tpu.vector_load %arg12[%get3A_1931] {strides = array<i32>} : memref<1024xf32, #tpu.memory_space<vmem>>, vector<16xf32>,
        %add3A_1933 = arith.addf %add3A_1930, %get3A_1932 : vector<16xf32>
        %sub3A_1934 = arith.subf %add3A_1933, %mul3A_889 : vector<16xf32>
        %mul3A_1935 = arith.mulf %sub3A_1934, %mul3A_958 : vector<16xf32>
        %get3A_1936 = arith.constant 736 : index
        %get3A_1937 = tpu.vector_load %arg13[%get3A_1936] {strides = array<i32>} : memref<1024xf32, #tpu.memory_space<vmem>>, vector<16xf32>,
        %mul3A_1938 = arith.mulf %mul3A_1935, %get3A_1937 : vector<16xf32>
        %get3A_1939 = arith.constant 736 : index
        %get3A_1940 = tpu.vector_load %arg14[%get3A_1939] {strides = array<i32>} : memref<1024xf32, #tpu.memory_space<vmem>>, vector<16xf32>,
        %add3A_1941 = arith.addf %mul3A_1938, %get3A_1940 : vector<16xf32>
        %swap3A_1942 = arith.index_cast %scan3A_26 : i32 to index
        %swap3A_1943 = arith.constant 736 : index
        %swap3A_1944 = tpu.vector_load %arg10[%swap3A_1942, %swap3A_1943] {strides = array<i32>} : memref<16x1024xf32, #tpu.memory_space<vmem>>, vector<16xf32>,
        tpu.vector_store %arg10[%swap3A_1942, %swap3A_1943], %add3A_1941 {strides = array<i32>} : memref<16x1024xf32, #tpu.memory_space<vmem>>, vector<16xf32>,
        %get3A_1945 = arith.index_cast %scan3A_26 : i32 to index
        %get3A_1946 = arith.constant 752 : index
        %get3A_1947 = tpu.vector_load %arg10[%get3A_1945, %get3A_1946] {strides = array<i32>} : memref<16x1024xf32, #tpu.memory_space<vmem>>, vector<16xf32>,
        %get3A_1948 = arith.index_cast %scan3A_26 : i32 to index
        %get3A_1949 = arith.constant 752 : index
        %get3A_1950 = tpu.vector_load %arg11[%get3A_1948, %get3A_1949] {strides = array<i32>} : memref<16x1024xf32, #tpu.memory_space<vmem>>, vector<16xf32>,
        %add3A_1951 = arith.addf %get3A_1947, %get3A_1950 : vector<16xf32>
        %get3A_1952 = arith.constant 752 : index
        %get3A_1953 = tpu.vector_load %arg12[%get3A_1952] {strides = array<i32>} : memref<1024xf32, #tpu.memory_space<vmem>>, vector<16xf32>,
        %add3A_1954 = arith.addf %add3A_1951, %get3A_1953 : vector<16xf32>
        %sub3A_1955 = arith.subf %add3A_1954, %mul3A_889 : vector<16xf32>
        %mul3A_1956 = arith.mulf %sub3A_1955, %mul3A_958 : vector<16xf32>
        %get3A_1957 = arith.constant 752 : index
        %get3A_1958 = tpu.vector_load %arg13[%get3A_1957] {strides = array<i32>} : memref<1024xf32, #tpu.memory_space<vmem>>, vector<16xf32>,
        %mul3A_1959 = arith.mulf %mul3A_1956, %get3A_1958 : vector<16xf32>
        %get3A_1960 = arith.constant 752 : index
        %get3A_1961 = tpu.vector_load %arg14[%get3A_1960] {strides = array<i32>} : memref<1024xf32, #tpu.memory_space<vmem>>, vector<16xf32>,
        %add3A_1962 = arith.addf %mul3A_1959, %get3A_1961 : vector<16xf32>
        %swap3A_1963 = arith.index_cast %scan3A_26 : i32 to index
        %swap3A_1964 = arith.constant 752 : index
        %swap3A_1965 = tpu.vector_load %arg10[%swap3A_1963, %swap3A_1964] {strides = array<i32>} : memref<16x1024xf32, #tpu.memory_space<vmem>>, vector<16xf32>,
        tpu.vector_store %arg10[%swap3A_1963, %swap3A_1964], %add3A_1962 {strides = array<i32>} : memref<16x1024xf32, #tpu.memory_space<vmem>>, vector<16xf32>,
        %get3A_1966 = arith.index_cast %scan3A_26 : i32 to index
        %get3A_1967 = arith.constant 768 : index
        %get3A_1968 = tpu.vector_load %arg10[%get3A_1966, %get3A_1967] {strides = array<i32>} : memref<16x1024xf32, #tpu.memory_space<vmem>>, vector<16xf32>,
        %get3A_1969 = arith.index_cast %scan3A_26 : i32 to index
        %get3A_1970 = arith.constant 768 : index
        %get3A_1971 = tpu.vector_load %arg11[%get3A_1969, %get3A_1970] {strides = array<i32>} : memref<16x1024xf32, #tpu.memory_space<vmem>>, vector<16xf32>,
        %add3A_1972 = arith.addf %get3A_1968, %get3A_1971 : vector<16xf32>
        %get3A_1973 = arith.constant 768 : index
        %get3A_1974 = tpu.vector_load %arg12[%get3A_1973] {strides = array<i32>} : memref<1024xf32, #tpu.memory_space<vmem>>, vector<16xf32>,
        %add3A_1975 = arith.addf %add3A_1972, %get3A_1974 : vector<16xf32>
        %sub3A_1976 = arith.subf %add3A_1975, %mul3A_889 : vector<16xf32>
        %mul3A_1977 = arith.mulf %sub3A_1976, %mul3A_958 : vector<16xf32>
        %get3A_1978 = arith.constant 768 : index
        %get3A_1979 = tpu.vector_load %arg13[%get3A_1978] {strides = array<i32>} : memref<1024xf32, #tpu.memory_space<vmem>>, vector<16xf32>,
        %mul3A_1980 = arith.mulf %mul3A_1977, %get3A_1979 : vector<16xf32>
        %get3A_1981 = arith.constant 768 : index
        %get3A_1982 = tpu.vector_load %arg14[%get3A_1981] {strides = array<i32>} : memref<1024xf32, #tpu.memory_space<vmem>>, vector<16xf32>,
        %add3A_1983 = arith.addf %mul3A_1980, %get3A_1982 : vector<16xf32>
        %swap3A_1984 = arith.index_cast %scan3A_26 : i32 to index
        %swap3A_1985 = arith.constant 768 : index
        %swap3A_1986 = tpu.vector_load %arg10[%swap3A_1984, %swap3A_1985] {strides = array<i32>} : memref<16x1024xf32, #tpu.memory_space<vmem>>, vector<16xf32>,
        tpu.vector_store %arg10[%swap3A_1984, %swap3A_1985], %add3A_1983 {strides = array<i32>} : memref<16x1024xf32, #tpu.memory_space<vmem>>, vector<16xf32>,
        %get3A_1987 = arith.index_cast %scan3A_26 : i32 to index
        %get3A_1988 = arith.constant 784 : index
        %get3A_1989 = tpu.vector_load %arg10[%get3A_1987, %get3A_1988] {strides = array<i32>} : memref<16x1024xf32, #tpu.memory_space<vmem>>, vector<16xf32>,
        %get3A_1990 = arith.index_cast %scan3A_26 : i32 to index
        %get3A_1991 = arith.constant 784 : index
        %get3A_1992 = tpu.vector_load %arg11[%get3A_1990, %get3A_1991] {strides = array<i32>} : memref<16x1024xf32, #tpu.memory_space<vmem>>, vector<16xf32>,
        %add3A_1993 = arith.addf %get3A_1989, %get3A_1992 : vector<16xf32>
        %get3A_1994 = arith.constant 784 : index
        %get3A_1995 = tpu.vector_load %arg12[%get3A_1994] {strides = array<i32>} : memref<1024xf32, #tpu.memory_space<vmem>>, vector<16xf32>,
        %add3A_1996 = arith.addf %add3A_1993, %get3A_1995 : vector<16xf32>
        %sub3A_1997 = arith.subf %add3A_1996, %mul3A_889 : vector<16xf32>
        %mul3A_1998 = arith.mulf %sub3A_1997, %mul3A_958 : vector<16xf32>
        %get3A_1999 = arith.constant 784 : index
        %get3A_2000 = tpu.vector_load %arg13[%get3A_1999] {strides = array<i32>} : memref<1024xf32, #tpu.memory_space<vmem>>, vector<16xf32>,
        %mul3A_2001 = arith.mulf %mul3A_1998, %get3A_2000 : vector<16xf32>
        %get3A_2002 = arith.constant 784 : index
        %get3A_2003 = tpu.vector_load %arg14[%get3A_2002] {strides = array<i32>} : memref<1024xf32, #tpu.memory_space<vmem>>, vector<16xf32>,
        %add3A_2004 = arith.addf %mul3A_2001, %get3A_2003 : vector<16xf32>
        %swap3A_2005 = arith.index_cast %scan3A_26 : i32 to index
        %swap3A_2006 = arith.constant 784 : index
        %swap3A_2007 = tpu.vector_load %arg10[%swap3A_2005, %swap3A_2006] {strides = array<i32>} : memref<16x1024xf32, #tpu.memory_space<vmem>>, vector<16xf32>,
        tpu.vector_store %arg10[%swap3A_2005, %swap3A_2006], %add3A_2004 {strides = array<i32>} : memref<16x1024xf32, #tpu.memory_space<vmem>>, vector<16xf32>,
        %get3A_2008 = arith.index_cast %scan3A_26 : i32 to index
        %get3A_2009 = arith.constant 800 : index
        %get3A_2010 = tpu.vector_load %arg10[%get3A_2008, %get3A_2009] {strides = array<i32>} : memref<16x1024xf32, #tpu.memory_space<vmem>>, vector<16xf32>,
        %get3A_2011 = arith.index_cast %scan3A_26 : i32 to index
        %get3A_2012 = arith.constant 800 : index
        %get3A_2013 = tpu.vector_load %arg11[%get3A_2011, %get3A_2012] {strides = array<i32>} : memref<16x1024xf32, #tpu.memory_space<vmem>>, vector<16xf32>,
        %add3A_2014 = arith.addf %get3A_2010, %get3A_2013 : vector<16xf32>
        %get3A_2015 = arith.constant 800 : index
        %get3A_2016 = tpu.vector_load %arg12[%get3A_2015] {strides = array<i32>} : memref<1024xf32, #tpu.memory_space<vmem>>, vector<16xf32>,
        %add3A_2017 = arith.addf %add3A_2014, %get3A_2016 : vector<16xf32>
        %sub3A_2018 = arith.subf %add3A_2017, %mul3A_889 : vector<16xf32>
        %mul3A_2019 = arith.mulf %sub3A_2018, %mul3A_958 : vector<16xf32>
        %get3A_2020 = arith.constant 800 : index
        %get3A_2021 = tpu.vector_load %arg13[%get3A_2020] {strides = array<i32>} : memref<1024xf32, #tpu.memory_space<vmem>>, vector<16xf32>,
        %mul3A_2022 = arith.mulf %mul3A_2019, %get3A_2021 : vector<16xf32>
        %get3A_2023 = arith.constant 800 : index
        %get3A_2024 = tpu.vector_load %arg14[%get3A_2023] {strides = array<i32>} : memref<1024xf32, #tpu.memory_space<vmem>>, vector<16xf32>,
        %add3A_2025 = arith.addf %mul3A_2022, %get3A_2024 : vector<16xf32>
        %swap3A_2026 = arith.index_cast %scan3A_26 : i32 to index
        %swap3A_2027 = arith.constant 800 : index
        %swap3A_2028 = tpu.vector_load %arg10[%swap3A_2026, %swap3A_2027] {strides = array<i32>} : memref<16x1024xf32, #tpu.memory_space<vmem>>, vector<16xf32>,
        tpu.vector_store %arg10[%swap3A_2026, %swap3A_2027], %add3A_2025 {strides = array<i32>} : memref<16x1024xf32, #tpu.memory_space<vmem>>, vector<16xf32>,
        %get3A_2029 = arith.index_cast %scan3A_26 : i32 to index
        %get3A_2030 = arith.constant 816 : index
        %get3A_2031 = tpu.vector_load %arg10[%get3A_2029, %get3A_2030] {strides = array<i32>} : memref<16x1024xf32, #tpu.memory_space<vmem>>, vector<16xf32>,
        %get3A_2032 = arith.index_cast %scan3A_26 : i32 to index
        %get3A_2033 = arith.constant 816 : index
        %get3A_2034 = tpu.vector_load %arg11[%get3A_2032, %get3A_2033] {strides = array<i32>} : memref<16x1024xf32, #tpu.memory_space<vmem>>, vector<16xf32>,
        %add3A_2035 = arith.addf %get3A_2031, %get3A_2034 : vector<16xf32>
        %get3A_2036 = arith.constant 816 : index
        %get3A_2037 = tpu.vector_load %arg12[%get3A_2036] {strides = array<i32>} : memref<1024xf32, #tpu.memory_space<vmem>>, vector<16xf32>,
        %add3A_2038 = arith.addf %add3A_2035, %get3A_2037 : vector<16xf32>
        %sub3A_2039 = arith.subf %add3A_2038, %mul3A_889 : vector<16xf32>
        %mul3A_2040 = arith.mulf %sub3A_2039, %mul3A_958 : vector<16xf32>
        %get3A_2041 = arith.constant 816 : index
        %get3A_2042 = tpu.vector_load %arg13[%get3A_2041] {strides = array<i32>} : memref<1024xf32, #tpu.memory_space<vmem>>, vector<16xf32>,
        %mul3A_2043 = arith.mulf %mul3A_2040, %get3A_2042 : vector<16xf32>
        %get3A_2044 = arith.constant 816 : index
        %get3A_2045 = tpu.vector_load %arg14[%get3A_2044] {strides = array<i32>} : memref<1024xf32, #tpu.memory_space<vmem>>, vector<16xf32>,
        %add3A_2046 = arith.addf %mul3A_2043, %get3A_2045 : vector<16xf32>
        %swap3A_2047 = arith.index_cast %scan3A_26 : i32 to index
        %swap3A_2048 = arith.constant 816 : index
        %swap3A_2049 = tpu.vector_load %arg10[%swap3A_2047, %swap3A_2048] {strides = array<i32>} : memref<16x1024xf32, #tpu.memory_space<vmem>>, vector<16xf32>,
        tpu.vector_store %arg10[%swap3A_2047, %swap3A_2048], %add3A_2046 {strides = array<i32>} : memref<16x1024xf32, #tpu.memory_space<vmem>>, vector<16xf32>,
        %get3A_2050 = arith.index_cast %scan3A_26 : i32 to index
        %get3A_2051 = arith.constant 832 : index
        %get3A_2052 = tpu.vector_load %arg10[%get3A_2050, %get3A_2051] {strides = array<i32>} : memref<16x1024xf32, #tpu.memory_space<vmem>>, vector<16xf32>,
        %get3A_2053 = arith.index_cast %scan3A_26 : i32 to index
        %get3A_2054 = arith.constant 832 : index
        %get3A_2055 = tpu.vector_load %arg11[%get3A_2053, %get3A_2054] {strides = array<i32>} : memref<16x1024xf32, #tpu.memory_space<vmem>>, vector<16xf32>,
        %add3A_2056 = arith.addf %get3A_2052, %get3A_2055 : vector<16xf32>
        %get3A_2057 = arith.constant 832 : index
        %get3A_2058 = tpu.vector_load %arg12[%get3A_2057] {strides = array<i32>} : memref<1024xf32, #tpu.memory_space<vmem>>, vector<16xf32>,
        %add3A_2059 = arith.addf %add3A_2056, %get3A_2058 : vector<16xf32>
        %sub3A_2060 = arith.subf %add3A_2059, %mul3A_889 : vector<16xf32>
        %mul3A_2061 = arith.mulf %sub3A_2060, %mul3A_958 : vector<16xf32>
        %get3A_2062 = arith.constant 832 : index
        %get3A_2063 = tpu.vector_load %arg13[%get3A_2062] {strides = array<i32>} : memref<1024xf32, #tpu.memory_space<vmem>>, vector<16xf32>,
        %mul3A_2064 = arith.mulf %mul3A_2061, %get3A_2063 : vector<16xf32>
        %get3A_2065 = arith.constant 832 : index
        %get3A_2066 = tpu.vector_load %arg14[%get3A_2065] {strides = array<i32>} : memref<1024xf32, #tpu.memory_space<vmem>>, vector<16xf32>,
        %add3A_2067 = arith.addf %mul3A_2064, %get3A_2066 : vector<16xf32>
        %swap3A_2068 = arith.index_cast %scan3A_26 : i32 to index
        %swap3A_2069 = arith.constant 832 : index
        %swap3A_2070 = tpu.vector_load %arg10[%swap3A_2068, %swap3A_2069] {strides = array<i32>} : memref<16x1024xf32, #tpu.memory_space<vmem>>, vector<16xf32>,
        tpu.vector_store %arg10[%swap3A_2068, %swap3A_2069], %add3A_2067 {strides = array<i32>} : memref<16x1024xf32, #tpu.memory_space<vmem>>, vector<16xf32>,
        %get3A_2071 = arith.index_cast %scan3A_26 : i32 to index
        %get3A_2072 = arith.constant 848 : index
        %get3A_2073 = tpu.vector_load %arg10[%get3A_2071, %get3A_2072] {strides = array<i32>} : memref<16x1024xf32, #tpu.memory_space<vmem>>, vector<16xf32>,
        %get3A_2074 = arith.index_cast %scan3A_26 : i32 to index
        %get3A_2075 = arith.constant 848 : index
        %get3A_2076 = tpu.vector_load %arg11[%get3A_2074, %get3A_2075] {strides = array<i32>} : memref<16x1024xf32, #tpu.memory_space<vmem>>, vector<16xf32>,
        %add3A_2077 = arith.addf %get3A_2073, %get3A_2076 : vector<16xf32>
        %get3A_2078 = arith.constant 848 : index
        %get3A_2079 = tpu.vector_load %arg12[%get3A_2078] {strides = array<i32>} : memref<1024xf32, #tpu.memory_space<vmem>>, vector<16xf32>,
        %add3A_2080 = arith.addf %add3A_2077, %get3A_2079 : vector<16xf32>
        %sub3A_2081 = arith.subf %add3A_2080, %mul3A_889 : vector<16xf32>
        %mul3A_2082 = arith.mulf %sub3A_2081, %mul3A_958 : vector<16xf32>
        %get3A_2083 = arith.constant 848 : index
        %get3A_2084 = tpu.vector_load %arg13[%get3A_2083] {strides = array<i32>} : memref<1024xf32, #tpu.memory_space<vmem>>, vector<16xf32>,
        %mul3A_2085 = arith.mulf %mul3A_2082, %get3A_2084 : vector<16xf32>
        %get3A_2086 = arith.constant 848 : index
        %get3A_2087 = tpu.vector_load %arg14[%get3A_2086] {strides = array<i32>} : memref<1024xf32, #tpu.memory_space<vmem>>, vector<16xf32>,
        %add3A_2088 = arith.addf %mul3A_2085, %get3A_2087 : vector<16xf32>
        %swap3A_2089 = arith.index_cast %scan3A_26 : i32 to index
        %swap3A_2090 = arith.constant 848 : index
        %swap3A_2091 = tpu.vector_load %arg10[%swap3A_2089, %swap3A_2090] {strides = array<i32>} : memref<16x1024xf32, #tpu.memory_space<vmem>>, vector<16xf32>,
        tpu.vector_store %arg10[%swap3A_2089, %swap3A_2090], %add3A_2088 {strides = array<i32>} : memref<16x1024xf32, #tpu.memory_space<vmem>>, vector<16xf32>,
        %get3A_2092 = arith.index_cast %scan3A_26 : i32 to index
        %get3A_2093 = arith.constant 864 : index
        %get3A_2094 = tpu.vector_load %arg10[%get3A_2092, %get3A_2093] {strides = array<i32>} : memref<16x1024xf32, #tpu.memory_space<vmem>>, vector<16xf32>,
        %get3A_2095 = arith.index_cast %scan3A_26 : i32 to index
        %get3A_2096 = arith.constant 864 : index
        %get3A_2097 = tpu.vector_load %arg11[%get3A_2095, %get3A_2096] {strides = array<i32>} : memref<16x1024xf32, #tpu.memory_space<vmem>>, vector<16xf32>,
        %add3A_2098 = arith.addf %get3A_2094, %get3A_2097 : vector<16xf32>
        %get3A_2099 = arith.constant 864 : index
        %get3A_2100 = tpu.vector_load %arg12[%get3A_2099] {strides = array<i32>} : memref<1024xf32, #tpu.memory_space<vmem>>, vector<16xf32>,
        %add3A_2101 = arith.addf %add3A_2098, %get3A_2100 : vector<16xf32>
        %sub3A_2102 = arith.subf %add3A_2101, %mul3A_889 : vector<16xf32>
        %mul3A_2103 = arith.mulf %sub3A_2102, %mul3A_958 : vector<16xf32>
        %get3A_2104 = arith.constant 864 : index
        %get3A_2105 = tpu.vector_load %arg13[%get3A_2104] {strides = array<i32>} : memref<1024xf32, #tpu.memory_space<vmem>>, vector<16xf32>,
        %mul3A_2106 = arith.mulf %mul3A_2103, %get3A_2105 : vector<16xf32>
        %get3A_2107 = arith.constant 864 : index
        %get3A_2108 = tpu.vector_load %arg14[%get3A_2107] {strides = array<i32>} : memref<1024xf32, #tpu.memory_space<vmem>>, vector<16xf32>,
        %add3A_2109 = arith.addf %mul3A_2106, %get3A_2108 : vector<16xf32>
        %swap3A_2110 = arith.index_cast %scan3A_26 : i32 to index
        %swap3A_2111 = arith.constant 864 : index
        %swap3A_2112 = tpu.vector_load %arg10[%swap3A_2110, %swap3A_2111] {strides = array<i32>} : memref<16x1024xf32, #tpu.memory_space<vmem>>, vector<16xf32>,
        tpu.vector_store %arg10[%swap3A_2110, %swap3A_2111], %add3A_2109 {strides = array<i32>} : memref<16x1024xf32, #tpu.memory_space<vmem>>, vector<16xf32>,
        %get3A_2113 = arith.index_cast %scan3A_26 : i32 to index
        %get3A_2114 = arith.constant 880 : index
        %get3A_2115 = tpu.vector_load %arg10[%get3A_2113, %get3A_2114] {strides = array<i32>} : memref<16x1024xf32, #tpu.memory_space<vmem>>, vector<16xf32>,
        %get3A_2116 = arith.index_cast %scan3A_26 : i32 to index
        %get3A_2117 = arith.constant 880 : index
        %get3A_2118 = tpu.vector_load %arg11[%get3A_2116, %get3A_2117] {strides = array<i32>} : memref<16x1024xf32, #tpu.memory_space<vmem>>, vector<16xf32>,
        %add3A_2119 = arith.addf %get3A_2115, %get3A_2118 : vector<16xf32>
        %get3A_2120 = arith.constant 880 : index
        %get3A_2121 = tpu.vector_load %arg12[%get3A_2120] {strides = array<i32>} : memref<1024xf32, #tpu.memory_space<vmem>>, vector<16xf32>,
        %add3A_2122 = arith.addf %add3A_2119, %get3A_2121 : vector<16xf32>
        %sub3A_2123 = arith.subf %add3A_2122, %mul3A_889 : vector<16xf32>
        %mul3A_2124 = arith.mulf %sub3A_2123, %mul3A_958 : vector<16xf32>
        %get3A_2125 = arith.constant 880 : index
        %get3A_2126 = tpu.vector_load %arg13[%get3A_2125] {strides = array<i32>} : memref<1024xf32, #tpu.memory_space<vmem>>, vector<16xf32>,
        %mul3A_2127 = arith.mulf %mul3A_2124, %get3A_2126 : vector<16xf32>
        %get3A_2128 = arith.constant 880 : index
        %get3A_2129 = tpu.vector_load %arg14[%get3A_2128] {strides = array<i32>} : memref<1024xf32, #tpu.memory_space<vmem>>, vector<16xf32>,
        %add3A_2130 = arith.addf %mul3A_2127, %get3A_2129 : vector<16xf32>
        %swap3A_2131 = arith.index_cast %scan3A_26 : i32 to index
        %swap3A_2132 = arith.constant 880 : index
        %swap3A_2133 = tpu.vector_load %arg10[%swap3A_2131, %swap3A_2132] {strides = array<i32>} : memref<16x1024xf32, #tpu.memory_space<vmem>>, vector<16xf32>,
        tpu.vector_store %arg10[%swap3A_2131, %swap3A_2132], %add3A_2130 {strides = array<i32>} : memref<16x1024xf32, #tpu.memory_space<vmem>>, vector<16xf32>,
        %get3A_2134 = arith.index_cast %scan3A_26 : i32 to index
        %get3A_2135 = arith.constant 896 : index
        %get3A_2136 = tpu.vector_load %arg10[%get3A_2134, %get3A_2135] {strides = array<i32>} : memref<16x1024xf32, #tpu.memory_space<vmem>>, vector<16xf32>,
        %get3A_2137 = arith.index_cast %scan3A_26 : i32 to index
        %get3A_2138 = arith.constant 896 : index
        %get3A_2139 = tpu.vector_load %arg11[%get3A_2137, %get3A_2138] {strides = array<i32>} : memref<16x1024xf32, #tpu.memory_space<vmem>>, vector<16xf32>,
        %add3A_2140 = arith.addf %get3A_2136, %get3A_2139 : vector<16xf32>
        %get3A_2141 = arith.constant 896 : index
        %get3A_2142 = tpu.vector_load %arg12[%get3A_2141] {strides = array<i32>} : memref<1024xf32, #tpu.memory_space<vmem>>, vector<16xf32>,
        %add3A_2143 = arith.addf %add3A_2140, %get3A_2142 : vector<16xf32>
        %sub3A_2144 = arith.subf %add3A_2143, %mul3A_889 : vector<16xf32>
        %mul3A_2145 = arith.mulf %sub3A_2144, %mul3A_958 : vector<16xf32>
        %get3A_2146 = arith.constant 896 : index
        %get3A_2147 = tpu.vector_load %arg13[%get3A_2146] {strides = array<i32>} : memref<1024xf32, #tpu.memory_space<vmem>>, vector<16xf32>,
        %mul3A_2148 = arith.mulf %mul3A_2145, %get3A_2147 : vector<16xf32>
        %get3A_2149 = arith.constant 896 : index
        %get3A_2150 = tpu.vector_load %arg14[%get3A_2149] {strides = array<i32>} : memref<1024xf32, #tpu.memory_space<vmem>>, vector<16xf32>,
        %add3A_2151 = arith.addf %mul3A_2148, %get3A_2150 : vector<16xf32>
        %swap3A_2152 = arith.index_cast %scan3A_26 : i32 to index
        %swap3A_2153 = arith.constant 896 : index
        %swap3A_2154 = tpu.vector_load %arg10[%swap3A_2152, %swap3A_2153] {strides = array<i32>} : memref<16x1024xf32, #tpu.memory_space<vmem>>, vector<16xf32>,
        tpu.vector_store %arg10[%swap3A_2152, %swap3A_2153], %add3A_2151 {strides = array<i32>} : memref<16x1024xf32, #tpu.memory_space<vmem>>, vector<16xf32>,
        %get3A_2155 = arith.index_cast %scan3A_26 : i32 to index
        %get3A_2156 = arith.constant 912 : index
        %get3A_2157 = tpu.vector_load %arg10[%get3A_2155, %get3A_2156] {strides = array<i32>} : memref<16x1024xf32, #tpu.memory_space<vmem>>, vector<16xf32>,
        %get3A_2158 = arith.index_cast %scan3A_26 : i32 to index
        %get3A_2159 = arith.constant 912 : index
        %get3A_2160 = tpu.vector_load %arg11[%get3A_2158, %get3A_2159] {strides = array<i32>} : memref<16x1024xf32, #tpu.memory_space<vmem>>, vector<16xf32>,
        %add3A_2161 = arith.addf %get3A_2157, %get3A_2160 : vector<16xf32>
        %get3A_2162 = arith.constant 912 : index
        %get3A_2163 = tpu.vector_load %arg12[%get3A_2162] {strides = array<i32>} : memref<1024xf32, #tpu.memory_space<vmem>>, vector<16xf32>,
        %add3A_2164 = arith.addf %add3A_2161, %get3A_2163 : vector<16xf32>
        %sub3A_2165 = arith.subf %add3A_2164, %mul3A_889 : vector<16xf32>
        %mul3A_2166 = arith.mulf %sub3A_2165, %mul3A_958 : vector<16xf32>
        %get3A_2167 = arith.constant 912 : index
        %get3A_2168 = tpu.vector_load %arg13[%get3A_2167] {strides = array<i32>} : memref<1024xf32, #tpu.memory_space<vmem>>, vector<16xf32>,
        %mul3A_2169 = arith.mulf %mul3A_2166, %get3A_2168 : vector<16xf32>
        %get3A_2170 = arith.constant 912 : index
        %get3A_2171 = tpu.vector_load %arg14[%get3A_2170] {strides = array<i32>} : memref<1024xf32, #tpu.memory_space<vmem>>, vector<16xf32>,
        %add3A_2172 = arith.addf %mul3A_2169, %get3A_2171 : vector<16xf32>
        %swap3A_2173 = arith.index_cast %scan3A_26 : i32 to index
        %swap3A_2174 = arith.constant 912 : index
        %swap3A_2175 = tpu.vector_load %arg10[%swap3A_2173, %swap3A_2174] {strides = array<i32>} : memref<16x1024xf32, #tpu.memory_space<vmem>>, vector<16xf32>,
        tpu.vector_store %arg10[%swap3A_2173, %swap3A_2174], %add3A_2172 {strides = array<i32>} : memref<16x1024xf32, #tpu.memory_space<vmem>>, vector<16xf32>,
        %get3A_2176 = arith.index_cast %scan3A_26 : i32 to index
        %get3A_2177 = arith.constant 928 : index
        %get3A_2178 = tpu.vector_load %arg10[%get3A_2176, %get3A_2177] {strides = array<i32>} : memref<16x1024xf32, #tpu.memory_space<vmem>>, vector<16xf32>,
        %get3A_2179 = arith.index_cast %scan3A_26 : i32 to index
        %get3A_2180 = arith.constant 928 : index
        %get3A_2181 = tpu.vector_load %arg11[%get3A_2179, %get3A_2180] {strides = array<i32>} : memref<16x1024xf32, #tpu.memory_space<vmem>>, vector<16xf32>,
        %add3A_2182 = arith.addf %get3A_2178, %get3A_2181 : vector<16xf32>
        %get3A_2183 = arith.constant 928 : index
        %get3A_2184 = tpu.vector_load %arg12[%get3A_2183] {strides = array<i32>} : memref<1024xf32, #tpu.memory_space<vmem>>, vector<16xf32>,
        %add3A_2185 = arith.addf %add3A_2182, %get3A_2184 : vector<16xf32>
        %sub3A_2186 = arith.subf %add3A_2185, %mul3A_889 : vector<16xf32>
        %mul3A_2187 = arith.mulf %sub3A_2186, %mul3A_958 : vector<16xf32>
        %get3A_2188 = arith.constant 928 : index
        %get3A_2189 = tpu.vector_load %arg13[%get3A_2188] {strides = array<i32>} : memref<1024xf32, #tpu.memory_space<vmem>>, vector<16xf32>,
        %mul3A_2190 = arith.mulf %mul3A_2187, %get3A_2189 : vector<16xf32>
        %get3A_2191 = arith.constant 928 : index
        %get3A_2192 = tpu.vector_load %arg14[%get3A_2191] {strides = array<i32>} : memref<1024xf32, #tpu.memory_space<vmem>>, vector<16xf32>,
        %add3A_2193 = arith.addf %mul3A_2190, %get3A_2192 : vector<16xf32>
        %swap3A_2194 = arith.index_cast %scan3A_26 : i32 to index
        %swap3A_2195 = arith.constant 928 : index
        %swap3A_2196 = tpu.vector_load %arg10[%swap3A_2194, %swap3A_2195] {strides = array<i32>} : memref<16x1024xf32, #tpu.memory_space<vmem>>, vector<16xf32>,
        tpu.vector_store %arg10[%swap3A_2194, %swap3A_2195], %add3A_2193 {strides = array<i32>} : memref<16x1024xf32, #tpu.memory_space<vmem>>, vector<16xf32>,
        %get3A_2197 = arith.index_cast %scan3A_26 : i32 to index
        %get3A_2198 = arith.constant 944 : index
        %get3A_2199 = tpu.vector_load %arg10[%get3A_2197, %get3A_2198] {strides = array<i32>} : memref<16x1024xf32, #tpu.memory_space<vmem>>, vector<16xf32>,
        %get3A_2200 = arith.index_cast %scan3A_26 : i32 to index
        %get3A_2201 = arith.constant 944 : index
        %get3A_2202 = tpu.vector_load %arg11[%get3A_2200, %get3A_2201] {strides = array<i32>} : memref<16x1024xf32, #tpu.memory_space<vmem>>, vector<16xf32>,
        %add3A_2203 = arith.addf %get3A_2199, %get3A_2202 : vector<16xf32>
        %get3A_2204 = arith.constant 944 : index
        %get3A_2205 = tpu.vector_load %arg12[%get3A_2204] {strides = array<i32>} : memref<1024xf32, #tpu.memory_space<vmem>>, vector<16xf32>,
        %add3A_2206 = arith.addf %add3A_2203, %get3A_2205 : vector<16xf32>
        %sub3A_2207 = arith.subf %add3A_2206, %mul3A_889 : vector<16xf32>
        %mul3A_2208 = arith.mulf %sub3A_2207, %mul3A_958 : vector<16xf32>
        %get3A_2209 = arith.constant 944 : index
        %get3A_2210 = tpu.vector_load %arg13[%get3A_2209] {strides = array<i32>} : memref<1024xf32, #tpu.memory_space<vmem>>, vector<16xf32>,
        %mul3A_2211 = arith.mulf %mul3A_2208, %get3A_2210 : vector<16xf32>
        %get3A_2212 = arith.constant 944 : index
        %get3A_2213 = tpu.vector_load %arg14[%get3A_2212] {strides = array<i32>} : memref<1024xf32, #tpu.memory_space<vmem>>, vector<16xf32>,
        %add3A_2214 = arith.addf %mul3A_2211, %get3A_2213 : vector<16xf32>
        %swap3A_2215 = arith.index_cast %scan3A_26 : i32 to index
        %swap3A_2216 = arith.constant 944 : index
        %swap3A_2217 = tpu.vector_load %arg10[%swap3A_2215, %swap3A_2216] {strides = array<i32>} : memref<16x1024xf32, #tpu.memory_space<vmem>>, vector<16xf32>,
        tpu.vector_store %arg10[%swap3A_2215, %swap3A_2216], %add3A_2214 {strides = array<i32>} : memref<16x1024xf32, #tpu.memory_space<vmem>>, vector<16xf32>,
        %get3A_2218 = arith.index_cast %scan3A_26 : i32 to index
        %get3A_2219 = arith.constant 960 : index
        %get3A_2220 = tpu.vector_load %arg10[%get3A_2218, %get3A_2219] {strides = array<i32>} : memref<16x1024xf32, #tpu.memory_space<vmem>>, vector<16xf32>,
        %get3A_2221 = arith.index_cast %scan3A_26 : i32 to index
        %get3A_2222 = arith.constant 960 : index
        %get3A_2223 = tpu.vector_load %arg11[%get3A_2221, %get3A_2222] {strides = array<i32>} : memref<16x1024xf32, #tpu.memory_space<vmem>>, vector<16xf32>,
        %add3A_2224 = arith.addf %get3A_2220, %get3A_2223 : vector<16xf32>
        %get3A_2225 = arith.constant 960 : index
        %get3A_2226 = tpu.vector_load %arg12[%get3A_2225] {strides = array<i32>} : memref<1024xf32, #tpu.memory_space<vmem>>, vector<16xf32>,
        %add3A_2227 = arith.addf %add3A_2224, %get3A_2226 : vector<16xf32>
        %sub3A_2228 = arith.subf %add3A_2227, %mul3A_889 : vector<16xf32>
        %mul3A_2229 = arith.mulf %sub3A_2228, %mul3A_958 : vector<16xf32>
        %get3A_2230 = arith.constant 960 : index
        %get3A_2231 = tpu.vector_load %arg13[%get3A_2230] {strides = array<i32>} : memref<1024xf32, #tpu.memory_space<vmem>>, vector<16xf32>,
        %mul3A_2232 = arith.mulf %mul3A_2229, %get3A_2231 : vector<16xf32>
        %get3A_2233 = arith.constant 960 : index
        %get3A_2234 = tpu.vector_load %arg14[%get3A_2233] {strides = array<i32>} : memref<1024xf32, #tpu.memory_space<vmem>>, vector<16xf32>,
        %add3A_2235 = arith.addf %mul3A_2232, %get3A_2234 : vector<16xf32>
        %swap3A_2236 = arith.index_cast %scan3A_26 : i32 to index
        %swap3A_2237 = arith.constant 960 : index
        %swap3A_2238 = tpu.vector_load %arg10[%swap3A_2236, %swap3A_2237] {strides = array<i32>} : memref<16x1024xf32, #tpu.memory_space<vmem>>, vector<16xf32>,
        tpu.vector_store %arg10[%swap3A_2236, %swap3A_2237], %add3A_2235 {strides = array<i32>} : memref<16x1024xf32, #tpu.memory_space<vmem>>, vector<16xf32>,
        %get3A_2239 = arith.index_cast %scan3A_26 : i32 to index
        %get3A_2240 = arith.constant 976 : index
        %get3A_2241 = tpu.vector_load %arg10[%get3A_2239, %get3A_2240] {strides = array<i32>} : memref<16x1024xf32, #tpu.memory_space<vmem>>, vector<16xf32>,
        %get3A_2242 = arith.index_cast %scan3A_26 : i32 to index
        %get3A_2243 = arith.constant 976 : index
        %get3A_2244 = tpu.vector_load %arg11[%get3A_2242, %get3A_2243] {strides = array<i32>} : memref<16x1024xf32, #tpu.memory_space<vmem>>, vector<16xf32>,
        %add3A_2245 = arith.addf %get3A_2241, %get3A_2244 : vector<16xf32>
        %get3A_2246 = arith.constant 976 : index
        %get3A_2247 = tpu.vector_load %arg12[%get3A_2246] {strides = array<i32>} : memref<1024xf32, #tpu.memory_space<vmem>>, vector<16xf32>,
        %add3A_2248 = arith.addf %add3A_2245, %get3A_2247 : vector<16xf32>
        %sub3A_2249 = arith.subf %add3A_2248, %mul3A_889 : vector<16xf32>
        %mul3A_2250 = arith.mulf %sub3A_2249, %mul3A_958 : vector<16xf32>
        %get3A_2251 = arith.constant 976 : index
        %get3A_2252 = tpu.vector_load %arg13[%get3A_2251] {strides = array<i32>} : memref<1024xf32, #tpu.memory_space<vmem>>, vector<16xf32>,
        %mul3A_2253 = arith.mulf %mul3A_2250, %get3A_2252 : vector<16xf32>
        %get3A_2254 = arith.constant 976 : index
        %get3A_2255 = tpu.vector_load %arg14[%get3A_2254] {strides = array<i32>} : memref<1024xf32, #tpu.memory_space<vmem>>, vector<16xf32>,
        %add3A_2256 = arith.addf %mul3A_2253, %get3A_2255 : vector<16xf32>
        %swap3A_2257 = arith.index_cast %scan3A_26 : i32 to index
        %swap3A_2258 = arith.constant 976 : index
        %swap3A_2259 = tpu.vector_load %arg10[%swap3A_2257, %swap3A_2258] {strides = array<i32>} : memref<16x1024xf32, #tpu.memory_space<vmem>>, vector<16xf32>,
        tpu.vector_store %arg10[%swap3A_2257, %swap3A_2258], %add3A_2256 {strides = array<i32>} : memref<16x1024xf32, #tpu.memory_space<vmem>>, vector<16xf32>,
        %get3A_2260 = arith.index_cast %scan3A_26 : i32 to index
        %get3A_2261 = arith.constant 992 : index
        %get3A_2262 = tpu.vector_load %arg10[%get3A_2260, %get3A_2261] {strides = array<i32>} : memref<16x1024xf32, #tpu.memory_space<vmem>>, vector<16xf32>,
        %get3A_2263 = arith.index_cast %scan3A_26 : i32 to index
        %get3A_2264 = arith.constant 992 : index
        %get3A_2265 = tpu.vector_load %arg11[%get3A_2263, %get3A_2264] {strides = array<i32>} : memref<16x1024xf32, #tpu.memory_space<vmem>>, vector<16xf32>,
        %add3A_2266 = arith.addf %get3A_2262, %get3A_2265 : vector<16xf32>
        %get3A_2267 = arith.constant 992 : index
        %get3A_2268 = tpu.vector_load %arg12[%get3A_2267] {strides = array<i32>} : memref<1024xf32, #tpu.memory_space<vmem>>, vector<16xf32>,
        %add3A_2269 = arith.addf %add3A_2266, %get3A_2268 : vector<16xf32>
        %sub3A_2270 = arith.subf %add3A_2269, %mul3A_889 : vector<16xf32>
        %mul3A_2271 = arith.mulf %sub3A_2270, %mul3A_958 : vector<16xf32>
        %get3A_2272 = arith.constant 992 : index
        %get3A_2273 = tpu.vector_load %arg13[%get3A_2272] {strides = array<i32>} : memref<1024xf32, #tpu.memory_space<vmem>>, vector<16xf32>,
        %mul3A_2274 = arith.mulf %mul3A_2271, %get3A_2273 : vector<16xf32>
        %get3A_2275 = arith.constant 992 : index
        %get3A_2276 = tpu.vector_load %arg14[%get3A_2275] {strides = array<i32>} : memref<1024xf32, #tpu.memory_space<vmem>>, vector<16xf32>,
        %add3A_2277 = arith.addf %mul3A_2274, %get3A_2276 : vector<16xf32>
        %swap3A_2278 = arith.index_cast %scan3A_26 : i32 to index
        %swap3A_2279 = arith.constant 992 : index
        %swap3A_2280 = tpu.vector_load %arg10[%swap3A_2278, %swap3A_2279] {strides = array<i32>} : memref<16x1024xf32, #tpu.memory_space<vmem>>, vector<16xf32>,
        tpu.vector_store %arg10[%swap3A_2278, %swap3A_2279], %add3A_2277 {strides = array<i32>} : memref<16x1024xf32, #tpu.memory_space<vmem>>, vector<16xf32>,
        %get3A_2281 = arith.index_cast %scan3A_26 : i32 to index
        %get3A_2282 = arith.constant 1008 : index
        %get3A_2283 = tpu.vector_load %arg10[%get3A_2281, %get3A_2282] {strides = array<i32>} : memref<16x1024xf32, #tpu.memory_space<vmem>>, vector<16xf32>,
        %get3A_2284 = arith.index_cast %scan3A_26 : i32 to index
        %get3A_2285 = arith.constant 1008 : index
        %get3A_2286 = tpu.vector_load %arg11[%get3A_2284, %get3A_2285] {strides = array<i32>} : memref<16x1024xf32, #tpu.memory_space<vmem>>, vector<16xf32>,
        %add3A_2287 = arith.addf %get3A_2283, %get3A_2286 : vector<16xf32>
        %get3A_2288 = arith.constant 1008 : index
        %get3A_2289 = tpu.vector_load %arg12[%get3A_2288] {strides = array<i32>} : memref<1024xf32, #tpu.memory_space<vmem>>, vector<16xf32>,
        %add3A_2290 = arith.addf %add3A_2287, %get3A_2289 : vector<16xf32>
        %sub3A_2291 = arith.subf %add3A_2290, %mul3A_889 : vector<16xf32>
        %mul3A_2292 = arith.mulf %sub3A_2291, %mul3A_958 : vector<16xf32>
        %get3A_2293 = arith.constant 1008 : index
        %get3A_2294 = tpu.vector_load %arg13[%get3A_2293] {strides = array<i32>} : memref<1024xf32, #tpu.memory_space<vmem>>, vector<16xf32>,
        %mul3A_2295 = arith.mulf %mul3A_2292, %get3A_2294 : vector<16xf32>
        %get3A_2296 = arith.constant 1008 : index
        %get3A_2297 = tpu.vector_load %arg14[%get3A_2296] {strides = array<i32>} : memref<1024xf32, #tpu.memory_space<vmem>>, vector<16xf32>,
        %add3A_2298 = arith.addf %mul3A_2295, %get3A_2297 : vector<16xf32>
        %swap3A_2299 = arith.index_cast %scan3A_26 : i32 to index
        %swap3A_2300 = arith.constant 1008 : index
        %swap3A_2301 = tpu.vector_load %arg10[%swap3A_2299, %swap3A_2300] {strides = array<i32>} : memref<16x1024xf32, #tpu.memory_space<vmem>>, vector<16xf32>,
        tpu.vector_store %arg10[%swap3A_2299, %swap3A_2300], %add3A_2298 {strides = array<i32>} : memref<16x1024xf32, #tpu.memory_space<vmem>>, vector<16xf32>,
      }
      %scan3A_24 = arith.constant 16 : i32
      %add3A_25 = arith.addi %mul3A_2, %mul3A_11 : i32
      "tpu.region"() ({
        %run_scoped3A = tpu.sem_alloc : memref<!tpu.dma_semaphore, #tpu.memory_space<semaphore_mem>>
        %dma_start3A_26 = arith.constant 0 : i32
        %dma_start3A_27 = tpu.memref_slice %arg8[%add3A_25, %dma_start3A_26] : memref<16384x1024xf32, #tpu.memory_space<hbm>> -> memref<16x1024xf32, #tpu.memory_space<hbm>>
        %dma_start3A_28 = arith.constant 0 : i32
        %dma_start3A_29 = tpu.memref_slice %arg8[%add3A_25, %dma_start3A_28] : memref<16384x1024xf32, #tpu.memory_space<hbm>> -> memref<16x1024xf32, #tpu.memory_space<hbm>>
        tpu.enqueue_dma source(%arg10 : memref<16x1024xf32, #tpu.memory_space<vmem>>) target(%dma_start3A_29 : memref<16x1024xf32, #tpu.memory_space<hbm>>) target_semaphore(%run_scoped3A : memref<!tpu.dma_semaphore, #tpu.memory_space<semaphore_mem>>)
        %dma_wait3A_30 = arith.constant 0 : i32
        %dma_wait3A_31 = tpu.memref_slice %arg8[%add3A_25, %dma_wait3A_30] : memref<16384x1024xf32, #tpu.memory_space<hbm>> -> memref<16x1024xf32, #tpu.memory_space<hbm>>
        %dma_wait3A_32 = arith.constant 0 : i32
        %dma_wait3A_33 = tpu.memref_slice %arg8[%add3A_25, %dma_wait3A_32] : memref<16384x1024xf32, #tpu.memory_space<hbm>> -> memref<16x1024xf32, #tpu.memory_space<hbm>>
        tpu.wait_dma2 semaphore(%run_scoped3A : memref<!tpu.dma_semaphore, #tpu.memory_space<semaphore_mem>>) src(%arg10 : memref<16x1024xf32, #tpu.memory_space<vmem>>) dst(%dma_wait3A_33 : memref<16x1024xf32, #tpu.memory_space<hbm>>)
        tpu.yield
      }) : () -> ()
    }
    %scan3A_8 = arith.constant 32 : i32
    return
  }
}

</mosaic_0001>

<sc_bundles>
// kernel: kernel.3.cloned.1.call-start
scs
__scs_entry_jumppad:
0x0: {  	(pc) =	sbr.rel $0x88, $3  }
0x1: {  	(tag) =	ssettag $0x0;
	lr =	simm.s32 $0x1  }
0x2: {  	[smem:$0x3F9B] =	sst lr;
	_ =	strace $0xD0000000  }
0x3: {  	_ = 	snop  }
0x4: {  	_ = 	snop  }
0x5: {  	_ = 	snop  }
0x6: {  	_ = 	snop  }
0x7: {  	_ = 	snop  }
__scs_overlays_trampoline_lowered:
0x8: {  	[smem:$0x3FAA] =	sst s0  }
0x9: {  	[smem:$0x3FAB] =	sst s1  }
0xa: {  	[smem:$0x3FAC] =	sst s2  }
0xb: {  	[smem:$0x3FAD] =	sst s3  }
0xc: {  	[smem:$0x3FAE] =	sst s4  }
0xd: {  	[smem:$0x3FAF] =	sst s5  }
0xe: {  	[smem:$0x3FB0] =	sst s6  }
0xf: {  	[smem:$0x3FB1] =	sst s7  }
0x10: {  	[smem:$0x3FB2] =	sst s8  }
0x11: {  	[smem:$0x3FB3] =	sst s9;
	s0 =	simm.s32 @!p0 $0x0  }
0x12: {  	s1 =	sld [smem:$0x3F99];
	s0 =	simm.s32 @p0 $0x1  }
0x13: {  	[smem:$0x3FB4] =	sst s0;
	s0 =	simm.s32 @!p1 $0x0  }
0x14: {  	s2 =	sld [smem:$0x3F98];
	s0 =	simm.s32 @p1 $0x1  }
0x15: {  	[smem:$0x3FB5] =	sst s0;
	s0 =	simm.s32 @!p2 $0x0  }
0x16: {  	s3 =	sld [smem:$0x3FDB];
	s0 =	simm.s32 @p2 $0x1  }
0x17: {  	s4 =	simm.s32 $0x1BF5;
	[smem:$0x3FB7] =	sst s0  }
0x18: {  	s0 =	sld [smem:$0x3F9A];
	_ =	swait.ge [sflag:s4], $0x0  }
0x19: {  	s7 =	sld [smem:$0x3F9B]  }
0x1a: {  	s8 =	sadd.s32 $0xFFFFE003, lr  }
0x1b: {  	s9 =	sadd.s32 $0xFFFFFEF7, lr;
	s5 =	simm.s32 $0xFFFFFFFF;
	p2 =	slt.u32 s8, $0xFFFFF086  }
0x1c: {  	p1 =	slt.u32 s9, $0xF7A;
	s5 =	simm.s32 @!p2 $0x0  }
0x1d: {  	s5 =	simm.s32 @p1 $0x1;
	p0 =	seq.s32 s7, s2  }
0x1e: {  	s7 =	smul.u32 @!p0 $0xF7A, s2;
	p2 =	seq.s32 @!p0 s5, $0x0  }
0x1f: {  	s9 =	smul.u32 $0xF7A, s1;
	s8 =	simm.s32 @!p0 $0x1BF5;
	p2 =	por !p2, p0  }
0x20: {  	[sflag:s8] =	ssyncset.s32 @!p0 $0xFFFFF086;
	s6 =	sadd.s32 @!p0 s3, s7;
	s7 =	simm.s32 @!p0 $0x108  }
0x21: {  	s3 =	sadd.s32 s3, s9;
	s6 =	sadd.s32 @!p0 $0x88, s6;
	s7 =	simm.s32 @p2 $0x1082  }
0x22: {  	[simem:s7], [sflag:s8] =	dma.local @!p0 [hbm:s6], $0xF7A  }
0x23: {  	s9 =	sor.u32 $0xD0000000, s2;
	s6 =	simm.s32 $0x108;
	_ =	swait.ge @!p0 [sflag:s8], $0x0  }
0x24: {  	s3 =	sadd.s32 $0x88, s3;
	s6 =	simm.s32 @!p1 $0x1082;
	[sflag:s4] =	ssyncset.s32 $0xFFFFF086  }
0x25: {  	[simem:s6], [sflag:s4] =	dma.local [hbm:s3], $0xF7A  }
0x26: {  	[smem:$0x3F9B] =	sst s1;
	(tag) =	ssettag s2;
	_ =	strace s9  }
0x27: {  	s1 =	sld [smem:$0x3FAB]  }
0x28: {  	s2 =	sld [smem:$0x3FAC]  }
0x29: {  	s4 =	sld [smem:$0x3FAE]  }
0x2a: {  	p0 =	seq.s32 s5, $0x0;
	s5 =	sld [smem:$0x3FAF]  }
0x2b: {  	s6 =	sld [smem:$0x3FB0]  }
0x2c: {  	s7 =	sld [smem:$0x3FB1]  }
0x2d: {  	s3 =	simm.s32 $0x108;
	s8 =	sld [smem:$0x3FB2]  }
0x2e: {  	s3 =	simm.s32 @!p0 $0x1082;
	s9 =	sld [smem:$0x3FB3]  }
0x2f: {  	lr =	sadd.s32 s0, s3;
	s0 =	sld [smem:$0x3FAA]  }
0x30: {  	s3 =	sld [smem:$0x3FAD]  }
0x31: {  	[smem:$0x3FB6] =	sst s10  }
0x32: {  	s10 =	sld [smem:$0x3FB4];
	_ =	sdelay $0x3  }
0x33: {  	p0 =	seq.s32 s10, $0x1;
	s10 =	sld [smem:$0x3FB6];
	_ =	sdelay $0x3  }
0x34: {  	[smem:$0x3FB6] =	sst s10  }
0x35: {  	s10 =	sld [smem:$0x3FB5];
	_ =	sdelay $0x3  }
0x36: {  	p1 =	seq.s32 s10, $0x1;
	s10 =	sld [smem:$0x3FB6];
	_ =	sdelay $0x3  }
0x37: {  	[smem:$0x3FB6] =	sst s10  }
0x38: {  	s10 =	sld [smem:$0x3FB7]  }
0x39: {  	_ = 	snop;
	(pc) =	sbr.ind lr, $3  }
0x3a: {  	_ = 	snop  }
0x3b: {  	_ = 	snop  }
0x3c: {  	p2 =	seq.s32 s10, $0x1;
	s10 =	sld [smem:$0x3FB6]  }
0x3d: {  	_ =	shalt  }
0x3e: {  	_ =	shalt  }
0x3f: {  	_ =	shalt  }
0x40: {  	_ =	shalt  }
0x41: {  	_ =	shalt  }
0x42: {  	_ =	shalt  }
0x43: {  	_ =	shalt  }
0x44: {  	_ =	shalt  }
0x45: {  	_ =	shalt  }
0x46: {  	_ =	shalt  }
0x47: {  	_ =	shalt  }
0x48: {  	_ =	shalt  }
0x49: {  	_ =	shalt  }
0x4a: {  	_ =	shalt  }
0x4b: {  	_ =	shalt  }
0x4c: {  	_ =	shalt  }
0x4d: {  	_ =	shalt  }
0x4e: {  	_ =	shalt  }
0x4f: {  	_ =	shalt  }
0x50: {  	_ =	shalt  }
0x51: {  	_ =	shalt  }
0x52: {  	_ =	shalt  }
0x53: {  	_ =	shalt  }
0x54: {  	_ =	shalt  }
0x55: {  	_ =	shalt  }
0x56: {  	_ =	shalt  }
0x57: {  	_ =	shalt  }
0x58: {  	_ =	shalt  }
0x59: {  	_ =	shalt  }
0x5a: {  	_ =	shalt  }
0x5b: {  	_ =	shalt  }
0x5c: {  	_ =	shalt  }
0x5d: {  	_ =	shalt  }
0x5e: {  	_ =	shalt  }
0x5f: {  	_ =	shalt  }
0x60: {  	_ =	shalt  }
0x61: {  	_ =	shalt  }
0x62: {  	_ =	shalt  }
0x63: {  	_ =	shalt  }
0x64: {  	_ =	shalt  }
0x65: {  	_ =	shalt  }
0x66: {  	_ =	shalt  }
0x67: {  	_ =	shalt  }
0x68: {  	_ =	shalt  }
0x69: {  	_ =	shalt  }
0x6a: {  	_ =	shalt  }
0x6b: {  	_ =	shalt  }
0x6c: {  	_ =	shalt  }
0x6d: {  	_ =	shalt  }
0x6e: {  	_ =	shalt  }
0x6f: {  	_ =	shalt  }
0x70: {  	_ =	shalt  }
0x71: {  	_ =	shalt  }
0x72: {  	_ =	shalt  }
0x73: {  	_ =	shalt  }
0x74: {  	_ =	shalt  }
0x75: {  	_ =	shalt  }
0x76: {  	_ =	shalt  }
0x77: {  	_ =	shalt  }
0x78: {  	_ =	shalt  }
0x79: {  	_ =	shalt  }
0x7a: {  	_ =	shalt  }
0x7b: {  	_ =	shalt  }
0x7c: {  	_ =	shalt  }
0x7d: {  	_ =	shalt  }
0x7e: {  	_ =	shalt  }
0x7f: {  	_ =	shalt  }
0x80: {  	_ =	shalt  }
0x81: {  	_ =	shalt  }
0x82: {  	_ =	shalt  }
0x83: {  	_ =	shalt  }
0x84: {  	_ =	shalt  }
0x85: {  	_ =	shalt  }
0x86: {  	_ =	shalt  }
0x87: {  	_ =	shalt  }
.Lfunc_end0:
.L_simem_size_0:
called_computation_lowered:
.L_overlay_start_0:
0x88: {  	s2 =	sld [smem:$0x3FD9]  }
0x89: {  	s3 =	sld [smem:$0x3FFE];
	_ =	sdelay $0x1  }
0x8a: {  	s1 =	srdreg.scid  }
0x8b: {  	s0 =	sand.u32 $0x1, s1  }
0x8c: {  	s17 =	sshll.u32 s0, $0xA;
	s2 =	sadd.s32 s3, s2  }
0x8d: {  	s2 =	sadd.s32 s2, s17  }
0x8e: {  	[smem:$0x3FC2] =	sst s2  }
0x8f: {  	_ = 	snop  }
0x90: {  	s2 =	sld [smem:$0x3FC8]  }
0x91: {  	s18 =	sld [smem:$0x3FC7]  }
0x92: {  	s4 =	sld [smem:$0x3FC6]  }
0x93: {  	s5 =	sld [smem:$0x3FC5]  }
0x94: {  	s6 =	sld [smem:$0x3FC4]  }
0x95: {  	s7 =	sld [smem:$0x3FD0];
	(tm) =	ssettm $0x1  }
0x96: {  	s8 =	sld [smem:$0x3FFB];
	_ =	sdelay $0x3  }
0x97: {  	_ =	strace s8  }
0x98: {  	s8 =	sld [smem:$0x3FFC];
	_ =	sdelay $0x3  }
0x99: {  	_ =	strace s8  }
0x9a: {  	s8 =	sld [smem:$0x3FFD];
	_ =	sdelay $0x3  }
0x9b: {  	_ =	strace s8  }
0x9c: {  	_ =	strace $0x8FFFFFFF  }
0x9d: {  	s19 =	sld [smem:$0x3FDB];
	_ =	sdelay $0x1  }
0x9e: {  	s9 =	simm.s32 $_scs_section_size  }
0x9f: {  	s10 =	simm.s32 $_size__tile_overlayer_lowered;
	s11 =	simm.s32 $_tile_overlayer_lowered  }
0xa0: {  	s22 =	simm.s32 $0x1BFF;
	s21 =	sshll.u32 s11, $0x1;
	s8 =	sadd.s32 s9, s19  }
0xa1: {  	s12 =	simm.s32 $0x0;
	s20 =	sshll.u32 s10, $0x1;
	s10 =	sadd.s32 s21, s8  }
0xa2: {  	[timem:s12], [sflag:s22] =	dma.local [hbm:s10], s20  }
0xa3: {  	_ =	swait.ge [sflag:s22], s20  }
0xa4: {  	s9 =	ssub.s32 $0x0, s20;
	[sflag:s22] =	ssyncset.done $0x0  }
0xa5: {  	[sflag:s22] =	ssyncadd.s32 s9;
	_ =	sdelay $0x1  }
0xa6: {  	s23 =	simm.s32 $0x1B8B  }
0xa7: {  	_ =	swait.ge [sflag:s23], $0x1  }
0xa8: {  	[sflag:s23] =	ssyncset.done $0x0  }
0xa9: {  	s25 =	simm.s32 $0x1B8E;
	s24 =	sld [smem:$0x3FFE];
	[sflag:s23] =	ssyncadd.s32 $0xFFFFFFFF  }
0xaa: {  	s26 =	simm.s32 $execute0_lowered;
	[smem:$0x3FD2] =	sst s25  }
0xab: {  	s10 =	sshll.u32 s26, $0x1;
	_ =	strace $0x80000046;
	[dreg:$0x1] =	wrdreg $0xFFFFFFFF  }
0xac: {  	s28 =	simm.s32 $_size_execute0_lowered;
	s8 =	sadd.s32 s8, s10;
	[dreg:$0x0] =	wrdreg $0x0  }
0xad: {  	s10 =	sshll.u32 s28, $0x1;
	[dreg:$0x2] =	wrdreg s8  }
0xae: {  	[dreg:$0x3] =	wrdreg s10  }
0xaf: {  	[dreg:$0x4] =	wrdreg $0xC0  }
0xb0: {  	_ =	task [dreg:s12], $0x5FFFF  }
0xb1: {  	[dreg:$0x1] =	wrdreg $0xFFFFFFFF  }
0xb2: {  	[dreg:$0x0] =	wrdreg $0x60  }
0xb3: {  	[dreg:$0x2] =	wrdreg s24  }
0xb4: {  	[dreg:$0x3] =	wrdreg s2  }
0xb5: {  	[dreg:$0x4] =	wrdreg s18  }
0xb6: {  	[dreg:$0x5] =	wrdreg s4  }
0xb7: {  	[dreg:$0x6] =	wrdreg s5  }
0xb8: {  	[dreg:$0x7] =	wrdreg s6  }
0xb9: {  	[dreg:$0x8] =	wrdreg s7  }
0xba: {  	[dreg:$0x9] =	wrdreg $0x9  }
0xbb: {  	_ =	task.clear_ibuf [dreg:s12], $0xAFFFF;
	_ =	strace $0x90000046  }
0xbc: {  	s29 =	simm.s32 $0x9;
	_ =	strace $0x80000048  }
0xbd: {  	_ =	swait.ge [sflag:s29], $0x1  }
0xbe: {  	[sflag:s29] =	ssyncadd.s32 $0xFFFFFFFF  }
0xbf: {  	_ =	strace $0x90000048  }
0xc0: {  	_ =	sfence  }
0xc1: {  	s30 =	sld [smem:$0x0];
	_ =	sdelay $0x2  }
0xc2: {  	s31 =	sshll.u32 s1, $0xD;
	s1 =	sshrl.u32 s1, $0x2  }
0xc3: {  	s3 =	sand.u32 $0x4000, s31;
	s1 =	sadd.s32 s1, s30  }
0xc4: {  	s0 =	sor.u32 s3, s0;
	s1 =	sshll.u32 s1, $0x11  }
0xc5: {  	s0 =	sor.u32 s1, s0  }
0xc6: {  	s0 =	sadd.s32 $0x8F2B, s0  }
0xc7: {  	[sflag:s0] =	ssyncadd.remote.s32 $0x1  }
0xc8: {  	_ =	sfence.sel $0xFFFF  }
0xc9: {  	[dreg:$0x0] =	wrdreg $0xFFFFFFFF;
	(pc) =	sbr.abs _section_cstart, $3  }
0xca: {  	[dreg:$0x1] =	wrdreg $0xFFFFFFFF  }
0xcb: {  	_ =	task.clear_ibuf [dreg:s12], $0x2FFFF;
	_ =	strace $0x9FFFFFFF  }
0xcc: {  	(tm) =	ssettm $0x7FFFFFFF  }
0xcd: {  	_ =	shalt  }
tec
execute0_lowered:
.L_overlay_start_1:
0x0: {  	(tag) =	ssettag $0x1  }
0x1: {  	s1 =	rddreg [dreg:$0x0];
	v0 =	vimm.s32 $0xBA98FEDC;
	v1 =	vimm.s32 $0x76543210;
	v2 =	vimm.s32 $0xFEDCBA98  }
0x2: {  	s0 =	rddreg [dreg:$0x1];
	v3 =	vimm.s32 $0x32107654;
	v4 =	vimm.s32 $0xDCFE98BA;
	v5 =	vimm.s32 $0x54761032  }
0x3: {  	s2 =	srdreg.scid;
	s3 =	stileid.u32;
	v6 =	vimm.s32 $0xEFCDAB89;
	v0 =	vunpack.c.l.s4.s8 v0;
	v3 =	vunpack.c.l.s4.s8 v3  }
0x4: {  	s8 =	simm.s32 $0x0;
	v7 =	vimm.s32 $0x67452301;
	s16 =	simm.s32 $0x2;
	s20 =	simm.s32 $0x200;
	v1 =	vunpack.c.l.s4.s8 v1;
	v4 =	vunpack.c.l.s4.s8 v4  }
0x5: {  	s23 =	simm.s32 $0x1A00;
	s24 =	simm.s32 $0x2200;
	s25 =	simm.s32 $0x2A00;
	v5 =	vunpack.c.l.s4.s8 v5;
	v0 =	vunpack.c.0.s8.s32 v0;
	v3 =	vunpack.c.0.s8.s32 v3  }
0x6: {  	s28 =	simm.s32 $0x3A00;
	s29 =	simm.s32 $0x4200;
	s30 =	simm.s32 $0x1;
	v6 =	vunpack.c.l.s4.s8 v6;
	v7 =	vunpack.c.l.s4.s8 v7;
	v2 =	vunpack.c.l.s4.s8 v2  }
0x7: {  	s2 =	sand.u32 $0x1, s2;
	s3 =	sshll.u32 s3, $0xA;
	[smem:$0x7FF] =	sst s8;
	v4 =	vunpack.c.0.s8.s32 v4;
	v5 =	vunpack.c.0.s8.s32 v5;
	v0 =	vcombine.low v3, v0  }
0x8: {  	s12 =	sadd.s32 $0x100, s0;
	s4 =	sshll.u32 s2, $0x9;
	s2 =	ssub.s32 $0x2, s2;
	v3 =	vunpack.c.0.s8.s32 v6;
	v6 =	vunpack.c.0.s8.s32 v7;
	v7 =	vlaneseq.u32  }
0x9: {  	s13 =	sadd.s32 $0x200, s0;
	s9 =	sor.u32 s4, s3;
	s26 =	sshrl.u32 s2, $0x1;
	v2 =	vunpack.c.0.s8.s32 v2;
	v8 =	vunpack.c.0.s8.s32 v1;
	v60 =	vand.u32 $0x7, v7  }
0xa: {  	_ =	strace $0x80000047;
	s3 =	sshrl.u32 s9, $0x3;
	s2 =	ssub.s32 s2, s26;
	v5 =	vcombine.low v5, v4;
	v4 =	vshrl.u32 v7, $0x3;
	v62 =	vor.u32 $0x8, v7;
	[tilespmem:$0x1FFC0] =	vst v60  }
0xb: {  	s14 =	sadd.s32 $0x300, s0;
	s1 =	sadd.s32 s3, s1;
	s31 =	smax.u32 s2, $0x1;
	v6 =	vcombine.low v6, v3;
	v61 =	vmul.u32 $0x8, v4;
	[tilespmem:$0x1FFE0] =	vst v62;
	v63 =	vand.u32 $0xF, v0  }
0xc: {  	vm0 =	vmmov $0xffff;
	s10 =	sand.u32 $0xE00, s9;
	s1 =	sadd.s32 $0x400, s1;
	[dreg:$0x9] =	wrdreg s31;
	v3 =	vand.u32 $0xF, v2;
	[tilespmem:$0x1FFF0] =	vst v63  }
0xd: {  	s26 =	simm.s32 $0x3200;
	s2 =	simm.s32 $0x0;
	[dreg:$0x8] =	wrdreg s1;
	v5 =	vand.u32 $0xF, v5;
	v4 =	vcombine.low v3, v8;
	[tilespmem:$0x1FFD0] =	vst v61;
	v42 =	vand.u32 $0xF, v6  }
.LBB2_1:
0xe: {  	[dreg:$0xa] =	wrdreg s2  }
0xf: {  	s1 =	rddreg [dreg:$0x8]  }
0x10: {  	[tilespmem:s8], [sflag:$0x2] =	stream.linear.gather [hbm4b:s1+s8], $0x200, $0x38;
	[tilespmem:$0x8E00] =	vst v63  }
0x11: {  	_ =	swait.ge [sflag:s16], $0x200  }
0x12: {  	[sflag:s16] =	ssyncset.done $0x0  }
0x13: {  	[sflag:s16] =	ssyncadd.s32 $0xFFFFFE00  }
0x14: {  	s18 =	simm.s32 $0x8200;
	s17 =	rddreg [dreg:$0x3]  }
0x15: {  	[tilespmem:s18], [sflag:$0x2] =	stream.linear.gather [hbm4b:s17+s8], $0x400, $0x38;
	[tilespmem:$0x8E00] =	vst v63  }
0x16: {  	_ =	swait.ge [sflag:s16], $0x400  }
0x17: {  	[sflag:s16] =	ssyncset.done $0x0  }
0x18: {  	[sflag:s16] =	ssyncadd.s32 $0xFFFFFC00  }
0x19: {  	s21 =	simm.s32 $0x8600;
	s19 =	rddreg [dreg:$0x4]  }
0x1a: {  	[tilespmem:s21], [sflag:$0x2] =	stream.linear.gather [hbm4b:s19+s8], $0x400, $0x38;
	[tilespmem:$0x8E00] =	vst v63  }
0x1b: {  	_ =	swait.ge [sflag:s16], $0x400  }
0x1c: {  	[sflag:s16] =	ssyncset.done $0x0  }
0x1d: {  	[sflag:s16] =	ssyncadd.s32 $0xFFFFFC00  }
0x1e: {  	s31 =	simm.s32 $0x8A00;
	s22 =	rddreg [dreg:$0x5]  }
0x1f: {  	[tilespmem:s31], [sflag:$0x2] =	stream.linear.gather [hbm4b:s22+s8], $0x400, $0x38;
	[tilespmem:$0x8E00] =	vst v63  }
0x20: {  	_ =	swait.ge [sflag:s16], $0x400  }
0x21: {  	[sflag:s16] =	ssyncset.done $0x0  }
0x22: {  	s6 =	simm.s32 $0x0;
	[sflag:s16] =	ssyncadd.s32 $0xFFFFFC00  }
.LBB2_2:
0x23: {  	s5 =	sshll.u32 s6, $0x4  }
0x24: {  	v0 =	vld [tilespmem:s5+$0x0];
	_ =	sdelay $0x2  }
0x25: {  	v1 =	vld [tilespmem:$0x1FFC0];
	_ =	sdelay $0x1  }
0x26: {  	v63 =	vld [tilespmem:$0x1FFD0];
	v7 =	vshll.u32 v0, $0x3  }
0x27: {  	v0 =	vand.u32 $0x7, v0;
	v7 =	vand.u32 $0xFFFFFFC0, v7  }
0x28: {  	v0 =	vor.u32 v0, v7  }
0x29: {  	v7 =	vperm.xlane v0, v1;
	_ =	sdelay $0x1  }
0x2a: {  	v7 =	vadd.s32 v63, v7  }
0x2b: {  	v2 =	vld [tilespmem:$0x1FFE0];
	_ =	sdelay $0x2  }
0x2c: {  	s2 =	simm.s32 $0x0  }
0x2d: {  	[tilespmem:s20], [sflag:$0x1] =	stream.indirect_vreg.gather [hbm4b:s0+s2], $0x80, v7, vm0, $0xb8;
	[tilespmem:$0x8E00] =	vst v63  }
0x2e: {  	s1 =	simm.s32 $0xA00;
	v0 =	vperm.xlane v0, v2  }
0x2f: {  	[tilespmem:s1], [sflag:$0x1] =	stream.indirect_vreg.gather [hbm4b:s12+s2], $0x80, v7, vm0, $0xb8;
	[tilespmem:$0x8E00] =	vst v63  }
0x30: {  	s22 =	simm.s32 $0x1200;
	v0 =	vadd.s32 v63, v0  }
0x31: {  	[tilespmem:s22], [sflag:$0x1] =	stream.indirect_vreg.gather [hbm4b:s13+s2], $0x80, v7, vm0, $0xb8;
	[tilespmem:$0x8E00] =	vst v63  }
0x32: {  	_ = 	snop  }
0x33: {  	[tilespmem:s23], [sflag:$0x1] =	stream.indirect_vreg.gather [hbm4b:s14+s2], $0x80, v7, vm0, $0xb8;
	[tilespmem:$0x8E00] =	vst v63  }
0x34: {  	_ = 	snop  }
0x35: {  	[tilespmem:s24], [sflag:$0x1] =	stream.indirect_vreg.gather [hbm4b:s0+s2], $0x80, v0, vm0, $0xb8;
	[tilespmem:$0x8E00] =	vst v63  }
0x36: {  	_ = 	snop  }
0x37: {  	[tilespmem:s25], [sflag:$0x1] =	stream.indirect_vreg.gather [hbm4b:s12+s2], $0x80, v0, vm0, $0xb8;
	[tilespmem:$0x8E00] =	vst v63  }
0x38: {  	s31 =	sadd.s32 s10, s5  }
0x39: {  	[tilespmem:s26], [sflag:$0x1] =	stream.indirect_vreg.gather [hbm4b:s13+s2], $0x80, v0, vm0, $0xb8;
	[tilespmem:$0x8E00] =	vst v63  }
0x3a: {  	s3 =	rddreg [dreg:$0x2];
	s1 =	sshll.u32 s31, $0x7  }
0x3b: {  	[tilespmem:s28], [sflag:$0x1] =	stream.indirect_vreg.gather [hbm4b:s14+s2], $0x80, v0, vm0, $0xb8;
	[tilespmem:$0x8E00] =	vst v63  }
0x3c: {  	s1 =	sadd.s32 s3, s1  }
0x3d: {  	[tilespmem:s29], [sflag:$0x2] =	stream.linear.gather [hbm4b:s1+s2], $0x4000, $0x38;
	[tilespmem:$0x8E00] =	vst v63  }
0x3e: {  	_ =	swait.ge [sflag:s16], $0x4000  }
0x3f: {  	[sflag:s16] =	ssyncset.done $0x0  }
0x40: {  	[sflag:s16] =	ssyncadd.s32 $0xFFFFC000  }
0x41: {  	_ =	swait.ge [sflag:s30], $0x4000  }
0x42: {  	s4 =	simm.s32 $0x0;
	[sflag:s30] =	ssyncset.done $0x0  }
0x43: {  	s17 =	simm.s32 $0x0;
	s3 =	simm.s32 $0xFFFFC000;
	[sflag:s30] =	ssyncadd.s32 $0xFFFFC000  }
.LBB2_3:
0x44: {  	v8 =	vld [tilespmem:$0x8200]  }
0x45: {  	v10 =	vld [tilespmem:$0x8210]  }
0x46: {  	v12 =	vld [tilespmem:$0x8220]  }
0x47: {  	v14 =	vld [tilespmem:$0x8230]  }
0x48: {  	v16 =	vld [tilespmem:$0x8240]  }
0x49: {  	v18 =	vld [tilespmem:$0x8250]  }
0x4a: {  	v20 =	vld [tilespmem:$0x8260]  }
0x4b: {  	v22 =	vld [tilespmem:$0x8270]  }
0x4c: {  	v24 =	vld [tilespmem:$0x8280]  }
0x4d: {  	v26 =	vld [tilespmem:$0x8290]  }
0x4e: {  	v28 =	vld [tilespmem:$0x82A0]  }
0x4f: {  	s1 =	sadd.s32 $0x4000, s3;
	v30 =	vld [tilespmem:$0x82B0]  }
0x50: {  	s7 =	sand.u32 $0x380, s17;
	v32 =	vld [tilespmem:$0x82D0];
	s1 =	sand.u32 $0x2000, s1  }
0x51: {  	v35 =	vld [tilespmem:$0x82E0];
	s18 =	sor.u32 s7, s1  }
0x52: {  	v0 =	vld [tilespmem:s18+$0x200]  }
0x53: {  	v7 =	vld [tilespmem:s18+$0x4200]  }
0x54: {  	v63 =	vld [tilespmem:s18+$0x210]  }
0x55: {  	v9 =	vld [tilespmem:s18+$0x4210]  }
0x56: {  	v62 =	vld [tilespmem:s18+$0x220]  }
0x57: {  	v11 =	vld [tilespmem:s18+$0x4220]  }
0x58: {  	v61 =	vld [tilespmem:s18+$0x230]  }
0x59: {  	v13 =	vld [tilespmem:s18+$0x4230]  }
0x5a: {  	v60 =	vld [tilespmem:s18+$0x240]  }
0x5b: {  	v15 =	vld [tilespmem:s18+$0x4240]  }
0x5c: {  	v59 =	vld [tilespmem:s18+$0x250]  }
0x5d: {  	v17 =	vld [tilespmem:s18+$0x4250]  }
0x5e: {  	v58 =	vld [tilespmem:s18+$0x260]  }
0x5f: {  	v19 =	vld [tilespmem:s18+$0x4260]  }
0x60: {  	v57 =	vld [tilespmem:s18+$0x270]  }
0x61: {  	v21 =	vld [tilespmem:s18+$0x4270]  }
0x62: {  	v56 =	vld [tilespmem:s18+$0x600]  }
0x63: {  	v23 =	vld [tilespmem:s18+$0x4600]  }
0x64: {  	v55 =	vld [tilespmem:s18+$0x610]  }
0x65: {  	v25 =	vld [tilespmem:s18+$0x4610]  }
0x66: {  	v54 =	vld [tilespmem:s18+$0x620]  }
0x67: {  	v27 =	vld [tilespmem:s18+$0x4620]  }
0x68: {  	v53 =	vld [tilespmem:s18+$0x630]  }
0x69: {  	v29 =	vld [tilespmem:s18+$0x4630]  }
0x6a: {  	v52 =	vld [tilespmem:s18+$0x640]  }
0x6b: {  	v31 =	vld [tilespmem:s18+$0x4640]  }
0x6c: {  	v51 =	vld [tilespmem:s18+$0x650]  }
0x6d: {  	v50 =	vld [tilespmem:s18+$0x660]  }
0x6e: {  	v0 =	vadd.f32 v7, v0;
	v7 =	vld [tilespmem:$0x82C0]  }
0x6f: {  	v1 =	vadd.f32 v9, v63;
	v9 =	vld [tilespmem:s18+$0x4650]  }
0x70: {  	v2 =	vadd.f32 v11, v62;
	v11 =	vld [tilespmem:s18+$0x4660]  }
0x71: {  	v49 =	vld [tilespmem:s18+$0x670]  }
0x72: {  	v37 =	vadd.f32 v13, v61;
	v13 =	vld [tilespmem:s18+$0x4670]  }
0x73: {  	v48 =	vld [tilespmem:s18+$0xA00]  }
0x74: {  	v39 =	vadd.f32 v17, v59;
	v17 =	vld [tilespmem:$0x8300]  }
0x75: {  	v47 =	vld [tilespmem:s18+$0xA10]  }
0x76: {  	v43 =	vadd.f32 v19, v58;
	v19 =	vld [tilespmem:$0x8310]  }
0x77: {  	v46 =	vld [tilespmem:s18+$0xA20]  }
0x78: {  	v45 =	vld [tilespmem:s18+$0xA30]  }
0x79: {  	v44 =	vld [tilespmem:s18+$0xA40]  }
0x7a: {  	v15 =	vadd.f32 v15, v60;
	v3 =	vld [tilespmem:$0x8400];
	v36 =	vadd.f32 v8, v0  }
0x7b: {  	v6 =	vld [tilespmem:$0x8430];
	v8 =	vadd.f32 v10, v1;
	v10 =	vadd.f32 v12, v2  }
0x7c: {  	v12 =	vadd.f32 v14, v37;
	v14 =	vld [tilespmem:$0x82F0];
	v15 =	vadd.f32 v16, v15  }
0x7d: {  	v41 =	vadd.f32 v18, v39;
	v16 =	vld [tilespmem:s18+$0x4A10];
	v2 =	vadd.f32 v21, v57  }
0x7e: {  	v1 =	vadd.f32 v20, v43;
	v20 =	vld [tilespmem:s18+$0x4A20];
	v39 =	vadd.f32 v27, v54  }
0x7f: {  	v43 =	vld [tilespmem:s18+$0xA50];
	v33 =	vadd.f32 $0.0e+00, v36;
	v18 =	vadd.f32 v22, v2  }
0x80: {  	v27 =	vld [tilespmem:$0x8350];
	v2 =	vadd.f32 v31, v52;
	v9 =	vadd.f32 v9, v51  }
0x81: {  	v34 =	vmul.f32 v36, v36;
	v22 =	vld [tilespmem:s18+$0x4A30];
	v11 =	vadd.f32 v11, v50;
	v13 =	vadd.f32 v13, v49  }
0x82: {  	v31 =	vld [tilespmem:s18+$0xA70];
	v33 =	vadd.f32 v8, v33;
	v8 =	vmul.f32 v8, v8;
	v7 =	vadd.f32 v7, v2  }
0x83: {  	v2 =	vld [tilespmem:$0x83A0];
	v9 =	vadd.f32 v32, v9;
	v11 =	vadd.f32 v35, v11  }
0x84: {  	v32 =	vld [tilespmem:s18+$0xE00];
	v8 =	vadd.f32 v8, v34;
	v33 =	vadd.f32 v10, v33;
	v10 =	vmul.f32 v10, v10  }
0x85: {  	v35 =	vld [tilespmem:s18+$0xE10];
	v13 =	vadd.f32 v14, v13;
	v16 =	vadd.f32 v16, v47  }
0x86: {  	v14 =	vld [tilespmem:$0x8390];
	v8 =	vadd.f32 v10, v8;
	v38 =	vadd.f32 v12, v33;
	v12 =	vmul.f32 v12, v12  }
0x87: {  	v34 =	vadd.f32 v23, v56;
	v16 =	vadd.f32 v19, v16;
	v19 =	vld [tilespmem:s18+$0x4E40]  }
0x88: {  	v40 =	vmul.f32 v15, v15;
	v33 =	vld [tilespmem:s18+$0x4A00];
	v8 =	vadd.f32 v12, v8;
	v10 =	vadd.f32 v15, v38  }
0x89: {  	v21 =	vadd.f32 v24, v34;
	v24 =	vld [tilespmem:$0x8340]  }
0x8a: {  	v0 =	vmul.f32 v41, v41;
	v34 =	vld [tilespmem:s18+$0xA60];
	v8 =	vadd.f32 v40, v8;
	v10 =	vadd.f32 v41, v10  }
0x8b: {  	v12 =	vld [tilespmem:$0x8320];
	v38 =	vadd.f32 v25, v55;
	v25 =	vadd.f32 v28, v39  }
0x8c: {  	v15 =	vmul.f32 v1, v1;
	v28 =	vld [tilespmem:s18+$0x4E00];
	v8 =	vadd.f32 v0, v8;
	v10 =	vadd.f32 v1, v10  }
0x8d: {  	v23 =	vadd.f32 v26, v38;
	v26 =	vld [tilespmem:s18+$0x4A60]  }
0x8e: {  	v37 =	vmul.f32 v18, v18;
	v8 =	vadd.f32 v15, v8;
	v10 =	vadd.f32 v18, v10;
	v15 =	vld [tilespmem:s18+$0x4A40]  }
0x8f: {  	v41 =	vadd.f32 v29, v53;
	v29 =	vld [tilespmem:$0x8360];
	v39 =	vadd.f32 v33, v48  }
0x90: {  	v33 =	vld [tilespmem:s18+$0xE20];
	v8 =	vadd.f32 v37, v8;
	v10 =	vadd.f32 v21, v10;
	v21 =	vmul.f32 v21, v21  }
0x91: {  	v1 =	vadd.f32 v30, v41;
	v30 =	vld [tilespmem:s18+$0xE30]  }
0x92: {  	v40 =	vmul.f32 v23, v23;
	v8 =	vadd.f32 v21, v8;
	v10 =	vadd.f32 v23, v10;
	v23 =	vld [tilespmem:s18+$0x4A50]  }
0x93: {  	v17 =	vadd.f32 v17, v39;
	v18 =	vld [tilespmem:$0x8330];
	v15 =	vadd.f32 v15, v44  }
0x94: {  	v0 =	vmul.f32 v25, v25;
	v8 =	vadd.f32 v40, v8;
	v10 =	vadd.f32 v25, v10;
	v25 =	vld [tilespmem:s18+$0x4A70]  }
0x95: {  	v39 =	vadd.f32 v26, v34;
	v26 =	vld [tilespmem:s18+$0xE70];
	v15 =	vadd.f32 v24, v15  }
0x96: {  	v37 =	vmul.f32 v1, v1;
	v21 =	vld [tilespmem:$0x8370];
	v8 =	vadd.f32 v0, v8;
	v10 =	vadd.f32 v1, v10  }
0x97: {  	v0 =	vadd.f32 v20, v46;
	v20 =	vld [tilespmem:$0x83B0];
	v24 =	vadd.f32 v23, v43  }
0x98: {  	v23 =	vld [tilespmem:$0x83E0];
	v8 =	vadd.f32 v37, v8;
	v10 =	vadd.f32 v7, v10;
	v7 =	vmul.f32 v7, v7  }
0x99: {  	v12 =	vadd.f32 v12, v0;
	v37 =	vld [tilespmem:s18+$0xE50];
	v25 =	vadd.f32 v25, v31  }
0x9a: {  	v0 =	vld [tilespmem:s18+$0xE60];
	v7 =	vadd.f32 v7, v8;
	v38 =	vadd.f32 v9, v10;
	v9 =	vmul.f32 v9, v9  }
0x9b: {  	v10 =	vld [tilespmem:$0x8380];
	v21 =	vadd.f32 v21, v25  }
0x9c: {  	v25 =	vld [tilespmem:s18+$0x1210];
	v7 =	vadd.f32 v9, v7;
	v8 =	vadd.f32 v11, v38;
	v11 =	vmul.f32 v11, v11  }
0x9d: {  	v9 =	vld [tilespmem:s18+$0x4E10]  }
0x9e: {  	v40 =	vmul.f32 v13, v13;
	v38 =	vld [tilespmem:s18+$0xE40];
	v7 =	vadd.f32 v11, v7;
	v8 =	vadd.f32 v13, v8  }
0x9f: {  	v13 =	vld [tilespmem:s18+$0x4E20]  }
0xa0: {  	v11 =	vld [tilespmem:$0x83C0];
	v7 =	vadd.f32 v40, v7;
	v8 =	vadd.f32 v17, v8  }
0xa1: {  	v41 =	vmul.f32 v17, v17;
	v17 =	vld [tilespmem:s18+$0x4E30];
	v40 =	vadd.f32 v22, v45;
	v22 =	vadd.f32 v27, v24  }
0xa2: {  	v24 =	vadd.f32 v29, v39;
	v29 =	vld [tilespmem:$0x83F0];
	v39 =	vadd.f32 v28, v32  }
0xa3: {  	v27 =	vld [tilespmem:s18+$0x1200];
	v9 =	vadd.f32 v9, v35;
	v8 =	vadd.f32 v16, v8  }
0xa4: {  	v1 =	vmul.f32 v16, v16;
	v28 =	vld [tilespmem:s18+$0x1220];
	v19 =	vadd.f32 v19, v38;
	v7 =	vadd.f32 v41, v7  }
0xa5: {  	v16 =	vadd.f32 v18, v40;
	v18 =	vld [tilespmem:s18+$0x4E50];
	v8 =	vadd.f32 v12, v8  }
0xa6: {  	v9 =	vadd.f32 v14, v9;
	v14 =	vld [tilespmem:s18+$0x5220];
	v7 =	vadd.f32 v1, v7;
	v12 =	vmul.f32 v12, v12  }
0xa7: {  	v11 =	vadd.f32 v11, v19;
	v19 =	vld [tilespmem:$0x8440];
	v8 =	vadd.f32 v16, v8  }
0xa8: {  	v41 =	vmul.f32 v16, v16;
	v7 =	vadd.f32 v12, v7;
	v16 =	vld [tilespmem:$0x83D0]  }
0xa9: {  	v12 =	vld [tilespmem:s18+$0x4E60];
	v8 =	vadd.f32 v15, v8  }
0xaa: {  	v1 =	vld [tilespmem:s18+$0x5200];
	v7 =	vadd.f32 v41, v7;
	v15 =	vmul.f32 v15, v15  }
0xab: {  	v40 =	vmul.f32 v22, v22;
	v18 =	vadd.f32 v18, v37;
	v8 =	vadd.f32 v22, v8;
	v22 =	vld [tilespmem:s18+$0x4E70]  }
0xac: {  	v7 =	vadd.f32 v15, v7;
	v15 =	vld [tilespmem:$0x8410]  }
0xad: {  	v10 =	vadd.f32 v10, v39;
	v39 =	vadd.f32 v16, v18;
	v16 =	vld [tilespmem:s18+$0x5250]  }
0xae: {  	[tilespmem:$0x1FF00] =	vst v37;
	v41 =	vmul.f32 v24, v24;
	v12 =	vadd.f32 v12, v0;
	v18 =	vld [tilespmem:$0x8450];
	v7 =	vadd.f32 v40, v7  }
0xaf: {  	[tilespmem:$0x1FF10] =	vst v0;
	v13 =	vadd.f32 v13, v33;
	v0 =	vld [tilespmem:s18+$0x1610];
	v8 =	vadd.f32 v24, v8  }
0xb0: {  	v40 =	vmul.f32 v21, v21;
	v37 =	vadd.f32 v23, v12;
	v23 =	vmovc v5;
	v5 =	vld [tilespmem:$0x84A0];
	v7 =	vadd.f32 v41, v7  }
0xb1: {  	v8 =	vadd.f32 v21, v8;
	v21 =	vld [tilespmem:s18+$0x5210];
	v41 =	vadd.f32 v17, v30  }
0xb2: {  	v2 =	vadd.f32 v2, v13;
	v17 =	vld [tilespmem:s18+$0x1230];
	v7 =	vadd.f32 v40, v7  }
0xb3: {  	v8 =	vadd.f32 v10, v8;
	v10 =	vmul.f32 v10, v10;
	v13 =	vadd.f32 v20, v41;
	v41 =	vld [tilespmem:s18+$0x1240]  }
0xb4: {  	v1 =	vadd.f32 v1, v27;
	v40 =	vld [tilespmem:s18+$0x1250]  }
0xb5: {  	v7 =	vadd.f32 v10, v7;
	v8 =	vadd.f32 v9, v8;
	v9 =	vmul.f32 v9, v9;
	v10 =	vld [tilespmem:$0x8420]  }
0xb6: {  	v1 =	vadd.f32 v3, v1;
	v24 =	vmul.f32 v13, v13;
	v3 =	vadd.f32 v21, v25;
	v21 =	vld [tilespmem:$0x8480]  }
0xb7: {  	v7 =	vadd.f32 v9, v7;
	v9 =	vld [tilespmem:s18+$0x5230];
	v8 =	vadd.f32 v2, v8;
	v2 =	vmul.f32 v2, v2  }
0xb8: {  	v3 =	vadd.f32 v15, v3;
	v15 =	vld [tilespmem:s18+$0x1630]  }
0xb9: {  	v2 =	vadd.f32 v2, v7;
	v7 =	vadd.f32 v13, v8;
	v13 =	vld [tilespmem:s18+$0x5240]  }
0xba: {  	[tilespmem:$0x1FEF0] =	vst v38;
	v8 =	vld [tilespmem:$0x8460]  }
0xbb: {  	v38 =	vmul.f32 v11, v11;
	v2 =	vadd.f32 v24, v2;
	v7 =	vadd.f32 v11, v7;
	v24 =	vmovc v4;
	v4 =	vld [tilespmem:s18+$0x5260]  }
0xbc: {  	[tilespmem:$0x1FF20] =	vst v17;
	v9 =	vadd.f32 v9, v17;
	v17 =	vld [tilespmem:$0x8490]  }
0xbd: {  	v20 =	vmul.f32 v39, v39;
	v2 =	vadd.f32 v38, v2;
	v7 =	vadd.f32 v39, v7;
	v39 =	vld [tilespmem:s18+$0x1260]  }
0xbe: {  	[tilespmem:$0x1FF30] =	vst v41;
	v38 =	vadd.f32 v22, v26;
	v9 =	vadd.f32 v6, v9;
	v6 =	vld [tilespmem:s18+$0x5640]  }
0xbf: {  	[tilespmem:$0x1FF40] =	vst v40;
	v13 =	vadd.f32 v13, v41;
	v41 =	vadd.f32 v16, v40;
	v40 =	vld [tilespmem:s18+$0x1660]  }
0xc0: {  	v16 =	vld [tilespmem:$0x8520]  }
0xc1: {  	v12 =	vadd.f32 v29, v38;
	v38 =	vld [tilespmem:s18+$0x1270]  }
0xc2: {  	v29 =	vld [tilespmem:s18+$0x5270]  }
0xc3: {  	v11 =	vmul.f32 v37, v37;
	v7 =	vadd.f32 v37, v7;
	v37 =	vld [tilespmem:s18+$0x1600]  }
0xc4: {  	v22 =	vadd.f32 v19, v13;
	v19 =	vld [tilespmem:s18+$0x5630]  }
0xc5: {  	v13 =	vadd.f32 v18, v41;
	v18 =	vld [tilespmem:s18+$0x1640]  }
0xc6: {  	v2 =	vadd.f32 v20, v2;
	v41 =	vld [tilespmem:s18+$0x1650]  }
0xc7: {  	v7 =	vadd.f32 v12, v7;
	v20 =	vmul.f32 v12, v12;
	v12 =	vld [tilespmem:$0x8470]  }
0xc8: {  	v2 =	vadd.f32 v11, v2;
	v11 =	vld [tilespmem:s18+$0x5600]  }
0xc9: {  	v14 =	vadd.f32 v14, v28;
	[tilespmem:$0x1FF50] =	vst v39;
	v4 =	vadd.f32 v4, v39;
	v39 =	vld [tilespmem:s18+$0x1670]  }
0xca: {  	v2 =	vadd.f32 v20, v2;
	v7 =	vadd.f32 v1, v7;
	v1 =	vmul.f32 v1, v1;
	v20 =	vld [tilespmem:s18+$0x1620]  }
0xcb: {  	v10 =	vadd.f32 v10, v14;
	v14 =	vadd.f32 v29, v38;
	v29 =	vld [tilespmem:$0x84D0]  }
0xcc: {  	[tilespmem:$0x1FF60] =	vst v38;
	v38 =	vld [tilespmem:s18+$0x1A00];
	v1 =	vadd.f32 v1, v2;
	v2 =	vadd.f32 v3, v7;
	v3 =	vmul.f32 v3, v3  }
0xcd: {  	[tilespmem:$0x1FFA0] =	vst v15;
	v7 =	vld [tilespmem:s18+$0x5610];
	v15 =	vadd.f32 v19, v15  }
0xce: {  	v19 =	vld [tilespmem:s18+$0x5A00];
	v1 =	vadd.f32 v3, v1;
	v2 =	vadd.f32 v10, v2;
	v3 =	vmul.f32 v10, v10  }
0xcf: {  	v4 =	vadd.f32 v8, v4;
	[tilespmem:$0x1FFB0] =	vst v18;
	v6 =	vadd.f32 v6, v18;
	v18 =	vld [tilespmem:s18+$0x1A40]  }
0xd0: {  	v10 =	vld [tilespmem:s18+$0x5620];
	v1 =	vadd.f32 v3, v1;
	v2 =	vadd.f32 v9, v2;
	v3 =	vmul.f32 v9, v9  }
0xd1: {  	[tilespmem:$0x1FF70] =	vst v37;
	v8 =	vadd.f32 v12, v14;
	v11 =	vadd.f32 v11, v37;
	v37 =	vld [tilespmem:s18+$0x1A10]  }
0xd2: {  	v12 =	vld [tilespmem:$0x8530];
	v9 =	vmul.f32 v22, v22;
	v1 =	vadd.f32 v3, v1;
	v2 =	vadd.f32 v22, v2  }
0xd3: {  	v11 =	vadd.f32 v21, v11;
	v21 =	vld [tilespmem:$0x84E0]  }
0xd4: {  	v3 =	vld [tilespmem:$0x84B0];
	v22 =	vmul.f32 v13, v13;
	v1 =	vadd.f32 v9, v1;
	v2 =	vadd.f32 v13, v2  }
0xd5: {  	[tilespmem:$0x1FF90] =	vst v20;
	v10 =	vadd.f32 v10, v20;
	v20 =	vld [tilespmem:$0x84F0]  }
0xd6: {  	v13 =	vld [tilespmem:$0x84C0];
	v1 =	vadd.f32 v22, v1;
	v2 =	vadd.f32 v4, v2;
	v4 =	vmul.f32 v4, v4  }
0xd7: {  	v7 =	vadd.f32 v7, v0;
	v9 =	vld [tilespmem:s18+$0x5650];
	v5 =	vadd.f32 v5, v10  }
0xd8: {  	v10 =	vld [tilespmem:s18+$0x5A10];
	v1 =	vadd.f32 v4, v1;
	v2 =	vadd.f32 v8, v2;
	v4 =	vmul.f32 v8, v8  }
0xd9: {  	v7 =	vadd.f32 v17, v7;
	v22 =	vld [tilespmem:$0x8510]  }
0xda: {  	v8 =	vld [tilespmem:s18+$0x5660];
	v1 =	vadd.f32 v4, v1;
	v2 =	vadd.f32 v11, v2;
	v4 =	vmul.f32 v11, v11  }
0xdb: {  	v3 =	vadd.f32 v3, v15;
	v15 =	vld [tilespmem:s18+$0x5A60];
	v13 =	vadd.f32 v13, v6  }
0xdc: {  	v6 =	vld [tilespmem:s18+$0x1A30];
	v1 =	vadd.f32 v4, v1;
	v2 =	vadd.f32 v7, v2;
	v7 =	vmul.f32 v7, v7  }
0xdd: {  	v19 =	vadd.f32 v19, v38;
	v9 =	vadd.f32 v9, v41;
	v11 =	vld [tilespmem:s18+$0x5670]  }
0xde: {  	v17 =	vmul.f32 v5, v5;
	v4 =	vld [tilespmem:$0x8500];
	v7 =	vadd.f32 v7, v1;
	v2 =	vadd.f32 v5, v2  }
0xdf: {  	v9 =	vadd.f32 v29, v9;
	v29 =	vld [tilespmem:s18+$0x5A30];
	v8 =	vadd.f32 v8, v40  }
0xe0: {  	[tilespmem:$0x1FF80] =	vst v0;
	v5 =	vld [tilespmem:s18+$0x1A20];
	v0 =	vadd.f32 v17, v7;
	v7 =	vadd.f32 v3, v2;
	v3 =	vmul.f32 v3, v3  }
0xe1: {  	v10 =	vadd.f32 v10, v37;
	v1 =	vld [tilespmem:s18+$0x1A50];
	v8 =	vadd.f32 v21, v8  }
0xe2: {  	v14 =	vmul.f32 v13, v13;
	v17 =	vld [tilespmem:$0x8540];
	v0 =	vadd.f32 v3, v0;
	v7 =	vadd.f32 v13, v7  }
0xe3: {  	v11 =	vadd.f32 v11, v39;
	v4 =	vadd.f32 v4, v19;
	v19 =	vld [tilespmem:s18+$0x5A50]  }
0xe4: {  	v3 =	vld [tilespmem:s18+$0x5A20];
	v0 =	vadd.f32 v14, v0;
	v7 =	vadd.f32 v9, v7;
	v9 =	vmul.f32 v9, v9  }
0xe5: {  	v29 =	vadd.f32 v29, v6;
	v11 =	vadd.f32 v20, v11;
	v13 =	vld [tilespmem:s18+$0x1A60]  }
0xe6: {  	v14 =	vld [tilespmem:s18+$0x5A40];
	v9 =	vadd.f32 v9, v0;
	v7 =	vadd.f32 v8, v7;
	v8 =	vmul.f32 v8, v8  }
0xe7: {  	s31 =	sand.u32 $0x7, s2;
	v2 =	vadd.f32 v22, v10;
	v12 =	vadd.f32 v12, v29;
	v29 =	vld [tilespmem:$0x8570]  }
0xe8: {  	s1 =	sshll.u32 s31, $0x7;
	v0 =	vld [tilespmem:s18+$0x1A70];
	v8 =	vadd.f32 v8, v9;
	v7 =	vadd.f32 v11, v7;
	v11 =	vmul.f32 v11, v11  }
0xe9: {  	s19 =	sadd.s32 s1, s4;
	v22 =	vadd.f32 v19, v1;
	v19 =	vld [tilespmem:$0x8590];
	v3 =	vadd.f32 v3, v5  }
0xea: {  	s22 =	sor.u32 $0x1C00, s19;
	v8 =	vadd.f32 v11, v8;
	v11 =	vld [tilespmem:$0x8550];
	v10 =	vadd.f32 v4, v7;
	v4 =	vmul.f32 v4, v4  }
0xeb: {  	v9 =	vld [tilespmem:s22+$0x200];
	v3 =	vadd.f32 v16, v3;
	v14 =	vadd.f32 v14, v18  }
0xec: {  	v4 =	vadd.f32 v4, v8;
	v10 =	vadd.f32 v2, v10;
	v2 =	vmul.f32 v2, v2;
	v8 =	vld [tilespmem:$0x8560]  }
0xed: {  	v20 =	vmov v6;
	v6 =	vadd.f32 v17, v14;
	v14 =	vld [tilespmem:$0x8580]  }
0xee: {  	s1 =	sor.u32 $0x1C30, s19;
	v2 =	vadd.f32 v2, v4;
	v4 =	vld [tilespmem:s18+$0x5A70];
	v10 =	vadd.f32 v3, v10;
	v3 =	vmul.f32 v3, v3  }
0xef: {  	v15 =	vadd.f32 v15, v13;
	v11 =	vadd.f32 v11, v22;
	v22 =	vld [tilespmem:s1+$0x4200]  }
0xf0: {  	s21 =	sor.u32 $0x1C10, s19;
	v21 =	vmovc v5;
	v5 =	vmul.f32 v12, v12;
	v2 =	vadd.f32 v3, v2;
	v3 =	vadd.f32 v12, v10;
	v10 =	vld [tilespmem:s22+$0x4200]  }
0xf1: {  	s7 =	sor.u32 $0x1C20, s19;
	v16 =	vmov v1;
	v12 =	vld [tilespmem:s21+$0x4200];
	v1 =	vadd.f32 v8, v15  }
0xf2: {  	v8 =	vld [tilespmem:s7+$0x4200];
	v2 =	vadd.f32 v5, v2;
	v3 =	vadd.f32 v6, v3;
	v6 =	vmul.f32 v6, v6  }
0xf3: {  	v5 =	vld [tilespmem:s21+$0x200];
	v4 =	vadd.f32 v4, v0  }
0xf4: {  	v2 =	vadd.f32 v6, v2;
	v3 =	vadd.f32 v11, v3;
	v6 =	vmul.f32 v11, v11;
	v11 =	vld [tilespmem:s7+$0x200]  }
0xf5: {  	v4 =	vadd.f32 v29, v4;
	v29 =	vld [tilespmem:s1+$0x200]  }
0xf6: {  	v17 =	vadd.f32 v10, v9;
	v10 =	vld [tilespmem:$0x85D0]  }
0xf7: {  	s31 =	sor.u32 $0x1C40, s19;
	v2 =	vadd.f32 v6, v2;
	v6 =	vld [tilespmem:$0x85A0];
	v3 =	vadd.f32 v1, v3;
	v1 =	vmul.f32 v1, v1  }
0xf8: {  	v7 =	vmov v0;
	v0 =	vadd.f32 v14, v17;
	v5 =	vadd.f32 v12, v5;
	v12 =	vld [tilespmem:s31+$0x200]  }
0xf9: {  	v1 =	vadd.f32 v1, v2;
	v9 =	vadd.f32 v4, v3;
	v3 =	vmul.f32 v4, v4;
	v4 =	vld [tilespmem:$0x85B0]  }
0xfa: {  	v14 =	vld [tilespmem:$0x85C0];
	v5 =	vadd.f32 v19, v5;
	v8 =	vadd.f32 v8, v11  }
0xfb: {  	s15 =	sor.u32 $0x1C50, s19;
	v1 =	vadd.f32 v3, v1;
	v3 =	vld [tilespmem:s31+$0x4200];
	v2 =	vadd.f32 v0, v9;
	v0 =	vmul.f32 v0, v0  }
0xfc: {  	v11 =	vld [tilespmem:s15+$0x200];
	v22 =	vadd.f32 v22, v29;
	v6 =	vadd.f32 v6, v8  }
0xfd: {  	s11 =	sor.u32 $0x1C60, s19;
	v19 =	vmul.f32 v5, v5;
	v0 =	vadd.f32 v0, v1;
	v17 =	vadd.f32 v5, v2;
	v5 =	vld [tilespmem:s15+$0x4200]  }
0xfe: {  	s19 =	sor.u32 $0x1C70, s19;
	v29 =	vld [tilespmem:s11+$0x200];
	v4 =	vadd.f32 v4, v22  }
0xff: {  	v22 =	vld [tilespmem:s19+$0x4200];
	v0 =	vadd.f32 v19, v0;
	v1 =	vadd.f32 v6, v17;
	v6 =	vmul.f32 v6, v6  }
0x100: {  	v17 =	vld [tilespmem:s11+$0x4200];
	v3 =	vadd.f32 v3, v12  }
0x101: {  	v19 =	vld [tilespmem:$0x85E0];
	v0 =	vadd.f32 v6, v0;
	v1 =	vadd.f32 v4, v1;
	v4 =	vmul.f32 v4, v4  }
0x102: {  	v6 =	vld [tilespmem:s19+$0x200];
	v3 =	vadd.f32 v14, v3;
	v5 =	vadd.f32 v5, v11  }
0x103: {  	v0 =	vadd.f32 v4, v0  }
0x104: {  	v4 =	vadd.f32 v10, v5;
	v1 =	vadd.f32 v3, v1;
	v3 =	vmul.f32 v3, v3;
	v5 =	vld [tilespmem:$0x85F0]  }
0x105: {  	v2 =	vadd.f32 v17, v29  }
0x106: {  	v0 =	vadd.f32 v3, v0;
	v1 =	vadd.f32 v4, v1;
	v3 =	vmul.f32 v4, v4  }
0x107: {  	v2 =	vadd.f32 v19, v2;
	v4 =	vadd.f32 v22, v6  }
0x108: {  	v0 =	vadd.f32 v3, v0  }
0x109: {  	v1 =	vadd.f32 v2, v1;
	v2 =	vmul.f32 v2, v2;
	v3 =	vadd.f32 v5, v4;
	_ =	sdelay $0x1  }
0x10a: {  	v0 =	vadd.f32 v2, v0;
	v1 =	vadd.f32 v3, v1;
	v9 =	vmul.f32 v3, v3  }
0x10b: {  	v29 =	vld [tilespmem:$0x1FFF0]  }
0x10c: {  	v0 =	vadd.f32 v9, v0;
	v10 =	vperm.xlane v1, v24;
	_ =	sdelay $0x1  }
0x10d: {  	v1 =	vadd.f32 v1, v10;
	v11 =	vperm.xlane v0, v24;
	_ =	sdelay $0x1  }
0x10e: {  	v3 =	vperm.xlane v1, v29;
	v0 =	vadd.f32 v11, v0;
	_ =	sdelay $0x1  }
0x10f: {  	v1 =	vadd.f32 v1, v3;
	v2 =	vperm.xlane v0, v29;
	_ =	sdelay $0x1  }
0x110: {  	v3 =	vperm.xlane v1, v23;
	v0 =	vadd.f32 v2, v0;
	_ =	sdelay $0x1  }
0x111: {  	v1 =	vadd.f32 v1, v3;
	v2 =	vperm.xlane v0, v23;
	_ =	sdelay $0x1  }
0x112: {  	v3 =	vperm.xlane v1, v42;
	v0 =	vadd.f32 v2, v0;
	_ =	sdelay $0x1  }
0x113: {  	v1 =	vadd.f32 v1, v3;
	v2 =	vperm.xlane v0, v42;
	_ =	sdelay $0x1  }
0x114: {  	v19 =	vmul.f32 $9.765625000e-04, v1;
	v0 =	vadd.f32 v2, v0;
	_ =	sdelay $0x1  }
0x115: {  	v0 =	vmul.f32 $9.765625000e-04, v0;
	v1 =	vmul.f32 v19, v19;
	_ =	sdelay $0x1  }
0x116: {  	v0 =	vsub.f32 v0, v1;
	_ =	sdelay $0x1  }
0x117: {  	v0 =	vadd.f32 $9.999999740e-06, v0;
	_ =	sdelay $0x1  }
0x118: {  	v12 =	vshra.s32 v0, $0x1;
	v0 =	vmul.f32 $5.000000000e-01, v0  }
0x119: {  	v1 =	vsub.s32 $0x5F3759DF, v12  }
0x11a: {  	v14 =	vmul.f32 v1, v0;
	_ =	sdelay $0x1  }
0x11b: {  	v2 =	vmul.f32 v1, v14;
	_ =	sdelay $0x1  }
0x11c: {  	v2 =	vsub.f32 $1.500000000e+00, v2;
	_ =	sdelay $0x1  }
0x11d: {  	v1 =	vmul.f32 v1, v2;
	_ =	sdelay $0x1  }
0x11e: {  	v2 =	vmul.f32 v1, v0;
	_ =	sdelay $0x1  }
0x11f: {  	v2 =	vmul.f32 v2, v1;
	_ =	sdelay $0x1  }
0x120: {  	v2 =	vsub.f32 $1.500000000e+00, v2;
	_ =	sdelay $0x1  }
0x121: {  	v1 =	vmul.f32 v2, v1;
	_ =	sdelay $0x1  }
0x122: {  	v0 =	vmul.f32 v1, v0;
	_ =	sdelay $0x1  }
0x123: {  	v0 =	vmul.f32 v0, v1;
	_ =	sdelay $0x1  }
0x124: {  	v0 =	vsub.f32 $1.500000000e+00, v0  }
0x125: {  	v15 =	vld [tilespmem:$0x8600]  }
0x126: {  	v17 =	vsub.f32 v36, v19;
	v29 =	vmul.f32 v0, v1  }
0x127: {  	v22 =	vld [tilespmem:$0x8A00]  }
0x128: {  	v0 =	vmul.f32 v29, v17;
	_ =	sdelay $0x1  }
0x129: {  	v0 =	vmul.f32 v0, v15;
	_ =	sdelay $0x1  }
0x12a: {  	v0 =	vadd.f32 v0, v22  }
0x12b: {  	v5 =	vmov v23;
	v23 =	vld [tilespmem:s18+$0x4210]  }
0x12c: {  	[tilespmem:s18+$0x200] =	vst v0  }
0x12d: {  	v0 =	vld [tilespmem:$0x8210];
	_ =	sdelay $0x2  }
0x12e: {  	v1 =	vadd.f32 v23, v63;
	_ =	sdelay $0x1  }
0x12f: {  	v0 =	vadd.f32 v0, v1  }
0x130: {  	v4 =	vmov v24;
	v24 =	vld [tilespmem:$0x8610]  }
0x131: {  	v0 =	vsub.f32 v0, v19  }
0x132: {  	v36 =	vld [tilespmem:$0x8A10]  }
0x133: {  	v0 =	vmul.f32 v29, v0;
	_ =	sdelay $0x1  }
0x134: {  	v0 =	vmul.f32 v0, v24;
	_ =	sdelay $0x1  }
0x135: {  	v0 =	vadd.f32 v0, v36  }
0x136: {  	v63 =	vld [tilespmem:s18+$0x4220]  }
0x137: {  	[tilespmem:s18+$0x210] =	vst v0  }
0x138: {  	v0 =	vld [tilespmem:$0x8220];
	_ =	sdelay $0x2  }
0x139: {  	v1 =	vadd.f32 v63, v62;
	_ =	sdelay $0x1  }
0x13a: {  	v0 =	vadd.f32 v0, v1  }
0x13b: {  	v8 =	vld [tilespmem:$0x8620]  }
0x13c: {  	v0 =	vsub.f32 v0, v19  }
0x13d: {  	v9 =	vld [tilespmem:$0x8A20]  }
0x13e: {  	v0 =	vmul.f32 v29, v0;
	_ =	sdelay $0x1  }
0x13f: {  	v0 =	vmul.f32 v0, v8;
	_ =	sdelay $0x1  }
0x140: {  	v0 =	vadd.f32 v0, v9  }
0x141: {  	v10 =	vld [tilespmem:s18+$0x4230]  }
0x142: {  	[tilespmem:s18+$0x220] =	vst v0  }
0x143: {  	v0 =	vld [tilespmem:$0x8230];
	_ =	sdelay $0x2  }
0x144: {  	v1 =	vadd.f32 v10, v61;
	_ =	sdelay $0x1  }
0x145: {  	v0 =	vadd.f32 v0, v1  }
0x146: {  	v11 =	vld [tilespmem:$0x8630]  }
0x147: {  	v0 =	vsub.f32 v0, v19  }
0x148: {  	v12 =	vld [tilespmem:$0x8A30]  }
0x149: {  	v0 =	vmul.f32 v29, v0;
	_ =	sdelay $0x1  }
0x14a: {  	v0 =	vmul.f32 v0, v11;
	_ =	sdelay $0x1  }
0x14b: {  	v0 =	vadd.f32 v0, v12  }
0x14c: {  	v14 =	vld [tilespmem:s18+$0x4240]  }
0x14d: {  	[tilespmem:s18+$0x230] =	vst v0  }
0x14e: {  	v0 =	vld [tilespmem:$0x8240];
	_ =	sdelay $0x2  }
0x14f: {  	v1 =	vadd.f32 v14, v60;
	_ =	sdelay $0x1  }
0x150: {  	v0 =	vadd.f32 v0, v1  }
0x151: {  	v15 =	vld [tilespmem:$0x8640]  }
0x152: {  	v0 =	vsub.f32 v0, v19  }
0x153: {  	v17 =	vld [tilespmem:$0x8A40]  }
0x154: {  	v0 =	vmul.f32 v0, v29;
	_ =	sdelay $0x1  }
0x155: {  	v0 =	vmul.f32 v0, v15;
	_ =	sdelay $0x1  }
0x156: {  	v0 =	vadd.f32 v0, v17  }
0x157: {  	v22 =	vld [tilespmem:s18+$0x4250]  }
0x158: {  	[tilespmem:s18+$0x240] =	vst v0  }
0x159: {  	v0 =	vld [tilespmem:$0x8250];
	_ =	sdelay $0x2  }
0x15a: {  	v1 =	vadd.f32 v22, v59;
	_ =	sdelay $0x1  }
0x15b: {  	v0 =	vadd.f32 v0, v1  }
0x15c: {  	v23 =	vld [tilespmem:$0x8650]  }
0x15d: {  	v0 =	vsub.f32 v0, v19  }
0x15e: {  	v24 =	vld [tilespmem:$0x8A50]  }
0x15f: {  	v0 =	vmul.f32 v0, v29;
	_ =	sdelay $0x1  }
0x160: {  	v0 =	vmul.f32 v0, v23;
	_ =	sdelay $0x1  }
0x161: {  	v0 =	vadd.f32 v0, v24  }
0x162: {  	v36 =	vld [tilespmem:s18+$0x4260]  }
0x163: {  	[tilespmem:s18+$0x250] =	vst v0  }
0x164: {  	v0 =	vld [tilespmem:$0x8260];
	_ =	sdelay $0x2  }
0x165: {  	v1 =	vadd.f32 v36, v58;
	_ =	sdelay $0x1  }
0x166: {  	v0 =	vadd.f32 v0, v1  }
0x167: {  	v58 =	vld [tilespmem:$0x8660]  }
0x168: {  	v0 =	vsub.f32 v0, v19  }
0x169: {  	v59 =	vld [tilespmem:$0x8A60]  }
0x16a: {  	v0 =	vmul.f32 v0, v29;
	_ =	sdelay $0x1  }
0x16b: {  	v0 =	vmul.f32 v0, v58;
	_ =	sdelay $0x1  }
0x16c: {  	v0 =	vadd.f32 v0, v59  }
0x16d: {  	v60 =	vld [tilespmem:s18+$0x4270]  }
0x16e: {  	[tilespmem:s18+$0x260] =	vst v0  }
0x16f: {  	v0 =	vld [tilespmem:$0x8270];
	_ =	sdelay $0x2  }
0x170: {  	v1 =	vadd.f32 v60, v57;
	_ =	sdelay $0x1  }
0x171: {  	v0 =	vadd.f32 v0, v1  }
0x172: {  	v61 =	vld [tilespmem:$0x8670]  }
0x173: {  	v0 =	vsub.f32 v0, v19  }
0x174: {  	v62 =	vld [tilespmem:$0x8A70]  }
0x175: {  	v0 =	vmul.f32 v0, v29;
	_ =	sdelay $0x1  }
0x176: {  	v0 =	vmul.f32 v0, v61;
	_ =	sdelay $0x1  }
0x177: {  	v0 =	vadd.f32 v0, v62  }
0x178: {  	v63 =	vld [tilespmem:s18+$0x4600]  }
0x179: {  	[tilespmem:s18+$0x270] =	vst v0  }
0x17a: {  	v0 =	vld [tilespmem:$0x8280];
	_ =	sdelay $0x2  }
0x17b: {  	v1 =	vadd.f32 v63, v56;
	_ =	sdelay $0x1  }
0x17c: {  	v0 =	vadd.f32 v0, v1  }
0x17d: {  	v8 =	vld [tilespmem:$0x8680]  }
0x17e: {  	v0 =	vsub.f32 v0, v19  }
0x17f: {  	v9 =	vld [tilespmem:$0x8A80]  }
0x180: {  	v0 =	vmul.f32 v0, v29;
	_ =	sdelay $0x1  }
0x181: {  	v0 =	vmul.f32 v0, v8;
	_ =	sdelay $0x1  }
0x182: {  	v0 =	vadd.f32 v0, v9  }
0x183: {  	v10 =	vld [tilespmem:s18+$0x4610]  }
0x184: {  	[tilespmem:s18+$0x600] =	vst v0  }
0x185: {  	v0 =	vld [tilespmem:$0x8290];
	_ =	sdelay $0x2  }
0x186: {  	v1 =	vadd.f32 v10, v55;
	_ =	sdelay $0x1  }
0x187: {  	v0 =	vadd.f32 v0, v1  }
0x188: {  	v11 =	vld [tilespmem:$0x8690]  }
0x189: {  	v0 =	vsub.f32 v0, v19  }
0x18a: {  	v12 =	vld [tilespmem:$0x8A90]  }
0x18b: {  	v0 =	vmul.f32 v0, v29;
	_ =	sdelay $0x1  }
0x18c: {  	v0 =	vmul.f32 v0, v11;
	_ =	sdelay $0x1  }
0x18d: {  	v0 =	vadd.f32 v0, v12  }
0x18e: {  	v14 =	vld [tilespmem:s18+$0x4620]  }
0x18f: {  	[tilespmem:s18+$0x610] =	vst v0  }
0x190: {  	v0 =	vld [tilespmem:$0x82A0];
	_ =	sdelay $0x2  }
0x191: {  	v1 =	vadd.f32 v14, v54;
	_ =	sdelay $0x1  }
0x192: {  	v0 =	vadd.f32 v0, v1  }
0x193: {  	v15 =	vld [tilespmem:$0x86A0]  }
0x194: {  	v0 =	vsub.f32 v0, v19  }
0x195: {  	v17 =	vld [tilespmem:$0x8AA0]  }
0x196: {  	v0 =	vmul.f32 v0, v29;
	_ =	sdelay $0x1  }
0x197: {  	v0 =	vmul.f32 v0, v15;
	_ =	sdelay $0x1  }
0x198: {  	v0 =	vadd.f32 v0, v17  }
0x199: {  	v22 =	vld [tilespmem:s18+$0x4630]  }
0x19a: {  	[tilespmem:s18+$0x620] =	vst v0  }
0x19b: {  	v0 =	vld [tilespmem:$0x82B0];
	_ =	sdelay $0x2  }
0x19c: {  	v1 =	vadd.f32 v22, v53;
	_ =	sdelay $0x1  }
0x19d: {  	v0 =	vadd.f32 v0, v1  }
0x19e: {  	v23 =	vld [tilespmem:$0x86B0]  }
0x19f: {  	v0 =	vsub.f32 v0, v19  }
0x1a0: {  	v24 =	vld [tilespmem:$0x8AB0]  }
0x1a1: {  	v0 =	vmul.f32 v0, v29;
	_ =	sdelay $0x1  }
0x1a2: {  	v0 =	vmul.f32 v0, v23;
	_ =	sdelay $0x1  }
0x1a3: {  	v0 =	vadd.f32 v0, v24  }
0x1a4: {  	v36 =	vld [tilespmem:s18+$0x4640]  }
0x1a5: {  	[tilespmem:s18+$0x630] =	vst v0  }
0x1a6: {  	v0 =	vld [tilespmem:$0x82C0];
	_ =	sdelay $0x2  }
0x1a7: {  	v1 =	vadd.f32 v36, v52;
	_ =	sdelay $0x1  }
0x1a8: {  	v0 =	vadd.f32 v0, v1  }
0x1a9: {  	v52 =	vld [tilespmem:$0x86C0]  }
0x1aa: {  	v0 =	vsub.f32 v0, v19  }
0x1ab: {  	v53 =	vld [tilespmem:$0x8AC0]  }
0x1ac: {  	v0 =	vmul.f32 v0, v29;
	_ =	sdelay $0x1  }
0x1ad: {  	v0 =	vmul.f32 v0, v52;
	_ =	sdelay $0x1  }
0x1ae: {  	v0 =	vadd.f32 v0, v53  }
0x1af: {  	v54 =	vld [tilespmem:s18+$0x4650]  }
0x1b0: {  	[tilespmem:s18+$0x640] =	vst v0  }
0x1b1: {  	v0 =	vld [tilespmem:$0x82D0];
	_ =	sdelay $0x2  }
0x1b2: {  	v1 =	vadd.f32 v54, v51;
	_ =	sdelay $0x1  }
0x1b3: {  	v0 =	vadd.f32 v0, v1  }
0x1b4: {  	v55 =	vld [tilespmem:$0x86D0]  }
0x1b5: {  	v0 =	vsub.f32 v0, v19  }
0x1b6: {  	v56 =	vld [tilespmem:$0x8AD0]  }
0x1b7: {  	v0 =	vmul.f32 v0, v29;
	_ =	sdelay $0x1  }
0x1b8: {  	v0 =	vmul.f32 v0, v55;
	_ =	sdelay $0x1  }
0x1b9: {  	v0 =	vadd.f32 v0, v56  }
0x1ba: {  	v57 =	vld [tilespmem:s18+$0x4660]  }
0x1bb: {  	[tilespmem:s18+$0x650] =	vst v0  }
0x1bc: {  	v0 =	vld [tilespmem:$0x82E0];
	_ =	sdelay $0x2  }
0x1bd: {  	v1 =	vadd.f32 v57, v50;
	_ =	sdelay $0x1  }
0x1be: {  	v0 =	vadd.f32 v0, v1  }
0x1bf: {  	v58 =	vld [tilespmem:$0x86E0]  }
0x1c0: {  	v0 =	vsub.f32 v0, v19  }
0x1c1: {  	v59 =	vld [tilespmem:$0x8AE0]  }
0x1c2: {  	v0 =	vmul.f32 v0, v29;
	_ =	sdelay $0x1  }
0x1c3: {  	v0 =	vmul.f32 v0, v58;
	_ =	sdelay $0x1  }
0x1c4: {  	v0 =	vadd.f32 v0, v59  }
0x1c5: {  	v60 =	vld [tilespmem:s18+$0x4670]  }
0x1c6: {  	[tilespmem:s18+$0x660] =	vst v0  }
0x1c7: {  	v0 =	vld [tilespmem:$0x82F0];
	_ =	sdelay $0x2  }
0x1c8: {  	v1 =	vadd.f32 v60, v49;
	_ =	sdelay $0x1  }
0x1c9: {  	v0 =	vadd.f32 v0, v1  }
0x1ca: {  	v61 =	vld [tilespmem:$0x86F0]  }
0x1cb: {  	v0 =	vsub.f32 v0, v19  }
0x1cc: {  	v62 =	vld [tilespmem:$0x8AF0]  }
0x1cd: {  	v0 =	vmul.f32 v0, v29;
	_ =	sdelay $0x1  }
0x1ce: {  	v0 =	vmul.f32 v0, v61;
	_ =	sdelay $0x1  }
0x1cf: {  	v0 =	vadd.f32 v0, v62  }
0x1d0: {  	v63 =	vld [tilespmem:s18+$0x4A00]  }
0x1d1: {  	[tilespmem:s18+$0x670] =	vst v0  }
0x1d2: {  	v0 =	vld [tilespmem:$0x8300];
	_ =	sdelay $0x2  }
0x1d3: {  	v1 =	vadd.f32 v63, v48;
	_ =	sdelay $0x1  }
0x1d4: {  	v0 =	vadd.f32 v0, v1  }
0x1d5: {  	v8 =	vld [tilespmem:$0x8700]  }
0x1d6: {  	v0 =	vsub.f32 v0, v19  }
0x1d7: {  	v9 =	vld [tilespmem:$0x8B00]  }
0x1d8: {  	v0 =	vmul.f32 v0, v29;
	_ =	sdelay $0x1  }
0x1d9: {  	v0 =	vmul.f32 v0, v8;
	_ =	sdelay $0x1  }
0x1da: {  	v0 =	vadd.f32 v0, v9  }
0x1db: {  	v10 =	vld [tilespmem:s18+$0x4A10]  }
0x1dc: {  	[tilespmem:s18+$0xA00] =	vst v0  }
0x1dd: {  	v0 =	vld [tilespmem:$0x8310];
	_ =	sdelay $0x2  }
0x1de: {  	v1 =	vadd.f32 v10, v47;
	_ =	sdelay $0x1  }
0x1df: {  	v0 =	vadd.f32 v0, v1  }
0x1e0: {  	v11 =	vld [tilespmem:$0x8710]  }
0x1e1: {  	v0 =	vsub.f32 v0, v19  }
0x1e2: {  	v12 =	vld [tilespmem:$0x8B10]  }
0x1e3: {  	v0 =	vmul.f32 v0, v29;
	_ =	sdelay $0x1  }
0x1e4: {  	v0 =	vmul.f32 v0, v11;
	_ =	sdelay $0x1  }
0x1e5: {  	v0 =	vadd.f32 v0, v12  }
0x1e6: {  	v14 =	vld [tilespmem:s18+$0x4A20]  }
0x1e7: {  	[tilespmem:s18+$0xA10] =	vst v0  }
0x1e8: {  	v0 =	vld [tilespmem:$0x8320];
	_ =	sdelay $0x2  }
0x1e9: {  	v1 =	vadd.f32 v14, v46;
	_ =	sdelay $0x1  }
0x1ea: {  	v0 =	vadd.f32 v0, v1  }
0x1eb: {  	v15 =	vld [tilespmem:$0x8720]  }
0x1ec: {  	v0 =	vsub.f32 v0, v19  }
0x1ed: {  	v17 =	vld [tilespmem:$0x8B20]  }
0x1ee: {  	v0 =	vmul.f32 v0, v29;
	_ =	sdelay $0x1  }
0x1ef: {  	v0 =	vmul.f32 v0, v15;
	_ =	sdelay $0x1  }
0x1f0: {  	v0 =	vadd.f32 v0, v17  }
0x1f1: {  	v22 =	vld [tilespmem:s18+$0x4A30]  }
0x1f2: {  	[tilespmem:s18+$0xA20] =	vst v0  }
0x1f3: {  	v0 =	vld [tilespmem:$0x8330];
	_ =	sdelay $0x2  }
0x1f4: {  	v1 =	vadd.f32 v22, v45;
	_ =	sdelay $0x1  }
0x1f5: {  	v0 =	vadd.f32 v0, v1  }
0x1f6: {  	v23 =	vld [tilespmem:$0x8730]  }
0x1f7: {  	v0 =	vsub.f32 v0, v19  }
0x1f8: {  	v24 =	vld [tilespmem:$0x8B30]  }
0x1f9: {  	v0 =	vmul.f32 v0, v29;
	_ =	sdelay $0x1  }
0x1fa: {  	v0 =	vmul.f32 v0, v23;
	_ =	sdelay $0x1  }
0x1fb: {  	v0 =	vadd.f32 v0, v24  }
0x1fc: {  	v36 =	vld [tilespmem:s18+$0x4A40]  }
0x1fd: {  	[tilespmem:s18+$0xA30] =	vst v0  }
0x1fe: {  	v0 =	vld [tilespmem:$0x8340];
	_ =	sdelay $0x2  }
0x1ff: {  	v1 =	vadd.f32 v36, v44;
	_ =	sdelay $0x1  }
0x200: {  	v0 =	vadd.f32 v0, v1  }
0x201: {  	v45 =	vld [tilespmem:$0x8740]  }
0x202: {  	v0 =	vsub.f32 v0, v19  }
0x203: {  	v46 =	vld [tilespmem:$0x8B40]  }
0x204: {  	v0 =	vmul.f32 v0, v29;
	_ =	sdelay $0x1  }
0x205: {  	v0 =	vmul.f32 v0, v45;
	_ =	sdelay $0x1  }
0x206: {  	v0 =	vadd.f32 v0, v46  }
0x207: {  	v47 =	vld [tilespmem:s18+$0x4A50]  }
0x208: {  	[tilespmem:s18+$0xA40] =	vst v0  }
0x209: {  	v0 =	vld [tilespmem:$0x8350];
	_ =	sdelay $0x2  }
0x20a: {  	v1 =	vadd.f32 v47, v43;
	_ =	sdelay $0x1  }
0x20b: {  	v0 =	vadd.f32 v0, v1  }
0x20c: {  	v48 =	vld [tilespmem:$0x8750]  }
0x20d: {  	v0 =	vsub.f32 v0, v19  }
0x20e: {  	v49 =	vld [tilespmem:$0x8B50]  }
0x20f: {  	v0 =	vmul.f32 v0, v29;
	_ =	sdelay $0x1  }
0x210: {  	v0 =	vmul.f32 v0, v48;
	_ =	sdelay $0x1  }
0x211: {  	v0 =	vadd.f32 v0, v49  }
0x212: {  	v50 =	vld [tilespmem:s18+$0x4A60]  }
0x213: {  	[tilespmem:s18+$0xA50] =	vst v0  }
0x214: {  	v0 =	vld [tilespmem:$0x8360];
	_ =	sdelay $0x2  }
0x215: {  	v1 =	vadd.f32 v50, v34;
	_ =	sdelay $0x1  }
0x216: {  	v0 =	vadd.f32 v0, v1  }
0x217: {  	v51 =	vld [tilespmem:$0x8760]  }
0x218: {  	v0 =	vsub.f32 v0, v19  }
0x219: {  	v52 =	vld [tilespmem:$0x8B60]  }
0x21a: {  	v0 =	vmul.f32 v0, v29;
	_ =	sdelay $0x1  }
0x21b: {  	v0 =	vmul.f32 v0, v51;
	_ =	sdelay $0x1  }
0x21c: {  	v0 =	vadd.f32 v0, v52  }
0x21d: {  	v53 =	vld [tilespmem:s18+$0x4A70]  }
0x21e: {  	[tilespmem:s18+$0xA60] =	vst v0  }
0x21f: {  	v0 =	vld [tilespmem:$0x8370];
	_ =	sdelay $0x2  }
0x220: {  	v1 =	vadd.f32 v53, v31;
	_ =	sdelay $0x1  }
0x221: {  	v0 =	vadd.f32 v0, v1  }
0x222: {  	v54 =	vld [tilespmem:$0x8770]  }
0x223: {  	v0 =	vsub.f32 v0, v19  }
0x224: {  	v55 =	vld [tilespmem:$0x8B70]  }
0x225: {  	v0 =	vmul.f32 v0, v29;
	_ =	sdelay $0x1  }
0x226: {  	v0 =	vmul.f32 v0, v54;
	_ =	sdelay $0x1  }
0x227: {  	v0 =	vadd.f32 v0, v55  }
0x228: {  	v56 =	vld [tilespmem:s18+$0x4E00]  }
0x229: {  	[tilespmem:s18+$0xA70] =	vst v0  }
0x22a: {  	v0 =	vld [tilespmem:$0x8380];
	_ =	sdelay $0x2  }
0x22b: {  	v1 =	vadd.f32 v56, v32;
	_ =	sdelay $0x1  }
0x22c: {  	v0 =	vadd.f32 v0, v1  }
0x22d: {  	v57 =	vld [tilespmem:$0x8780]  }
0x22e: {  	v0 =	vsub.f32 v0, v19  }
0x22f: {  	v58 =	vld [tilespmem:$0x8B80]  }
0x230: {  	v0 =	vmul.f32 v0, v29;
	_ =	sdelay $0x1  }
0x231: {  	v0 =	vmul.f32 v0, v57;
	_ =	sdelay $0x1  }
0x232: {  	v0 =	vadd.f32 v0, v58  }
0x233: {  	v59 =	vld [tilespmem:s18+$0x4E10]  }
0x234: {  	[tilespmem:s18+$0xE00] =	vst v0  }
0x235: {  	v0 =	vld [tilespmem:$0x8390];
	_ =	sdelay $0x2  }
0x236: {  	v1 =	vadd.f32 v59, v35;
	_ =	sdelay $0x1  }
0x237: {  	v0 =	vadd.f32 v0, v1  }
0x238: {  	v60 =	vld [tilespmem:$0x8790]  }
0x239: {  	v0 =	vsub.f32 v0, v19  }
0x23a: {  	v61 =	vld [tilespmem:$0x8B90]  }
0x23b: {  	v0 =	vmul.f32 v0, v29;
	_ =	sdelay $0x1  }
0x23c: {  	v0 =	vmul.f32 v0, v60;
	_ =	sdelay $0x1  }
0x23d: {  	v0 =	vadd.f32 v0, v61  }
0x23e: {  	v62 =	vld [tilespmem:s18+$0x4E20]  }
0x23f: {  	[tilespmem:s18+$0xE10] =	vst v0  }
0x240: {  	v0 =	vld [tilespmem:$0x83A0];
	_ =	sdelay $0x2  }
0x241: {  	v1 =	vadd.f32 v62, v33;
	_ =	sdelay $0x1  }
0x242: {  	v0 =	vadd.f32 v0, v1  }
0x243: {  	v63 =	vld [tilespmem:$0x87A0]  }
0x244: {  	v0 =	vsub.f32 v0, v19  }
0x245: {  	v8 =	vld [tilespmem:$0x8BA0]  }
0x246: {  	v0 =	vmul.f32 v0, v29;
	_ =	sdelay $0x1  }
0x247: {  	v0 =	vmul.f32 v0, v63;
	_ =	sdelay $0x1  }
0x248: {  	v0 =	vadd.f32 v0, v8  }
0x249: {  	v9 =	vld [tilespmem:s18+$0x4E30]  }
0x24a: {  	[tilespmem:s18+$0xE20] =	vst v0  }
0x24b: {  	v0 =	vld [tilespmem:$0x83B0];
	_ =	sdelay $0x2  }
0x24c: {  	v1 =	vadd.f32 v9, v30;
	_ =	sdelay $0x1  }
0x24d: {  	v0 =	vadd.f32 v0, v1  }
0x24e: {  	v10 =	vld [tilespmem:$0x87B0]  }
0x24f: {  	v0 =	vsub.f32 v0, v19  }
0x250: {  	v11 =	vld [tilespmem:$0x8BB0]  }
0x251: {  	v0 =	vmul.f32 v0, v29;
	_ =	sdelay $0x1  }
0x252: {  	v0 =	vmul.f32 v0, v10;
	_ =	sdelay $0x1  }
0x253: {  	v14 =	vld [tilespmem:$0x1FEF0];
	v0 =	vadd.f32 v0, v11  }
0x254: {  	v12 =	vld [tilespmem:s18+$0x4E40]  }
0x255: {  	[tilespmem:s18+$0xE30] =	vst v0  }
0x256: {  	v0 =	vld [tilespmem:$0x83C0];
	_ =	sdelay $0x2  }
0x257: {  	v1 =	vadd.f32 v12, v14;
	_ =	sdelay $0x1  }
0x258: {  	v0 =	vadd.f32 v0, v1  }
0x259: {  	v15 =	vld [tilespmem:$0x87C0]  }
0x25a: {  	v0 =	vsub.f32 v0, v19  }
0x25b: {  	v17 =	vld [tilespmem:$0x8BC0]  }
0x25c: {  	v0 =	vmul.f32 v0, v29;
	_ =	sdelay $0x1  }
0x25d: {  	v0 =	vmul.f32 v0, v15;
	_ =	sdelay $0x1  }
0x25e: {  	v22 =	vld [tilespmem:s18+$0x4E50];
	v0 =	vadd.f32 v0, v17  }
0x25f: {  	v23 =	vld [tilespmem:$0x1FF00]  }
0x260: {  	[tilespmem:s18+$0xE40] =	vst v0  }
0x261: {  	v0 =	vld [tilespmem:$0x83D0];
	_ =	sdelay $0x2  }
0x262: {  	v1 =	vadd.f32 v22, v23;
	_ =	sdelay $0x1  }
0x263: {  	v0 =	vadd.f32 v0, v1  }
0x264: {  	v24 =	vld [tilespmem:$0x87D0]  }
0x265: {  	v0 =	vsub.f32 v0, v19  }
0x266: {  	v30 =	vld [tilespmem:$0x8BD0]  }
0x267: {  	v0 =	vmul.f32 v0, v29;
	_ =	sdelay $0x1  }
0x268: {  	v0 =	vmul.f32 v0, v24;
	_ =	sdelay $0x1  }
0x269: {  	v31 =	vld [tilespmem:s18+$0x4E60];
	v0 =	vadd.f32 v0, v30  }
0x26a: {  	v32 =	vld [tilespmem:$0x1FF10]  }
0x26b: {  	[tilespmem:s18+$0xE50] =	vst v0  }
0x26c: {  	v0 =	vld [tilespmem:$0x83E0];
	_ =	sdelay $0x2  }
0x26d: {  	v1 =	vadd.f32 v31, v32;
	_ =	sdelay $0x1  }
0x26e: {  	v0 =	vadd.f32 v0, v1  }
0x26f: {  	v33 =	vld [tilespmem:$0x87E0]  }
0x270: {  	v0 =	vsub.f32 v0, v19  }
0x271: {  	v34 =	vld [tilespmem:$0x8BE0]  }
0x272: {  	v0 =	vmul.f32 v0, v29;
	_ =	sdelay $0x1  }
0x273: {  	v0 =	vmul.f32 v0, v33;
	_ =	sdelay $0x1  }
0x274: {  	v0 =	vadd.f32 v0, v34  }
0x275: {  	v35 =	vld [tilespmem:s18+$0x4E70]  }
0x276: {  	[tilespmem:s18+$0xE60] =	vst v0  }
0x277: {  	v0 =	vld [tilespmem:$0x83F0];
	_ =	sdelay $0x2  }
0x278: {  	v1 =	vadd.f32 v35, v26;
	_ =	sdelay $0x1  }
0x279: {  	v0 =	vadd.f32 v0, v1  }
0x27a: {  	v36 =	vld [tilespmem:$0x87F0]  }
0x27b: {  	v0 =	vsub.f32 v0, v19  }
0x27c: {  	v43 =	vld [tilespmem:$0x8BF0]  }
0x27d: {  	v0 =	vmul.f32 v0, v29;
	_ =	sdelay $0x1  }
0x27e: {  	v0 =	vmul.f32 v0, v36;
	_ =	sdelay $0x1  }
0x27f: {  	v0 =	vadd.f32 v0, v43  }
0x280: {  	v44 =	vld [tilespmem:s18+$0x5200]  }
0x281: {  	[tilespmem:s18+$0xE70] =	vst v0  }
0x282: {  	v0 =	vld [tilespmem:$0x8400];
	_ =	sdelay $0x2  }
0x283: {  	v1 =	vadd.f32 v44, v27;
	_ =	sdelay $0x1  }
0x284: {  	v0 =	vadd.f32 v0, v1  }
0x285: {  	v45 =	vld [tilespmem:$0x8800]  }
0x286: {  	v0 =	vsub.f32 v0, v19  }
0x287: {  	v46 =	vld [tilespmem:$0x8C00]  }
0x288: {  	v0 =	vmul.f32 v0, v29;
	_ =	sdelay $0x1  }
0x289: {  	v0 =	vmul.f32 v0, v45;
	_ =	sdelay $0x1  }
0x28a: {  	v0 =	vadd.f32 v0, v46  }
0x28b: {  	v47 =	vld [tilespmem:s18+$0x5210]  }
0x28c: {  	[tilespmem:s18+$0x1200] =	vst v0  }
0x28d: {  	v0 =	vld [tilespmem:$0x8410];
	_ =	sdelay $0x2  }
0x28e: {  	v1 =	vadd.f32 v47, v25;
	_ =	sdelay $0x1  }
0x28f: {  	v0 =	vadd.f32 v0, v1  }
0x290: {  	v48 =	vld [tilespmem:$0x8810]  }
0x291: {  	v0 =	vsub.f32 v0, v19  }
0x292: {  	v49 =	vld [tilespmem:$0x8C10]  }
0x293: {  	v0 =	vmul.f32 v0, v29;
	_ =	sdelay $0x1  }
0x294: {  	v0 =	vmul.f32 v0, v48;
	_ =	sdelay $0x1  }
0x295: {  	v0 =	vadd.f32 v0, v49  }
0x296: {  	v50 =	vld [tilespmem:s18+$0x5220]  }
0x297: {  	[tilespmem:s18+$0x1210] =	vst v0  }
0x298: {  	v0 =	vld [tilespmem:$0x8420];
	_ =	sdelay $0x2  }
0x299: {  	v1 =	vadd.f32 v50, v28;
	_ =	sdelay $0x1  }
0x29a: {  	v0 =	vadd.f32 v0, v1  }
0x29b: {  	v51 =	vld [tilespmem:$0x8820]  }
0x29c: {  	v0 =	vsub.f32 v0, v19  }
0x29d: {  	v52 =	vld [tilespmem:$0x8C20]  }
0x29e: {  	v0 =	vmul.f32 v0, v29;
	_ =	sdelay $0x1  }
0x29f: {  	v0 =	vmul.f32 v0, v51;
	_ =	sdelay $0x1  }
0x2a0: {  	v53 =	vld [tilespmem:s18+$0x5230];
	v0 =	vadd.f32 v0, v52  }
0x2a1: {  	v54 =	vld [tilespmem:$0x1FF20]  }
0x2a2: {  	[tilespmem:s18+$0x1220] =	vst v0  }
0x2a3: {  	v0 =	vld [tilespmem:$0x8430];
	_ =	sdelay $0x2  }
0x2a4: {  	v1 =	vadd.f32 v53, v54;
	_ =	sdelay $0x1  }
0x2a5: {  	v0 =	vadd.f32 v0, v1  }
0x2a6: {  	v55 =	vld [tilespmem:$0x8830]  }
0x2a7: {  	v0 =	vsub.f32 v0, v19  }
0x2a8: {  	v56 =	vld [tilespmem:$0x8C30]  }
0x2a9: {  	v0 =	vmul.f32 v0, v29;
	_ =	sdelay $0x1  }
0x2aa: {  	v0 =	vmul.f32 v0, v55;
	_ =	sdelay $0x1  }
0x2ab: {  	v57 =	vld [tilespmem:s18+$0x5240];
	v0 =	vadd.f32 v0, v56  }
0x2ac: {  	v58 =	vld [tilespmem:$0x1FF30]  }
0x2ad: {  	[tilespmem:s18+$0x1230] =	vst v0  }
0x2ae: {  	v0 =	vld [tilespmem:$0x8440];
	_ =	sdelay $0x2  }
0x2af: {  	v1 =	vadd.f32 v57, v58;
	_ =	sdelay $0x1  }
0x2b0: {  	v0 =	vadd.f32 v0, v1  }
0x2b1: {  	v59 =	vld [tilespmem:$0x8840]  }
0x2b2: {  	v0 =	vsub.f32 v0, v19  }
0x2b3: {  	v60 =	vld [tilespmem:$0x8C40]  }
0x2b4: {  	v0 =	vmul.f32 v0, v29;
	_ =	sdelay $0x1  }
0x2b5: {  	v0 =	vmul.f32 v0, v59;
	_ =	sdelay $0x1  }
0x2b6: {  	v62 =	vld [tilespmem:$0x1FF40];
	v0 =	vadd.f32 v0, v60  }
0x2b7: {  	v61 =	vld [tilespmem:s18+$0x5250]  }
0x2b8: {  	[tilespmem:s18+$0x1240] =	vst v0  }
0x2b9: {  	v0 =	vld [tilespmem:$0x8450];
	_ =	sdelay $0x2  }
0x2ba: {  	v1 =	vadd.f32 v61, v62;
	_ =	sdelay $0x1  }
0x2bb: {  	v0 =	vadd.f32 v0, v1  }
0x2bc: {  	v63 =	vld [tilespmem:$0x8850]  }
0x2bd: {  	v0 =	vsub.f32 v0, v19  }
0x2be: {  	v8 =	vld [tilespmem:$0x8C50]  }
0x2bf: {  	v0 =	vmul.f32 v0, v29;
	_ =	sdelay $0x1  }
0x2c0: {  	v0 =	vmul.f32 v0, v63;
	_ =	sdelay $0x1  }
0x2c1: {  	v9 =	vld [tilespmem:s18+$0x5260];
	v0 =	vadd.f32 v0, v8  }
0x2c2: {  	v10 =	vld [tilespmem:$0x1FF50]  }
0x2c3: {  	[tilespmem:s18+$0x1250] =	vst v0  }
0x2c4: {  	v0 =	vld [tilespmem:$0x8460];
	_ =	sdelay $0x2  }
0x2c5: {  	v1 =	vadd.f32 v9, v10;
	_ =	sdelay $0x1  }
0x2c6: {  	v0 =	vadd.f32 v0, v1  }
0x2c7: {  	v11 =	vld [tilespmem:$0x8860]  }
0x2c8: {  	v0 =	vsub.f32 v0, v19  }
0x2c9: {  	v12 =	vld [tilespmem:$0x8C60]  }
0x2ca: {  	v0 =	vmul.f32 v0, v29;
	_ =	sdelay $0x1  }
0x2cb: {  	v0 =	vmul.f32 v0, v11;
	_ =	sdelay $0x1  }
0x2cc: {  	v14 =	vld [tilespmem:s18+$0x5270];
	v0 =	vadd.f32 v0, v12  }
0x2cd: {  	v15 =	vld [tilespmem:$0x1FF60]  }
0x2ce: {  	[tilespmem:s18+$0x1260] =	vst v0  }
0x2cf: {  	v0 =	vld [tilespmem:$0x8470];
	_ =	sdelay $0x2  }
0x2d0: {  	v1 =	vadd.f32 v14, v15;
	_ =	sdelay $0x1  }
0x2d1: {  	v0 =	vadd.f32 v0, v1  }
0x2d2: {  	v17 =	vld [tilespmem:$0x8870]  }
0x2d3: {  	v0 =	vsub.f32 v0, v19  }
0x2d4: {  	v22 =	vld [tilespmem:$0x8C70]  }
0x2d5: {  	v0 =	vmul.f32 v0, v29;
	_ =	sdelay $0x1  }
0x2d6: {  	v0 =	vmul.f32 v0, v17;
	_ =	sdelay $0x1  }
0x2d7: {  	v23 =	vld [tilespmem:s18+$0x5600];
	v0 =	vadd.f32 v0, v22  }
0x2d8: {  	v24 =	vld [tilespmem:$0x1FF70]  }
0x2d9: {  	[tilespmem:s18+$0x1270] =	vst v0  }
0x2da: {  	v0 =	vld [tilespmem:$0x8480];
	_ =	sdelay $0x2  }
0x2db: {  	v1 =	vadd.f32 v23, v24;
	_ =	sdelay $0x1  }
0x2dc: {  	v0 =	vadd.f32 v0, v1  }
0x2dd: {  	v25 =	vld [tilespmem:$0x8880]  }
0x2de: {  	v0 =	vsub.f32 v0, v19  }
0x2df: {  	v26 =	vld [tilespmem:$0x8C80]  }
0x2e0: {  	v0 =	vmul.f32 v0, v29;
	_ =	sdelay $0x1  }
0x2e1: {  	v0 =	vmul.f32 v0, v25;
	_ =	sdelay $0x1  }
0x2e2: {  	v27 =	vld [tilespmem:s18+$0x5610];
	v0 =	vadd.f32 v0, v26  }
0x2e3: {  	v28 =	vld [tilespmem:$0x1FF80]  }
0x2e4: {  	[tilespmem:s18+$0x1600] =	vst v0  }
0x2e5: {  	v0 =	vld [tilespmem:$0x8490];
	_ =	sdelay $0x2  }
0x2e6: {  	v1 =	vadd.f32 v27, v28;
	_ =	sdelay $0x1  }
0x2e7: {  	v0 =	vadd.f32 v0, v1  }
0x2e8: {  	v30 =	vld [tilespmem:$0x8890]  }
0x2e9: {  	v0 =	vsub.f32 v0, v19  }
0x2ea: {  	v31 =	vld [tilespmem:$0x8C90]  }
0x2eb: {  	v0 =	vmul.f32 v0, v29;
	_ =	sdelay $0x1  }
0x2ec: {  	v0 =	vmul.f32 v0, v30;
	_ =	sdelay $0x1  }
0x2ed: {  	v32 =	vld [tilespmem:s18+$0x5620];
	v0 =	vadd.f32 v0, v31  }
0x2ee: {  	v33 =	vld [tilespmem:$0x1FF90]  }
0x2ef: {  	[tilespmem:s18+$0x1610] =	vst v0  }
0x2f0: {  	v0 =	vld [tilespmem:$0x84A0];
	_ =	sdelay $0x2  }
0x2f1: {  	v1 =	vadd.f32 v32, v33;
	_ =	sdelay $0x1  }
0x2f2: {  	v0 =	vadd.f32 v0, v1  }
0x2f3: {  	v34 =	vld [tilespmem:$0x88A0]  }
0x2f4: {  	v0 =	vsub.f32 v0, v19  }
0x2f5: {  	v35 =	vld [tilespmem:$0x8CA0]  }
0x2f6: {  	v0 =	vmul.f32 v0, v29;
	_ =	sdelay $0x1  }
0x2f7: {  	v0 =	vmul.f32 v0, v34;
	_ =	sdelay $0x1  }
0x2f8: {  	v36 =	vld [tilespmem:s18+$0x5630];
	v0 =	vadd.f32 v0, v35  }
0x2f9: {  	v43 =	vld [tilespmem:$0x1FFA0]  }
0x2fa: {  	[tilespmem:s18+$0x1620] =	vst v0  }
0x2fb: {  	v0 =	vld [tilespmem:$0x84B0];
	_ =	sdelay $0x2  }
0x2fc: {  	v1 =	vadd.f32 v36, v43;
	_ =	sdelay $0x1  }
0x2fd: {  	v0 =	vadd.f32 v0, v1  }
0x2fe: {  	v44 =	vld [tilespmem:$0x88B0]  }
0x2ff: {  	v0 =	vsub.f32 v0, v19  }
0x300: {  	v45 =	vld [tilespmem:$0x8CB0]  }
0x301: {  	v0 =	vmul.f32 v0, v29;
	_ =	sdelay $0x1  }
0x302: {  	v0 =	vmul.f32 v0, v44;
	_ =	sdelay $0x1  }
0x303: {  	v47 =	vld [tilespmem:$0x1FFB0];
	v0 =	vadd.f32 v0, v45  }
0x304: {  	v46 =	vld [tilespmem:s18+$0x5640]  }
0x305: {  	[tilespmem:s18+$0x1630] =	vst v0  }
0x306: {  	v0 =	vld [tilespmem:$0x84C0];
	_ =	sdelay $0x2  }
0x307: {  	v1 =	vadd.f32 v46, v47;
	_ =	sdelay $0x1  }
0x308: {  	v0 =	vadd.f32 v0, v1  }
0x309: {  	v48 =	vld [tilespmem:$0x88C0]  }
0x30a: {  	v0 =	vsub.f32 v0, v19  }
0x30b: {  	v49 =	vld [tilespmem:$0x8CC0]  }
0x30c: {  	v0 =	vmul.f32 v0, v29;
	_ =	sdelay $0x1  }
0x30d: {  	v0 =	vmul.f32 v0, v48;
	_ =	sdelay $0x1  }
0x30e: {  	v0 =	vadd.f32 v0, v49  }
0x30f: {  	v50 =	vld [tilespmem:s18+$0x5650]  }
0x310: {  	[tilespmem:s18+$0x1640] =	vst v0  }
0x311: {  	v0 =	vld [tilespmem:$0x84D0];
	_ =	sdelay $0x2  }
0x312: {  	v1 =	vadd.f32 v50, v41;
	_ =	sdelay $0x1  }
0x313: {  	v0 =	vadd.f32 v0, v1  }
0x314: {  	v51 =	vld [tilespmem:$0x88D0]  }
0x315: {  	v0 =	vsub.f32 v0, v19  }
0x316: {  	v52 =	vld [tilespmem:$0x8CD0]  }
0x317: {  	v0 =	vmul.f32 v0, v29;
	_ =	sdelay $0x1  }
0x318: {  	v0 =	vmul.f32 v0, v51;
	_ =	sdelay $0x1  }
0x319: {  	v0 =	vadd.f32 v0, v52  }
0x31a: {  	v53 =	vld [tilespmem:s18+$0x5660]  }
0x31b: {  	[tilespmem:s18+$0x1650] =	vst v0  }
0x31c: {  	v0 =	vld [tilespmem:$0x84E0];
	_ =	sdelay $0x2  }
0x31d: {  	v1 =	vadd.f32 v53, v40;
	_ =	sdelay $0x1  }
0x31e: {  	v0 =	vadd.f32 v0, v1  }
0x31f: {  	v54 =	vld [tilespmem:$0x88E0]  }
0x320: {  	v0 =	vsub.f32 v0, v19  }
0x321: {  	v55 =	vld [tilespmem:$0x8CE0]  }
0x322: {  	v0 =	vmul.f32 v0, v29;
	_ =	sdelay $0x1  }
0x323: {  	v0 =	vmul.f32 v0, v54;
	_ =	sdelay $0x1  }
0x324: {  	v0 =	vadd.f32 v0, v55  }
0x325: {  	v56 =	vld [tilespmem:s18+$0x5670]  }
0x326: {  	[tilespmem:s18+$0x1660] =	vst v0  }
0x327: {  	v0 =	vld [tilespmem:$0x84F0];
	_ =	sdelay $0x2  }
0x328: {  	v1 =	vadd.f32 v56, v39;
	_ =	sdelay $0x1  }
0x329: {  	v0 =	vadd.f32 v0, v1  }
0x32a: {  	v57 =	vld [tilespmem:$0x88F0]  }
0x32b: {  	v0 =	vsub.f32 v0, v19  }
0x32c: {  	v58 =	vld [tilespmem:$0x8CF0]  }
0x32d: {  	v0 =	vmul.f32 v0, v29;
	_ =	sdelay $0x1  }
0x32e: {  	v0 =	vmul.f32 v0, v57;
	_ =	sdelay $0x1  }
0x32f: {  	v0 =	vadd.f32 v0, v58  }
0x330: {  	v59 =	vld [tilespmem:s18+$0x5A00]  }
0x331: {  	[tilespmem:s18+$0x1670] =	vst v0  }
0x332: {  	v0 =	vld [tilespmem:$0x8500];
	_ =	sdelay $0x2  }
0x333: {  	v1 =	vadd.f32 v59, v38;
	_ =	sdelay $0x1  }
0x334: {  	v0 =	vadd.f32 v0, v1  }
0x335: {  	v60 =	vld [tilespmem:$0x8900]  }
0x336: {  	v0 =	vsub.f32 v0, v19  }
0x337: {  	v61 =	vld [tilespmem:$0x8D00]  }
0x338: {  	v0 =	vmul.f32 v0, v29;
	_ =	sdelay $0x1  }
0x339: {  	v0 =	vmul.f32 v0, v60;
	_ =	sdelay $0x1  }
0x33a: {  	v0 =	vadd.f32 v0, v61  }
0x33b: {  	v62 =	vld [tilespmem:s18+$0x5A10]  }
0x33c: {  	[tilespmem:s18+$0x1A00] =	vst v0  }
0x33d: {  	v0 =	vld [tilespmem:$0x8510];
	_ =	sdelay $0x2  }
0x33e: {  	v1 =	vadd.f32 v62, v37;
	_ =	sdelay $0x1  }
0x33f: {  	v0 =	vadd.f32 v0, v1  }
0x340: {  	v63 =	vld [tilespmem:$0x8910]  }
0x341: {  	v0 =	vsub.f32 v0, v19  }
0x342: {  	v8 =	vld [tilespmem:$0x8D10]  }
0x343: {  	v0 =	vmul.f32 v0, v29;
	_ =	sdelay $0x1  }
0x344: {  	v0 =	vmul.f32 v0, v63;
	_ =	sdelay $0x1  }
0x345: {  	v0 =	vadd.f32 v0, v8  }
0x346: {  	v9 =	vld [tilespmem:s18+$0x5A20]  }
0x347: {  	[tilespmem:s18+$0x1A10] =	vst v0  }
0x348: {  	v0 =	vld [tilespmem:$0x8520];
	_ =	sdelay $0x2  }
0x349: {  	v1 =	vadd.f32 v9, v21;
	_ =	sdelay $0x1  }
0x34a: {  	v0 =	vadd.f32 v0, v1  }
0x34b: {  	v10 =	vld [tilespmem:$0x8920]  }
0x34c: {  	v0 =	vsub.f32 v0, v19  }
0x34d: {  	v11 =	vld [tilespmem:$0x8D20]  }
0x34e: {  	v0 =	vmul.f32 v0, v29;
	_ =	sdelay $0x1  }
0x34f: {  	v0 =	vmul.f32 v0, v10;
	_ =	sdelay $0x1  }
0x350: {  	v0 =	vadd.f32 v0, v11  }
0x351: {  	v12 =	vld [tilespmem:s18+$0x5A30]  }
0x352: {  	[tilespmem:s18+$0x1A20] =	vst v0  }
0x353: {  	v0 =	vld [tilespmem:$0x8530];
	_ =	sdelay $0x2  }
0x354: {  	v1 =	vadd.f32 v12, v20;
	_ =	sdelay $0x1  }
0x355: {  	v0 =	vadd.f32 v0, v1  }
0x356: {  	v14 =	vld [tilespmem:$0x8930]  }
0x357: {  	v0 =	vsub.f32 v0, v19  }
0x358: {  	v15 =	vld [tilespmem:$0x8D30]  }
0x359: {  	v0 =	vmul.f32 v0, v29;
	_ =	sdelay $0x1  }
0x35a: {  	v0 =	vmul.f32 v0, v14;
	_ =	sdelay $0x1  }
0x35b: {  	v0 =	vadd.f32 v0, v15  }
0x35c: {  	v17 =	vld [tilespmem:s18+$0x5A40]  }
0x35d: {  	[tilespmem:s18+$0x1A30] =	vst v0  }
0x35e: {  	v0 =	vld [tilespmem:$0x8540];
	_ =	sdelay $0x2  }
0x35f: {  	v1 =	vadd.f32 v17, v18;
	_ =	sdelay $0x1  }
0x360: {  	v0 =	vadd.f32 v0, v1  }
0x361: {  	v18 =	vld [tilespmem:$0x8940]  }
0x362: {  	v0 =	vsub.f32 v0, v19  }
0x363: {  	v20 =	vld [tilespmem:$0x8D40]  }
0x364: {  	v0 =	vmul.f32 v0, v29;
	_ =	sdelay $0x1  }
0x365: {  	v0 =	vmul.f32 v0, v18;
	_ =	sdelay $0x1  }
0x366: {  	v0 =	vadd.f32 v0, v20  }
0x367: {  	v21 =	vld [tilespmem:s18+$0x5A50]  }
0x368: {  	[tilespmem:s18+$0x1A40] =	vst v0  }
0x369: {  	v0 =	vld [tilespmem:$0x8550];
	_ =	sdelay $0x2  }
0x36a: {  	v1 =	vadd.f32 v21, v16;
	_ =	sdelay $0x1  }
0x36b: {  	v0 =	vadd.f32 v0, v1  }
0x36c: {  	v22 =	vld [tilespmem:$0x8950]  }
0x36d: {  	v0 =	vsub.f32 v0, v19  }
0x36e: {  	v23 =	vld [tilespmem:$0x8D50]  }
0x36f: {  	v0 =	vmul.f32 v0, v29;
	_ =	sdelay $0x1  }
0x370: {  	v0 =	vmul.f32 v0, v22;
	_ =	sdelay $0x1  }
0x371: {  	v0 =	vadd.f32 v0, v23  }
0x372: {  	v24 =	vld [tilespmem:s18+$0x5A60]  }
0x373: {  	[tilespmem:s18+$0x1A50] =	vst v0  }
0x374: {  	v0 =	vld [tilespmem:$0x8560];
	_ =	sdelay $0x2  }
0x375: {  	v1 =	vadd.f32 v24, v13;
	_ =	sdelay $0x1  }
0x376: {  	v0 =	vadd.f32 v0, v1  }
0x377: {  	v25 =	vld [tilespmem:$0x8960]  }
0x378: {  	v0 =	vsub.f32 v0, v19  }
0x379: {  	v26 =	vld [tilespmem:$0x8D60]  }
0x37a: {  	v0 =	vmul.f32 v0, v29;
	_ =	sdelay $0x1  }
0x37b: {  	v0 =	vmul.f32 v0, v25;
	_ =	sdelay $0x1  }
0x37c: {  	v0 =	vadd.f32 v0, v26  }
0x37d: {  	v27 =	vld [tilespmem:s18+$0x5A70]  }
0x37e: {  	[tilespmem:s18+$0x1A60] =	vst v0  }
0x37f: {  	v0 =	vld [tilespmem:$0x8570];
	_ =	sdelay $0x2  }
0x380: {  	v1 =	vadd.f32 v27, v7;
	_ =	sdelay $0x1  }
0x381: {  	v0 =	vadd.f32 v0, v1  }
0x382: {  	v28 =	vld [tilespmem:$0x8970]  }
0x383: {  	v0 =	vsub.f32 v0, v19  }
0x384: {  	v30 =	vld [tilespmem:$0x8D70]  }
0x385: {  	v0 =	vmul.f32 v0, v29;
	_ =	sdelay $0x1  }
0x386: {  	v0 =	vmul.f32 v0, v28;
	_ =	sdelay $0x1  }
0x387: {  	v0 =	vadd.f32 v0, v30;
	_ =	sdelay $0x1  }
0x388: {  	[tilespmem:s18+$0x1A70] =	vst v0  }
0x389: {  	v0 =	vld [tilespmem:s22+$0x200]  }
0x38a: {  	v31 =	vld [tilespmem:s22+$0x4200];
	_ =	sdelay $0x1  }
0x38b: {  	v32 =	vld [tilespmem:$0x8580];
	_ =	sdelay $0x2  }
0x38c: {  	v0 =	vadd.f32 v31, v0;
	_ =	sdelay $0x1  }
0x38d: {  	v0 =	vadd.f32 v32, v0  }
0x38e: {  	v33 =	vld [tilespmem:$0x8980]  }
0x38f: {  	v0 =	vsub.f32 v0, v19  }
0x390: {  	v34 =	vld [tilespmem:$0x8D80]  }
0x391: {  	v0 =	vmul.f32 v0, v29;
	_ =	sdelay $0x1  }
0x392: {  	v0 =	vmul.f32 v0, v33;
	_ =	sdelay $0x1  }
0x393: {  	v0 =	vadd.f32 v0, v34;
	_ =	sdelay $0x1  }
0x394: {  	[tilespmem:s22+$0x200] =	vst v0  }
0x395: {  	v0 =	vld [tilespmem:s21+$0x200]  }
0x396: {  	v35 =	vld [tilespmem:s21+$0x4200];
	_ =	sdelay $0x1  }
0x397: {  	v36 =	vld [tilespmem:$0x8590];
	_ =	sdelay $0x2  }
0x398: {  	v0 =	vadd.f32 v35, v0;
	_ =	sdelay $0x1  }
0x399: {  	v0 =	vadd.f32 v36, v0  }
0x39a: {  	v37 =	vld [tilespmem:$0x8990]  }
0x39b: {  	v0 =	vsub.f32 v0, v19  }
0x39c: {  	v38 =	vld [tilespmem:$0x8D90]  }
0x39d: {  	v0 =	vmul.f32 v0, v29;
	_ =	sdelay $0x1  }
0x39e: {  	v0 =	vmul.f32 v0, v37;
	_ =	sdelay $0x1  }
0x39f: {  	v0 =	vadd.f32 v0, v38;
	_ =	sdelay $0x1  }
0x3a0: {  	[tilespmem:s21+$0x200] =	vst v0  }
0x3a1: {  	v0 =	vld [tilespmem:s7+$0x200]  }
0x3a2: {  	v39 =	vld [tilespmem:s7+$0x4200];
	_ =	sdelay $0x1  }
0x3a3: {  	v40 =	vld [tilespmem:$0x85A0];
	_ =	sdelay $0x2  }
0x3a4: {  	v0 =	vadd.f32 v39, v0;
	_ =	sdelay $0x1  }
0x3a5: {  	v0 =	vadd.f32 v40, v0  }
0x3a6: {  	v41 =	vld [tilespmem:$0x89A0]  }
0x3a7: {  	v0 =	vsub.f32 v0, v19  }
0x3a8: {  	v43 =	vld [tilespmem:$0x8DA0]  }
0x3a9: {  	v0 =	vmul.f32 v0, v29;
	_ =	sdelay $0x1  }
0x3aa: {  	v0 =	vmul.f32 v0, v41;
	_ =	sdelay $0x1  }
0x3ab: {  	v0 =	vadd.f32 v0, v43;
	_ =	sdelay $0x1  }
0x3ac: {  	[tilespmem:s7+$0x200] =	vst v0  }
0x3ad: {  	v0 =	vld [tilespmem:s1+$0x200]  }
0x3ae: {  	v44 =	vld [tilespmem:s1+$0x4200];
	_ =	sdelay $0x1  }
0x3af: {  	v45 =	vld [tilespmem:$0x85B0];
	_ =	sdelay $0x2  }
0x3b0: {  	v0 =	vadd.f32 v44, v0;
	_ =	sdelay $0x1  }
0x3b1: {  	v0 =	vadd.f32 v45, v0  }
0x3b2: {  	v46 =	vld [tilespmem:$0x89B0]  }
0x3b3: {  	v0 =	vsub.f32 v0, v19  }
0x3b4: {  	v47 =	vld [tilespmem:$0x8DB0]  }
0x3b5: {  	v0 =	vmul.f32 v0, v29;
	_ =	sdelay $0x1  }
0x3b6: {  	v0 =	vmul.f32 v0, v46;
	_ =	sdelay $0x1  }
0x3b7: {  	v0 =	vadd.f32 v0, v47;
	_ =	sdelay $0x1  }
0x3b8: {  	[tilespmem:s1+$0x200] =	vst v0  }
0x3b9: {  	v0 =	vld [tilespmem:s31+$0x200]  }
0x3ba: {  	v48 =	vld [tilespmem:s31+$0x4200];
	_ =	sdelay $0x1  }
0x3bb: {  	v49 =	vld [tilespmem:$0x85C0];
	_ =	sdelay $0x2  }
0x3bc: {  	v0 =	vadd.f32 v48, v0;
	_ =	sdelay $0x1  }
0x3bd: {  	v0 =	vadd.f32 v49, v0  }
0x3be: {  	v50 =	vld [tilespmem:$0x89C0]  }
0x3bf: {  	v0 =	vsub.f32 v0, v19  }
0x3c0: {  	v51 =	vld [tilespmem:$0x8DC0]  }
0x3c1: {  	v0 =	vmul.f32 v0, v29;
	_ =	sdelay $0x1  }
0x3c2: {  	v0 =	vmul.f32 v0, v50;
	_ =	sdelay $0x1  }
0x3c3: {  	v0 =	vadd.f32 v0, v51;
	_ =	sdelay $0x1  }
0x3c4: {  	[tilespmem:s31+$0x200] =	vst v0  }
0x3c5: {  	v0 =	vld [tilespmem:s15+$0x200]  }
0x3c6: {  	v52 =	vld [tilespmem:s15+$0x4200];
	_ =	sdelay $0x1  }
0x3c7: {  	v53 =	vld [tilespmem:$0x85D0];
	_ =	sdelay $0x2  }
0x3c8: {  	v0 =	vadd.f32 v52, v0;
	_ =	sdelay $0x1  }
0x3c9: {  	v0 =	vadd.f32 v53, v0  }
0x3ca: {  	v54 =	vld [tilespmem:$0x89D0]  }
0x3cb: {  	v0 =	vsub.f32 v0, v19  }
0x3cc: {  	v55 =	vld [tilespmem:$0x8DD0]  }
0x3cd: {  	v0 =	vmul.f32 v0, v29;
	_ =	sdelay $0x1  }
0x3ce: {  	v0 =	vmul.f32 v0, v54;
	_ =	sdelay $0x1  }
0x3cf: {  	v0 =	vadd.f32 v0, v55;
	_ =	sdelay $0x1  }
0x3d0: {  	[tilespmem:s15+$0x200] =	vst v0  }
0x3d1: {  	v0 =	vld [tilespmem:s11+$0x200]  }
0x3d2: {  	v56 =	vld [tilespmem:s11+$0x4200];
	_ =	sdelay $0x1  }
0x3d3: {  	v57 =	vld [tilespmem:$0x85E0];
	_ =	sdelay $0x2  }
0x3d4: {  	v0 =	vadd.f32 v56, v0;
	_ =	sdelay $0x1  }
0x3d5: {  	v0 =	vadd.f32 v57, v0  }
0x3d6: {  	v58 =	vld [tilespmem:$0x89E0]  }
0x3d7: {  	v0 =	vsub.f32 v0, v19  }
0x3d8: {  	v59 =	vld [tilespmem:$0x8DE0]  }
0x3d9: {  	v0 =	vmul.f32 v0, v29;
	_ =	sdelay $0x1  }
0x3da: {  	v0 =	vmul.f32 v0, v58;
	_ =	sdelay $0x1  }
0x3db: {  	v0 =	vadd.f32 v0, v59;
	_ =	sdelay $0x1  }
0x3dc: {  	[tilespmem:s11+$0x200] =	vst v0  }
0x3dd: {  	v0 =	vld [tilespmem:s19+$0x200]  }
0x3de: {  	v60 =	vld [tilespmem:s19+$0x4200];
	_ =	sdelay $0x1  }
0x3df: {  	v61 =	vld [tilespmem:$0x85F0];
	_ =	sdelay $0x2  }
0x3e0: {  	v0 =	vadd.f32 v60, v0;
	_ =	sdelay $0x1  }
0x3e1: {  	v0 =	vadd.f32 v61, v0  }
0x3e2: {  	v62 =	vld [tilespmem:$0x89F0]  }
0x3e3: {  	v0 =	vsub.f32 v0, v19  }
0x3e4: {  	v63 =	vld [tilespmem:$0x8DF0]  }
0x3e5: {  	v0 =	vmul.f32 v0, v29  }
0x3e6: {  	p0 =	sne.s32 s17, $0x780  }
.Ltmp0:
0x3e7: {  	v0 =	vmul.f32 v0, v62;
	(pc) =	sbr.rel @p0 .LBB2_3-.Ltmp0, $4  }
0x3e8: {  	_ = 	snop  }
0x3e9: {  	v0 =	vadd.f32 v0, v63  }
0x3ea: {  	s2 =	sadd.s32 $0x1, s2  }
0x3eb: {  	s3 =	sadd.s32 $0x400, s3;
	s17 =	sadd.s32 $0x80, s17;
	s4 =	sadd.s32 $0x400, s4;
	[tilespmem:s19+$0x200] =	vst v0  }
0x3ec: {  	s1 =	sadd.s32 s9, s5;
	s6 =	sadd.s32 $0x1, s6  }
0x3ed: {  	s2 =	rddreg [dreg:$0x6];
	s1 =	sshll.u32 s1, $0x7;
	p0 =	sne.s32 s6, $0x20  }
.Ltmp1:
0x3ee: {  	s1 =	sadd.s32 s2, s1;
	(pc) =	sbr.rel @p0 .LBB2_2-.Ltmp1, $4  }
0x3ef: {  	[hbm4b:s1+s8] =	stream.linear.scatter [tilespmem:s20], [sflag:$0x2], $0x4000, $0x38;
	[tilespmem:$0x8E00] =	vst v63  }
0x3f0: {  	_ =	swait.ge [sflag:s16], $0x4000  }
0x3f1: {  	[sflag:s16] =	ssyncset.done $0x0  }
0x3f2: {  	[sflag:s16] =	ssyncadd.s32 $0xFFFFC000  }
0x3f3: {  	s2 =	rddreg [dreg:$0xa]  }
0x3f4: {  	s1 =	rddreg [dreg:$0x9];
	s2 =	sadd.s32 $0x1, s2  }
0x3f5: {  	p0 =	sne.s32 s2, s1  }
.Ltmp2:
0x3f6: {  	_ = 	snop;
	(pc) =	sbr.rel @p0 .LBB2_1-.Ltmp2, $1  }
0x3f7: {  	_ =	sdelay $0x3  }
0x3f8: {  	_ =	sfence.sel $0x180000  }
0x3f9: {  	[bflag:$0x0] =	sbarrier.arrive $0xFFFF  }
0x3fa: {  	_ =	strace $0x90000047  }
0x3fb: {  	s0 =	stileid.u32;
	[bflag:$0x2] =	sbarrier.arrive $0xFFFF  }
0x3fc: {  	p0 =	sne.s32 s0, $0x0;
	s0 =	rddreg [dreg:$0x7]  }
0x3fd: {  	s0 =	sadd.s32 @!p0 $0x100000, s0  }
0x3fe: {  	[sflag:s0] =	ssyncadd.tile.s32 @!p0 $0x1;
	_ =	shalt  }
.Lfunc_end2:
_tile_overlayer_lowered:
.L_overlay_start_2:
0x3ff: {  	(tag) =	ssettag $0x2  }
0x400: {  	s0 =	rddreg [dreg:$0x0];
	s2 =	stileid.u32  }
0x401: {  	s1 =	rddreg [dreg:$0x1];
	p0 =	sne.s32 s2, $0x0  }
0x402: {  	s3 =	rddreg [dreg:$0x2];
	[bflag:$0x3] =	sbarrier.arrive $0xFFFF;
	s2 =	simm.s32 @!p0 $0x1C02  }
0x403: {  	[timem:s3], [sflag:s2] =	dma.local @!p0 [hbm:s0], s1  }
0x404: {  	s0 =	simm.s32 @!p0 $0x2  }
0x405: {  	_ =	swait.ge @!p0 [sflag:s0], s1  }
0x406: {  	s1 =	ssub.s32 @!p0 $0x0, s1;
	[sflag:s0] =	ssyncset.done @!p0 $0x0  }
0x407: {  	[sflag:s0] =	ssyncadd.s32 @!p0 s1  }
0x408: {  	[bflag:$0x3] =	sbarrier.arrive $0xFFFF  }
0x409: {  	_ =	shalt  }

</sc_bundles>
